<compile_context>
chip_gen: v7x
topology: tpu7x:2x2x1
jax: 0.10.2.dev20260603
libtpu: 0.0.44.dev20260713+nightly
codegen_flags: <defaults>
</compile_context>

<pallas_src>
import functools

import jax
import jax.numpy as jnp
from jax import lax
from jax.experimental import pallas as pl
from jax.experimental.pallas import tpu as pltpu
from jax.experimental.pallas import tpu_sc as plsc

_VOCAB = 10
_EMB = 20
_QPR = 50
_KROW = 128


def _quad_table_body(table_ref, w_ref, b_ref, t4_ref):
    t = (
        lax.dot_general(
            table_ref[...], w_ref[...],
            dimension_numbers=(((1,), (1,)), ((), ())),
            preferred_element_type=jnp.float32,
            precision=lax.Precision.HIGHEST,
        )
        + b_ref[...]
    )
    v = _VOCAB
    left = jnp.broadcast_to(t[:, None, :], (v, v, _EMB)).reshape(v * v, _EMB)
    right = jnp.broadcast_to(t[None, :, :], (v, v, _EMB)).reshape(v * v, _EMB)
    t2 = jnp.concatenate([left, right], axis=1)
    p = v * v
    left4 = jnp.broadcast_to(t2[:, None, :], (p, p, 2 * _EMB)).reshape(p * p, 2 * _EMB)
    right4 = jnp.broadcast_to(t2[None, :, :], (p, p, 2 * _EMB)).reshape(p * p, 2 * _EMB)
    t4_ref[...] = jnp.concatenate([left4, right4], axis=1)


def _quad_table(table, W, b):
    V, E = table.shape
    return pl.pallas_call(
        _quad_table_body,
        out_shape=jax.ShapeDtypeStruct((V**4, 4 * E), jnp.float32),
    )(table, W, b.reshape(1, E))


def _keys_body(x_ref, k_ref):
    bm, L = x_ref.shape
    xf = x_ref[...].astype(jnp.float32)
    d = lax.broadcasted_iota(jnp.int32, (L, _QPR), 0)
    q = lax.broadcasted_iota(jnp.int32, (L, _QPR), 1)
    pa = jnp.where(d == 4 * q, 10.0, 0.0) + jnp.where(d == 4 * q + 1, 1.0, 0.0)
    pb = jnp.where(d == 4 * q + 2, 10.0, 0.0) + jnp.where(d == 4 * q + 3, 1.0, 0.0)
    ka = lax.dot_general(xf, pa, (((1,), (0,)), ((), ())),
                         preferred_element_type=jnp.float32,
                         precision=lax.Precision.HIGHEST)
    kb = lax.dot_general(xf, pb, (((1,), (0,)), ((), ())),
                         preferred_element_type=jnp.float32,
                         precision=lax.Precision.HIGHEST)
    k = ka.astype(jnp.int32) * 100 + kb.astype(jnp.int32)
    k_ref[...] = jnp.concatenate(
        [k, jnp.zeros((bm, _KROW - _QPR), jnp.int32)], axis=1)


def _quad_keys(x):
    B, L = x.shape
    BM = 512
    return pl.pallas_call(
        _keys_body,
        out_shape=jax.ShapeDtypeStruct((B, _KROW), jnp.int32),
        grid=(B // BM,),
        in_specs=[pl.BlockSpec((BM, L), lambda i: (i, 0))],
        out_specs=pl.BlockSpec((BM, _KROW), lambda i: (i, 0)),
    )(x)


_BQ = 200
_GROUP = 2


_GROWS = 8
_QPAD = 56
_GQP = _GROWS * _QPAD


def _sc_gather(T4, keys):
    B = keys.shape[0] // _KROW
    D = T4.shape[1]
    info = plsc.get_sparse_core_info()
    NC, NS = info.num_cores, info.num_subcores
    NW = NC * NS
    rows_per_worker = B // NW
    n_iter = rows_per_worker // (2 * _GROWS)

    mesh = plsc.VectorSubcoreMesh(core_axis_name="c", subcore_axis_name="s")

    @functools.partial(
        pl.kernel,
        out_type=jax.ShapeDtypeStruct((B, _QPR, D), jnp.float32),
        mesh=mesh,
        scratch_types=[
            pltpu.VMEM((_GROWS * _KROW,), jnp.int32),
            pltpu.VMEM((_GROWS * _KROW,), jnp.int32),
            pltpu.VMEM((_GQP,), jnp.int32),
            pltpu.VMEM((_GQP,), jnp.int32),
            pltpu.VMEM((2, _GQP, D), jnp.float32),
            pltpu.SemaphoreType.DMA,
            pltpu.SemaphoreType.DMA,
            pltpu.SemaphoreType.DMA,
            pltpu.SemaphoreType.DMA,
        ],
        compiler_params=pltpu.CompilerParams(
            use_tc_tiling_on_sc=False, needs_layout_passes=False),
    )
    def k(t4_hbm, k_hbm, out_hbm, ka_v, kb_v, kfa_v, kfb_v, rows_v,
          sga, sgb, swa, swb):
        wid = lax.axis_index("s") * NC + lax.axis_index("c")
        base = wid * rows_per_worker

        def stage_and_gather(g, r0, sem):
            keys_v = (ka_v, kb_v)[g]
            kflat_v = (kfa_v, kfb_v)[g]
            pltpu.sync_copy(k_hbm.at[pl.ds(r0 * _KROW, _GROWS * _KROW)],
                            keys_v)
            for c in range(_GQP // 16):
                p = c * 16 + lax.iota(jnp.int32, 16)
                j = lax.shift_right_logical(p * 1171, 16)
                vals = plsc.load_gather(keys_v, [p + j * (_KROW - _QPAD)])
                kflat_v[pl.ds(c * 16, 16)] = vals
            return [
                pltpu.async_copy(
                    t4_hbm.at[kflat_v.at[pl.ds(c * 112, 112)]],
                    rows_v.at[g, pl.ds(c * 112, 112)], sem)
                for c in range(_GQP // 112)
            ]

        def drain_write(g, sem):
            pltpu.make_async_copy(
                out_hbm.at[pl.ds(0, _GROWS)],
                rows_v.at[g, pl.ds(0, _GROWS * _QPR)], sem).wait()

        def write_out(g, r0, sem):
            for j in range(_GROWS):
                pltpu.async_copy(rows_v.at[g, pl.ds(j * _QPAD, _QPR)],
                                 out_hbm.at[r0 + j], sem)

        def body(s, _):
            ra = base + s * 2 * _GROWS
            rb = ra + _GROWS

            @pl.when(s > 0)
            def _():
                drain_write(0, swa)
            ga = stage_and_gather(0, ra, sga)

            @pl.when(s > 0)
            def _():
                drain_write(1, swb)
            gb = stage_and_gather(1, rb, sgb)

            for c in ga:
                c.wait()
            write_out(0, ra, swa)
            for c in gb:
                c.wait()
            write_out(1, rb, swb)
            return ()

        lax.fori_loop(0, n_iter, body, ())
        drain_write(0, swa)
        drain_write(1, swb)

    return k(T4, keys)


def kernel(x, table, W, b):
    B, L = x.shape
    T4 = _quad_table(table, W, b)
    keys = _quad_keys(x).reshape(-1)
    out = _sc_gather(T4, keys)
    return out.reshape(B, L, _EMB)

# --- scband reference (transcript-rebuilt; emitter-appended) ---
"""Pipeline reference for scband-embedding-module-6640019440411 (READ-ONLY COPY).

The authoritative reference and input builder live on the scoring server;
editing this copy changes nothing except your own understanding.
"""

import jax, jax.numpy as jnp
import numpy as np

VOCAB = 10
EMB = 20

def setup_inputs(seed: int = 0) -> dict:
    key = jax.random.key(seed)
    k1, k2, k3, k4 = jax.random.split(key, 4)
    x = jax.random.randint(k1, (16384, 200), 0, VOCAB, dtype=jnp.int64 if jax.config.read('jax_enable_x64') else jnp.int32)
    table = jax.random.normal(k2, (VOCAB, EMB), dtype=jnp.float32)
    # torch Linear default init: uniform(-1/sqrt(fan_in), 1/sqrt(fan_in))
    bound = 1.0 / np.sqrt(EMB)
    W = jax.random.uniform(k3, (EMB, EMB), minval=-bound, maxval=bound, dtype=jnp.float32)
    b = jax.random.uniform(k4, (EMB,), minval=-bound, maxval=bound, dtype=jnp.float32)
    return {"x": x, "table": table, "W": W, "b": b}

def reference(x, table, W, b):
    # embedding lookup (gather)
    emb = jnp.take(table, x, axis=0)  # [B, L, EMB]
    # linear: emb @ W^T + b (torch convention)
    out = jnp.einsum('bld,ed->ble', emb, W) + b
    return out

if __name__ == "__main__":
    import jax
    _d = setup_inputs()
    print(jax.jit(kernel)(*tuple(_d.values())))

</pallas_src>

<mosaic_0001>
#map = affine_map<(d0, d1) -> (0, 0)>
#map1 = affine_map<(d0, d1) -> (0)>
#map2 = affine_map<(d0, d1) -> (0, 0, 0)>
module attributes {stable_mosaic.version = 14 : i64} {
  func.func @k(%arg0: i32, %arg1: i32, %arg2: memref<10000x80xf32, #tpu.memory_space<hbm>>, %arg3: memref<2097152xi32, #tpu.memory_space<hbm>>, %arg4: memref<16384x50x80xf32, #tpu.memory_space<hbm>>, %arg5: memref<1024xi32, #tpu.memory_space<vmem>>, %arg6: memref<1024xi32, #tpu.memory_space<vmem>>, %arg7: memref<448xi32, #tpu.memory_space<vmem>>, %arg8: memref<448xi32, #tpu.memory_space<vmem>>, %arg9: memref<2x448x80xf32, #tpu.memory_space<vmem>>, %arg10: memref<!tpu.dma_semaphore, #tpu.memory_space<semaphore_mem>>, %arg11: memref<!tpu.dma_semaphore, #tpu.memory_space<semaphore_mem>>, %arg12: memref<!tpu.dma_semaphore, #tpu.memory_space<semaphore_mem>>, %arg13: memref<!tpu.dma_semaphore, #tpu.memory_space<semaphore_mem>>) attributes {dimension_semantics = [#tpu.dimension_semantics<core_parallel>, #tpu.dimension_semantics<subcore_parallel>], iteration_bounds = array<i64: 2, 16>, scalar_prefetch = 0 : i64, scratch_operands = 9 : i64, tpu.core_type = #tpu.core_type<sc_vector_subcore>, window_params = [{transform_indices = #map}, {transform_indices = #map1}, {transform_indices = #map2}]} {
    %mul3A = arith.constant 2 : i32
    %mul3A_0 = arith.muli %arg1, %mul3A : i32
    %add3A = arith.addi %mul3A_0, %arg0 : i32
    %mul3A_1 = arith.constant 512 : i32
    %mul3A_2 = arith.muli %add3A, %mul3A_1 : i32
    %scan3A = arith.constant 0 : i32
    %scan3A_3 = arith.constant 32 : i32
    %scan3A_4 = arith.addi %scan3A, %scan3A_3 : i32
    %scan3A_5 = arith.constant 1 : i32
    scf.for %scan3A_40 = %scan3A to %scan3A_4 step %scan3A_5  : i32 {
      %mul3A_41 = arith.constant 2 : i32
      %mul3A_42 = arith.muli %scan3A_40, %mul3A_41 : i32
      %mul3A_43 = arith.constant 8 : i32
      %mul3A_44 = arith.muli %mul3A_42, %mul3A_43 : i32
      %add3A_45 = arith.addi %mul3A_2, %mul3A_44 : i32
      %add3A_46 = arith.constant 8 : i32
      %add3A_47 = arith.addi %add3A_45, %add3A_46 : i32
      %gt3A = arith.constant 0 : i32
      %gt3A_48 = arith.cmpi sgt, %scan3A_40, %gt3A : i32
      %convert_element_type3A = arith.extui %gt3A_48 : i1 to i32
      %cond3A = arith.constant 0 : i32
      %cond3A_49 = arith.cmpi ne, %convert_element_type3A, %cond3A : i32
      scf.if %cond3A_49 {
        %dma_wait3A_1470 = arith.constant 0 : i32
        %dma_wait3A_1471 = arith.constant 0 : i32
        %dma_wait3A_1472 = arith.constant 0 : i32
        %dma_wait3A_1473 = tpu.memref_slice %arg9[%dma_wait3A_1470, %dma_wait3A_1471, %dma_wait3A_1472] : memref<2x448x80xf32, #tpu.memory_space<vmem>> -> memref<1x400x80xf32, #tpu.memory_space<vmem>>
        %dma_wait3A_1474 = tpu.memref_squeeze %dma_wait3A_1473 : memref<1x400x80xf32, #tpu.memory_space<vmem>> -> memref<400x80xf32, #tpu.memory_space<vmem>>
        %dma_wait3A_1475 = arith.constant 0 : i32
        %dma_wait3A_1476 = arith.constant 0 : i32
        %dma_wait3A_1477 = arith.constant 0 : i32
        %dma_wait3A_1478 = tpu.memref_slice %arg4[%dma_wait3A_1475, %dma_wait3A_1476, %dma_wait3A_1477] : memref<16384x50x80xf32, #tpu.memory_space<hbm>> -> memref<8x50x80xf32, #tpu.memory_space<hbm>>
        %dma_wait3A_1479 = arith.constant 0 : i32
        %dma_wait3A_1480 = arith.constant 0 : i32
        %dma_wait3A_1481 = tpu.memref_slice %arg9[%dma_wait3A_1470, %dma_wait3A_1479, %dma_wait3A_1480] : memref<2x448x80xf32, #tpu.memory_space<vmem>> -> memref<1x400x80xf32, #tpu.memory_space<vmem>>
        %dma_wait3A_1482 = tpu.memref_squeeze %dma_wait3A_1481 : memref<1x400x80xf32, #tpu.memory_space<vmem>> -> memref<400x80xf32, #tpu.memory_space<vmem>>
        %dma_wait3A_1483 = arith.constant 0 : i32
        %dma_wait3A_1484 = arith.constant 0 : i32
        %dma_wait3A_1485 = arith.constant 0 : i32
        %dma_wait3A_1486 = tpu.memref_slice %arg4[%dma_wait3A_1483, %dma_wait3A_1484, %dma_wait3A_1485] : memref<16384x50x80xf32, #tpu.memory_space<hbm>> -> memref<8x50x80xf32, #tpu.memory_space<hbm>>
        tpu.wait_dma2 semaphore(%arg12 : memref<!tpu.dma_semaphore, #tpu.memory_space<semaphore_mem>>) src(%dma_wait3A_1486 : memref<8x50x80xf32, #tpu.memory_space<hbm>>) dst(%dma_wait3A_1482 : memref<400x80xf32, #tpu.memory_space<vmem>>)
      } else {
      }
      %mul3A_50 = arith.constant 128 : i32
      %mul3A_51 = arith.muli %add3A_45, %mul3A_50 : i32
      "tpu.region"() ({
        %run_scoped3A = tpu.sem_alloc : memref<!tpu.dma_semaphore, #tpu.memory_space<semaphore_mem>>
        %dma_start3A_1470 = tpu.memref_slice %arg3[%mul3A_51] : memref<2097152xi32, #tpu.memory_space<hbm>> -> memref<1024xi32, #tpu.memory_space<hbm>>
        %dma_start3A_1471 = tpu.memref_slice %arg3[%mul3A_51] : memref<2097152xi32, #tpu.memory_space<hbm>> -> memref<1024xi32, #tpu.memory_space<hbm>>
        tpu.enqueue_dma source(%dma_start3A_1471 : memref<1024xi32, #tpu.memory_space<hbm>>) target(%arg5 : memref<1024xi32, #tpu.memory_space<vmem>>) target_semaphore(%run_scoped3A : memref<!tpu.dma_semaphore, #tpu.memory_space<semaphore_mem>>)
        %dma_wait3A_1472 = tpu.memref_slice %arg3[%mul3A_51] : memref<2097152xi32, #tpu.memory_space<hbm>> -> memref<1024xi32, #tpu.memory_space<hbm>>
        %dma_wait3A_1473 = tpu.memref_slice %arg3[%mul3A_51] : memref<2097152xi32, #tpu.memory_space<hbm>> -> memref<1024xi32, #tpu.memory_space<hbm>>
        tpu.wait_dma2 semaphore(%run_scoped3A : memref<!tpu.dma_semaphore, #tpu.memory_space<semaphore_mem>>) src(%dma_wait3A_1473 : memref<1024xi32, #tpu.memory_space<hbm>>) dst(%arg5 : memref<1024xi32, #tpu.memory_space<vmem>>)
        tpu.yield
      }) : () -> ()
      %iota3A = tpu.iota {dimensions = array<i32: 0>} : vector<16xi32>
      %add3A_52 = arith.constant 0 : i32
      %add3A_53 = vector.broadcast %add3A_52 : i32 to vector<16xi32>
      %add3A_54 = arith.addi %add3A_53, %iota3A : vector<16xi32>
      %mul3A_55 = arith.constant 1171 : i32
      %mul3A_56 = vector.broadcast %mul3A_55 : i32 to vector<16xi32>
      %mul3A_57 = arith.muli %add3A_54, %mul3A_56 : vector<16xi32>
      %shift_right_logical3A = arith.constant 16 : i32
      %shift_right_logical3A_58 = vector.broadcast %shift_right_logical3A : i32 to vector<16xi32>
      %shift_right_logical3A_59 = arith.shrui %mul3A_57, %shift_right_logical3A_58 : vector<16xi32>
      %mul3A_60 = arith.constant 72 : i32
      %mul3A_61 = vector.broadcast %mul3A_60 : i32 to vector<16xi32>
      %mul3A_62 = arith.muli %shift_right_logical3A_59, %mul3A_61 : vector<16xi32>
      %add3A_63 = arith.addi %add3A_54, %mul3A_62 : vector<16xi32>
      %gather3A = tpu.vector_load_idx %arg5[%add3A_63] : memref<1024xi32, #tpu.memory_space<vmem>>[vector<16xi32>], vector<16xi32>,
      %swap3A = arith.constant 0 : index
      %swap3A_64 = tpu.vector_load %arg7[%swap3A] {strides = array<i32>} : memref<448xi32, #tpu.memory_space<vmem>>, vector<16xi32>,
      tpu.vector_store %arg7[%swap3A], %gather3A {strides = array<i32>} : memref<448xi32, #tpu.memory_space<vmem>>, vector<16xi32>,
      %iota3A_65 = tpu.iota {dimensions = array<i32: 0>} : vector<16xi32>
      %add3A_66 = arith.constant 16 : i32
      %add3A_67 = vector.broadcast %add3A_66 : i32 to vector<16xi32>
      %add3A_68 = arith.addi %add3A_67, %iota3A_65 : vector<16xi32>
      %mul3A_69 = arith.constant 1171 : i32
      %mul3A_70 = vector.broadcast %mul3A_69 : i32 to vector<16xi32>
      %mul3A_71 = arith.muli %add3A_68, %mul3A_70 : vector<16xi32>
      %shift_right_logical3A_72 = arith.constant 16 : i32
      %shift_right_logical3A_73 = vector.broadcast %shift_right_logical3A_72 : i32 to vector<16xi32>
      %shift_right_logical3A_74 = arith.shrui %mul3A_71, %shift_right_logical3A_73 : vector<16xi32>
      %mul3A_75 = arith.constant 72 : i32
      %mul3A_76 = vector.broadcast %mul3A_75 : i32 to vector<16xi32>
      %mul3A_77 = arith.muli %shift_right_logical3A_74, %mul3A_76 : vector<16xi32>
      %add3A_78 = arith.addi %add3A_68, %mul3A_77 : vector<16xi32>
      %gather3A_79 = tpu.vector_load_idx %arg5[%add3A_78] : memref<1024xi32, #tpu.memory_space<vmem>>[vector<16xi32>], vector<16xi32>,
      %swap3A_80 = arith.constant 16 : index
      %swap3A_81 = tpu.vector_load %arg7[%swap3A_80] {strides = array<i32>} : memref<448xi32, #tpu.memory_space<vmem>>, vector<16xi32>,
      tpu.vector_store %arg7[%swap3A_80], %gather3A_79 {strides = array<i32>} : memref<448xi32, #tpu.memory_space<vmem>>, vector<16xi32>,
      %iota3A_82 = tpu.iota {dimensions = array<i32: 0>} : vector<16xi32>
      %add3A_83 = arith.constant 32 : i32
      %add3A_84 = vector.broadcast %add3A_83 : i32 to vector<16xi32>
      %add3A_85 = arith.addi %add3A_84, %iota3A_82 : vector<16xi32>
      %mul3A_86 = arith.constant 1171 : i32
      %mul3A_87 = vector.broadcast %mul3A_86 : i32 to vector<16xi32>
      %mul3A_88 = arith.muli %add3A_85, %mul3A_87 : vector<16xi32>
      %shift_right_logical3A_89 = arith.constant 16 : i32
      %shift_right_logical3A_90 = vector.broadcast %shift_right_logical3A_89 : i32 to vector<16xi32>
      %shift_right_logical3A_91 = arith.shrui %mul3A_88, %shift_right_logical3A_90 : vector<16xi32>
      %mul3A_92 = arith.constant 72 : i32
      %mul3A_93 = vector.broadcast %mul3A_92 : i32 to vector<16xi32>
      %mul3A_94 = arith.muli %shift_right_logical3A_91, %mul3A_93 : vector<16xi32>
      %add3A_95 = arith.addi %add3A_85, %mul3A_94 : vector<16xi32>
      %gather3A_96 = tpu.vector_load_idx %arg5[%add3A_95] : memref<1024xi32, #tpu.memory_space<vmem>>[vector<16xi32>], vector<16xi32>,
      %swap3A_97 = arith.constant 32 : index
      %swap3A_98 = tpu.vector_load %arg7[%swap3A_97] {strides = array<i32>} : memref<448xi32, #tpu.memory_space<vmem>>, vector<16xi32>,
      tpu.vector_store %arg7[%swap3A_97], %gather3A_96 {strides = array<i32>} : memref<448xi32, #tpu.memory_space<vmem>>, vector<16xi32>,
      %iota3A_99 = tpu.iota {dimensions = array<i32: 0>} : vector<16xi32>
      %add3A_100 = arith.constant 48 : i32
      %add3A_101 = vector.broadcast %add3A_100 : i32 to vector<16xi32>
      %add3A_102 = arith.addi %add3A_101, %iota3A_99 : vector<16xi32>
      %mul3A_103 = arith.constant 1171 : i32
      %mul3A_104 = vector.broadcast %mul3A_103 : i32 to vector<16xi32>
      %mul3A_105 = arith.muli %add3A_102, %mul3A_104 : vector<16xi32>
      %shift_right_logical3A_106 = arith.constant 16 : i32
      %shift_right_logical3A_107 = vector.broadcast %shift_right_logical3A_106 : i32 to vector<16xi32>
      %shift_right_logical3A_108 = arith.shrui %mul3A_105, %shift_right_logical3A_107 : vector<16xi32>
      %mul3A_109 = arith.constant 72 : i32
      %mul3A_110 = vector.broadcast %mul3A_109 : i32 to vector<16xi32>
      %mul3A_111 = arith.muli %shift_right_logical3A_108, %mul3A_110 : vector<16xi32>
      %add3A_112 = arith.addi %add3A_102, %mul3A_111 : vector<16xi32>
      %gather3A_113 = tpu.vector_load_idx %arg5[%add3A_112] : memref<1024xi32, #tpu.memory_space<vmem>>[vector<16xi32>], vector<16xi32>,
      %swap3A_114 = arith.constant 48 : index
      %swap3A_115 = tpu.vector_load %arg7[%swap3A_114] {strides = array<i32>} : memref<448xi32, #tpu.memory_space<vmem>>, vector<16xi32>,
      tpu.vector_store %arg7[%swap3A_114], %gather3A_113 {strides = array<i32>} : memref<448xi32, #tpu.memory_space<vmem>>, vector<16xi32>,
      %iota3A_116 = tpu.iota {dimensions = array<i32: 0>} : vector<16xi32>
      %add3A_117 = arith.constant 64 : i32
      %add3A_118 = vector.broadcast %add3A_117 : i32 to vector<16xi32>
      %add3A_119 = arith.addi %add3A_118, %iota3A_116 : vector<16xi32>
      %mul3A_120 = arith.constant 1171 : i32
      %mul3A_121 = vector.broadcast %mul3A_120 : i32 to vector<16xi32>
      %mul3A_122 = arith.muli %add3A_119, %mul3A_121 : vector<16xi32>
      %shift_right_logical3A_123 = arith.constant 16 : i32
      %shift_right_logical3A_124 = vector.broadcast %shift_right_logical3A_123 : i32 to vector<16xi32>
      %shift_right_logical3A_125 = arith.shrui %mul3A_122, %shift_right_logical3A_124 : vector<16xi32>
      %mul3A_126 = arith.constant 72 : i32
      %mul3A_127 = vector.broadcast %mul3A_126 : i32 to vector<16xi32>
      %mul3A_128 = arith.muli %shift_right_logical3A_125, %mul3A_127 : vector<16xi32>
      %add3A_129 = arith.addi %add3A_119, %mul3A_128 : vector<16xi32>
      %gather3A_130 = tpu.vector_load_idx %arg5[%add3A_129] : memref<1024xi32, #tpu.memory_space<vmem>>[vector<16xi32>], vector<16xi32>,
      %swap3A_131 = arith.constant 64 : index
      %swap3A_132 = tpu.vector_load %arg7[%swap3A_131] {strides = array<i32>} : memref<448xi32, #tpu.memory_space<vmem>>, vector<16xi32>,
      tpu.vector_store %arg7[%swap3A_131], %gather3A_130 {strides = array<i32>} : memref<448xi32, #tpu.memory_space<vmem>>, vector<16xi32>,
      %iota3A_133 = tpu.iota {dimensions = array<i32: 0>} : vector<16xi32>
      %add3A_134 = arith.constant 80 : i32
      %add3A_135 = vector.broadcast %add3A_134 : i32 to vector<16xi32>
      %add3A_136 = arith.addi %add3A_135, %iota3A_133 : vector<16xi32>
      %mul3A_137 = arith.constant 1171 : i32
      %mul3A_138 = vector.broadcast %mul3A_137 : i32 to vector<16xi32>
      %mul3A_139 = arith.muli %add3A_136, %mul3A_138 : vector<16xi32>
      %shift_right_logical3A_140 = arith.constant 16 : i32
      %shift_right_logical3A_141 = vector.broadcast %shift_right_logical3A_140 : i32 to vector<16xi32>
      %shift_right_logical3A_142 = arith.shrui %mul3A_139, %shift_right_logical3A_141 : vector<16xi32>
      %mul3A_143 = arith.constant 72 : i32
      %mul3A_144 = vector.broadcast %mul3A_143 : i32 to vector<16xi32>
      %mul3A_145 = arith.muli %shift_right_logical3A_142, %mul3A_144 : vector<16xi32>
      %add3A_146 = arith.addi %add3A_136, %mul3A_145 : vector<16xi32>
      %gather3A_147 = tpu.vector_load_idx %arg5[%add3A_146] : memref<1024xi32, #tpu.memory_space<vmem>>[vector<16xi32>], vector<16xi32>,
      %swap3A_148 = arith.constant 80 : index
      %swap3A_149 = tpu.vector_load %arg7[%swap3A_148] {strides = array<i32>} : memref<448xi32, #tpu.memory_space<vmem>>, vector<16xi32>,
      tpu.vector_store %arg7[%swap3A_148], %gather3A_147 {strides = array<i32>} : memref<448xi32, #tpu.memory_space<vmem>>, vector<16xi32>,
      %iota3A_150 = tpu.iota {dimensions = array<i32: 0>} : vector<16xi32>
      %add3A_151 = arith.constant 96 : i32
      %add3A_152 = vector.broadcast %add3A_151 : i32 to vector<16xi32>
      %add3A_153 = arith.addi %add3A_152, %iota3A_150 : vector<16xi32>
      %mul3A_154 = arith.constant 1171 : i32
      %mul3A_155 = vector.broadcast %mul3A_154 : i32 to vector<16xi32>
      %mul3A_156 = arith.muli %add3A_153, %mul3A_155 : vector<16xi32>
      %shift_right_logical3A_157 = arith.constant 16 : i32
      %shift_right_logical3A_158 = vector.broadcast %shift_right_logical3A_157 : i32 to vector<16xi32>
      %shift_right_logical3A_159 = arith.shrui %mul3A_156, %shift_right_logical3A_158 : vector<16xi32>
      %mul3A_160 = arith.constant 72 : i32
      %mul3A_161 = vector.broadcast %mul3A_160 : i32 to vector<16xi32>
      %mul3A_162 = arith.muli %shift_right_logical3A_159, %mul3A_161 : vector<16xi32>
      %add3A_163 = arith.addi %add3A_153, %mul3A_162 : vector<16xi32>
      %gather3A_164 = tpu.vector_load_idx %arg5[%add3A_163] : memref<1024xi32, #tpu.memory_space<vmem>>[vector<16xi32>], vector<16xi32>,
      %swap3A_165 = arith.constant 96 : index
      %swap3A_166 = tpu.vector_load %arg7[%swap3A_165] {strides = array<i32>} : memref<448xi32, #tpu.memory_space<vmem>>, vector<16xi32>,
      tpu.vector_store %arg7[%swap3A_165], %gather3A_164 {strides = array<i32>} : memref<448xi32, #tpu.memory_space<vmem>>, vector<16xi32>,
      %iota3A_167 = tpu.iota {dimensions = array<i32: 0>} : vector<16xi32>
      %add3A_168 = arith.constant 112 : i32
      %add3A_169 = vector.broadcast %add3A_168 : i32 to vector<16xi32>
      %add3A_170 = arith.addi %add3A_169, %iota3A_167 : vector<16xi32>
      %mul3A_171 = arith.constant 1171 : i32
      %mul3A_172 = vector.broadcast %mul3A_171 : i32 to vector<16xi32>
      %mul3A_173 = arith.muli %add3A_170, %mul3A_172 : vector<16xi32>
      %shift_right_logical3A_174 = arith.constant 16 : i32
      %shift_right_logical3A_175 = vector.broadcast %shift_right_logical3A_174 : i32 to vector<16xi32>
      %shift_right_logical3A_176 = arith.shrui %mul3A_173, %shift_right_logical3A_175 : vector<16xi32>
      %mul3A_177 = arith.constant 72 : i32
      %mul3A_178 = vector.broadcast %mul3A_177 : i32 to vector<16xi32>
      %mul3A_179 = arith.muli %shift_right_logical3A_176, %mul3A_178 : vector<16xi32>
      %add3A_180 = arith.addi %add3A_170, %mul3A_179 : vector<16xi32>
      %gather3A_181 = tpu.vector_load_idx %arg5[%add3A_180] : memref<1024xi32, #tpu.memory_space<vmem>>[vector<16xi32>], vector<16xi32>,
      %swap3A_182 = arith.constant 112 : index
      %swap3A_183 = tpu.vector_load %arg7[%swap3A_182] {strides = array<i32>} : memref<448xi32, #tpu.memory_space<vmem>>, vector<16xi32>,
      tpu.vector_store %arg7[%swap3A_182], %gather3A_181 {strides = array<i32>} : memref<448xi32, #tpu.memory_space<vmem>>, vector<16xi32>,
      %iota3A_184 = tpu.iota {dimensions = array<i32: 0>} : vector<16xi32>
      %add3A_185 = arith.constant 128 : i32
      %add3A_186 = vector.broadcast %add3A_185 : i32 to vector<16xi32>
      %add3A_187 = arith.addi %add3A_186, %iota3A_184 : vector<16xi32>
      %mul3A_188 = arith.constant 1171 : i32
      %mul3A_189 = vector.broadcast %mul3A_188 : i32 to vector<16xi32>
      %mul3A_190 = arith.muli %add3A_187, %mul3A_189 : vector<16xi32>
      %shift_right_logical3A_191 = arith.constant 16 : i32
      %shift_right_logical3A_192 = vector.broadcast %shift_right_logical3A_191 : i32 to vector<16xi32>
      %shift_right_logical3A_193 = arith.shrui %mul3A_190, %shift_right_logical3A_192 : vector<16xi32>
      %mul3A_194 = arith.constant 72 : i32
      %mul3A_195 = vector.broadcast %mul3A_194 : i32 to vector<16xi32>
      %mul3A_196 = arith.muli %shift_right_logical3A_193, %mul3A_195 : vector<16xi32>
      %add3A_197 = arith.addi %add3A_187, %mul3A_196 : vector<16xi32>
      %gather3A_198 = tpu.vector_load_idx %arg5[%add3A_197] : memref<1024xi32, #tpu.memory_space<vmem>>[vector<16xi32>], vector<16xi32>,
      %swap3A_199 = arith.constant 128 : index
      %swap3A_200 = tpu.vector_load %arg7[%swap3A_199] {strides = array<i32>} : memref<448xi32, #tpu.memory_space<vmem>>, vector<16xi32>,
      tpu.vector_store %arg7[%swap3A_199], %gather3A_198 {strides = array<i32>} : memref<448xi32, #tpu.memory_space<vmem>>, vector<16xi32>,
      %iota3A_201 = tpu.iota {dimensions = array<i32: 0>} : vector<16xi32>
      %add3A_202 = arith.constant 144 : i32
      %add3A_203 = vector.broadcast %add3A_202 : i32 to vector<16xi32>
      %add3A_204 = arith.addi %add3A_203, %iota3A_201 : vector<16xi32>
      %mul3A_205 = arith.constant 1171 : i32
      %mul3A_206 = vector.broadcast %mul3A_205 : i32 to vector<16xi32>
      %mul3A_207 = arith.muli %add3A_204, %mul3A_206 : vector<16xi32>
      %shift_right_logical3A_208 = arith.constant 16 : i32
      %shift_right_logical3A_209 = vector.broadcast %shift_right_logical3A_208 : i32 to vector<16xi32>
      %shift_right_logical3A_210 = arith.shrui %mul3A_207, %shift_right_logical3A_209 : vector<16xi32>
      %mul3A_211 = arith.constant 72 : i32
      %mul3A_212 = vector.broadcast %mul3A_211 : i32 to vector<16xi32>
      %mul3A_213 = arith.muli %shift_right_logical3A_210, %mul3A_212 : vector<16xi32>
      %add3A_214 = arith.addi %add3A_204, %mul3A_213 : vector<16xi32>
      %gather3A_215 = tpu.vector_load_idx %arg5[%add3A_214] : memref<1024xi32, #tpu.memory_space<vmem>>[vector<16xi32>], vector<16xi32>,
      %swap3A_216 = arith.constant 144 : index
      %swap3A_217 = tpu.vector_load %arg7[%swap3A_216] {strides = array<i32>} : memref<448xi32, #tpu.memory_space<vmem>>, vector<16xi32>,
      tpu.vector_store %arg7[%swap3A_216], %gather3A_215 {strides = array<i32>} : memref<448xi32, #tpu.memory_space<vmem>>, vector<16xi32>,
      %iota3A_218 = tpu.iota {dimensions = array<i32: 0>} : vector<16xi32>
      %add3A_219 = arith.constant 160 : i32
      %add3A_220 = vector.broadcast %add3A_219 : i32 to vector<16xi32>
      %add3A_221 = arith.addi %add3A_220, %iota3A_218 : vector<16xi32>
      %mul3A_222 = arith.constant 1171 : i32
      %mul3A_223 = vector.broadcast %mul3A_222 : i32 to vector<16xi32>
      %mul3A_224 = arith.muli %add3A_221, %mul3A_223 : vector<16xi32>
      %shift_right_logical3A_225 = arith.constant 16 : i32
      %shift_right_logical3A_226 = vector.broadcast %shift_right_logical3A_225 : i32 to vector<16xi32>
      %shift_right_logical3A_227 = arith.shrui %mul3A_224, %shift_right_logical3A_226 : vector<16xi32>
      %mul3A_228 = arith.constant 72 : i32
      %mul3A_229 = vector.broadcast %mul3A_228 : i32 to vector<16xi32>
      %mul3A_230 = arith.muli %shift_right_logical3A_227, %mul3A_229 : vector<16xi32>
      %add3A_231 = arith.addi %add3A_221, %mul3A_230 : vector<16xi32>
      %gather3A_232 = tpu.vector_load_idx %arg5[%add3A_231] : memref<1024xi32, #tpu.memory_space<vmem>>[vector<16xi32>], vector<16xi32>,
      %swap3A_233 = arith.constant 160 : index
      %swap3A_234 = tpu.vector_load %arg7[%swap3A_233] {strides = array<i32>} : memref<448xi32, #tpu.memory_space<vmem>>, vector<16xi32>,
      tpu.vector_store %arg7[%swap3A_233], %gather3A_232 {strides = array<i32>} : memref<448xi32, #tpu.memory_space<vmem>>, vector<16xi32>,
      %iota3A_235 = tpu.iota {dimensions = array<i32: 0>} : vector<16xi32>
      %add3A_236 = arith.constant 176 : i32
      %add3A_237 = vector.broadcast %add3A_236 : i32 to vector<16xi32>
      %add3A_238 = arith.addi %add3A_237, %iota3A_235 : vector<16xi32>
      %mul3A_239 = arith.constant 1171 : i32
      %mul3A_240 = vector.broadcast %mul3A_239 : i32 to vector<16xi32>
      %mul3A_241 = arith.muli %add3A_238, %mul3A_240 : vector<16xi32>
      %shift_right_logical3A_242 = arith.constant 16 : i32
      %shift_right_logical3A_243 = vector.broadcast %shift_right_logical3A_242 : i32 to vector<16xi32>
      %shift_right_logical3A_244 = arith.shrui %mul3A_241, %shift_right_logical3A_243 : vector<16xi32>
      %mul3A_245 = arith.constant 72 : i32
      %mul3A_246 = vector.broadcast %mul3A_245 : i32 to vector<16xi32>
      %mul3A_247 = arith.muli %shift_right_logical3A_244, %mul3A_246 : vector<16xi32>
      %add3A_248 = arith.addi %add3A_238, %mul3A_247 : vector<16xi32>
      %gather3A_249 = tpu.vector_load_idx %arg5[%add3A_248] : memref<1024xi32, #tpu.memory_space<vmem>>[vector<16xi32>], vector<16xi32>,
      %swap3A_250 = arith.constant 176 : index
      %swap3A_251 = tpu.vector_load %arg7[%swap3A_250] {strides = array<i32>} : memref<448xi32, #tpu.memory_space<vmem>>, vector<16xi32>,
      tpu.vector_store %arg7[%swap3A_250], %gather3A_249 {strides = array<i32>} : memref<448xi32, #tpu.memory_space<vmem>>, vector<16xi32>,
      %iota3A_252 = tpu.iota {dimensions = array<i32: 0>} : vector<16xi32>
      %add3A_253 = arith.constant 192 : i32
      %add3A_254 = vector.broadcast %add3A_253 : i32 to vector<16xi32>
      %add3A_255 = arith.addi %add3A_254, %iota3A_252 : vector<16xi32>
      %mul3A_256 = arith.constant 1171 : i32
      %mul3A_257 = vector.broadcast %mul3A_256 : i32 to vector<16xi32>
      %mul3A_258 = arith.muli %add3A_255, %mul3A_257 : vector<16xi32>
      %shift_right_logical3A_259 = arith.constant 16 : i32
      %shift_right_logical3A_260 = vector.broadcast %shift_right_logical3A_259 : i32 to vector<16xi32>
      %shift_right_logical3A_261 = arith.shrui %mul3A_258, %shift_right_logical3A_260 : vector<16xi32>
      %mul3A_262 = arith.constant 72 : i32
      %mul3A_263 = vector.broadcast %mul3A_262 : i32 to vector<16xi32>
      %mul3A_264 = arith.muli %shift_right_logical3A_261, %mul3A_263 : vector<16xi32>
      %add3A_265 = arith.addi %add3A_255, %mul3A_264 : vector<16xi32>
      %gather3A_266 = tpu.vector_load_idx %arg5[%add3A_265] : memref<1024xi32, #tpu.memory_space<vmem>>[vector<16xi32>], vector<16xi32>,
      %swap3A_267 = arith.constant 192 : index
      %swap3A_268 = tpu.vector_load %arg7[%swap3A_267] {strides = array<i32>} : memref<448xi32, #tpu.memory_space<vmem>>, vector<16xi32>,
      tpu.vector_store %arg7[%swap3A_267], %gather3A_266 {strides = array<i32>} : memref<448xi32, #tpu.memory_space<vmem>>, vector<16xi32>,
      %iota3A_269 = tpu.iota {dimensions = array<i32: 0>} : vector<16xi32>
      %add3A_270 = arith.constant 208 : i32
      %add3A_271 = vector.broadcast %add3A_270 : i32 to vector<16xi32>
      %add3A_272 = arith.addi %add3A_271, %iota3A_269 : vector<16xi32>
      %mul3A_273 = arith.constant 1171 : i32
      %mul3A_274 = vector.broadcast %mul3A_273 : i32 to vector<16xi32>
      %mul3A_275 = arith.muli %add3A_272, %mul3A_274 : vector<16xi32>
      %shift_right_logical3A_276 = arith.constant 16 : i32
      %shift_right_logical3A_277 = vector.broadcast %shift_right_logical3A_276 : i32 to vector<16xi32>
      %shift_right_logical3A_278 = arith.shrui %mul3A_275, %shift_right_logical3A_277 : vector<16xi32>
      %mul3A_279 = arith.constant 72 : i32
      %mul3A_280 = vector.broadcast %mul3A_279 : i32 to vector<16xi32>
      %mul3A_281 = arith.muli %shift_right_logical3A_278, %mul3A_280 : vector<16xi32>
      %add3A_282 = arith.addi %add3A_272, %mul3A_281 : vector<16xi32>
      %gather3A_283 = tpu.vector_load_idx %arg5[%add3A_282] : memref<1024xi32, #tpu.memory_space<vmem>>[vector<16xi32>], vector<16xi32>,
      %swap3A_284 = arith.constant 208 : index
      %swap3A_285 = tpu.vector_load %arg7[%swap3A_284] {strides = array<i32>} : memref<448xi32, #tpu.memory_space<vmem>>, vector<16xi32>,
      tpu.vector_store %arg7[%swap3A_284], %gather3A_283 {strides = array<i32>} : memref<448xi32, #tpu.memory_space<vmem>>, vector<16xi32>,
      %iota3A_286 = tpu.iota {dimensions = array<i32: 0>} : vector<16xi32>
      %add3A_287 = arith.constant 224 : i32
      %add3A_288 = vector.broadcast %add3A_287 : i32 to vector<16xi32>
      %add3A_289 = arith.addi %add3A_288, %iota3A_286 : vector<16xi32>
      %mul3A_290 = arith.constant 1171 : i32
      %mul3A_291 = vector.broadcast %mul3A_290 : i32 to vector<16xi32>
      %mul3A_292 = arith.muli %add3A_289, %mul3A_291 : vector<16xi32>
      %shift_right_logical3A_293 = arith.constant 16 : i32
      %shift_right_logical3A_294 = vector.broadcast %shift_right_logical3A_293 : i32 to vector<16xi32>
      %shift_right_logical3A_295 = arith.shrui %mul3A_292, %shift_right_logical3A_294 : vector<16xi32>
      %mul3A_296 = arith.constant 72 : i32
      %mul3A_297 = vector.broadcast %mul3A_296 : i32 to vector<16xi32>
      %mul3A_298 = arith.muli %shift_right_logical3A_295, %mul3A_297 : vector<16xi32>
      %add3A_299 = arith.addi %add3A_289, %mul3A_298 : vector<16xi32>
      %gather3A_300 = tpu.vector_load_idx %arg5[%add3A_299] : memref<1024xi32, #tpu.memory_space<vmem>>[vector<16xi32>], vector<16xi32>,
      %swap3A_301 = arith.constant 224 : index
      %swap3A_302 = tpu.vector_load %arg7[%swap3A_301] {strides = array<i32>} : memref<448xi32, #tpu.memory_space<vmem>>, vector<16xi32>,
      tpu.vector_store %arg7[%swap3A_301], %gather3A_300 {strides = array<i32>} : memref<448xi32, #tpu.memory_space<vmem>>, vector<16xi32>,
      %iota3A_303 = tpu.iota {dimensions = array<i32: 0>} : vector<16xi32>
      %add3A_304 = arith.constant 240 : i32
      %add3A_305 = vector.broadcast %add3A_304 : i32 to vector<16xi32>
      %add3A_306 = arith.addi %add3A_305, %iota3A_303 : vector<16xi32>
      %mul3A_307 = arith.constant 1171 : i32
      %mul3A_308 = vector.broadcast %mul3A_307 : i32 to vector<16xi32>
      %mul3A_309 = arith.muli %add3A_306, %mul3A_308 : vector<16xi32>
      %shift_right_logical3A_310 = arith.constant 16 : i32
      %shift_right_logical3A_311 = vector.broadcast %shift_right_logical3A_310 : i32 to vector<16xi32>
      %shift_right_logical3A_312 = arith.shrui %mul3A_309, %shift_right_logical3A_311 : vector<16xi32>
      %mul3A_313 = arith.constant 72 : i32
      %mul3A_314 = vector.broadcast %mul3A_313 : i32 to vector<16xi32>
      %mul3A_315 = arith.muli %shift_right_logical3A_312, %mul3A_314 : vector<16xi32>
      %add3A_316 = arith.addi %add3A_306, %mul3A_315 : vector<16xi32>
      %gather3A_317 = tpu.vector_load_idx %arg5[%add3A_316] : memref<1024xi32, #tpu.memory_space<vmem>>[vector<16xi32>], vector<16xi32>,
      %swap3A_318 = arith.constant 240 : index
      %swap3A_319 = tpu.vector_load %arg7[%swap3A_318] {strides = array<i32>} : memref<448xi32, #tpu.memory_space<vmem>>, vector<16xi32>,
      tpu.vector_store %arg7[%swap3A_318], %gather3A_317 {strides = array<i32>} : memref<448xi32, #tpu.memory_space<vmem>>, vector<16xi32>,
      %iota3A_320 = tpu.iota {dimensions = array<i32: 0>} : vector<16xi32>
      %add3A_321 = arith.constant 256 : i32
      %add3A_322 = vector.broadcast %add3A_321 : i32 to vector<16xi32>
      %add3A_323 = arith.addi %add3A_322, %iota3A_320 : vector<16xi32>
      %mul3A_324 = arith.constant 1171 : i32
      %mul3A_325 = vector.broadcast %mul3A_324 : i32 to vector<16xi32>
      %mul3A_326 = arith.muli %add3A_323, %mul3A_325 : vector<16xi32>
      %shift_right_logical3A_327 = arith.constant 16 : i32
      %shift_right_logical3A_328 = vector.broadcast %shift_right_logical3A_327 : i32 to vector<16xi32>
      %shift_right_logical3A_329 = arith.shrui %mul3A_326, %shift_right_logical3A_328 : vector<16xi32>
      %mul3A_330 = arith.constant 72 : i32
      %mul3A_331 = vector.broadcast %mul3A_330 : i32 to vector<16xi32>
      %mul3A_332 = arith.muli %shift_right_logical3A_329, %mul3A_331 : vector<16xi32>
      %add3A_333 = arith.addi %add3A_323, %mul3A_332 : vector<16xi32>
      %gather3A_334 = tpu.vector_load_idx %arg5[%add3A_333] : memref<1024xi32, #tpu.memory_space<vmem>>[vector<16xi32>], vector<16xi32>,
      %swap3A_335 = arith.constant 256 : index
      %swap3A_336 = tpu.vector_load %arg7[%swap3A_335] {strides = array<i32>} : memref<448xi32, #tpu.memory_space<vmem>>, vector<16xi32>,
      tpu.vector_store %arg7[%swap3A_335], %gather3A_334 {strides = array<i32>} : memref<448xi32, #tpu.memory_space<vmem>>, vector<16xi32>,
      %iota3A_337 = tpu.iota {dimensions = array<i32: 0>} : vector<16xi32>
      %add3A_338 = arith.constant 272 : i32
      %add3A_339 = vector.broadcast %add3A_338 : i32 to vector<16xi32>
      %add3A_340 = arith.addi %add3A_339, %iota3A_337 : vector<16xi32>
      %mul3A_341 = arith.constant 1171 : i32
      %mul3A_342 = vector.broadcast %mul3A_341 : i32 to vector<16xi32>
      %mul3A_343 = arith.muli %add3A_340, %mul3A_342 : vector<16xi32>
      %shift_right_logical3A_344 = arith.constant 16 : i32
      %shift_right_logical3A_345 = vector.broadcast %shift_right_logical3A_344 : i32 to vector<16xi32>
      %shift_right_logical3A_346 = arith.shrui %mul3A_343, %shift_right_logical3A_345 : vector<16xi32>
      %mul3A_347 = arith.constant 72 : i32
      %mul3A_348 = vector.broadcast %mul3A_347 : i32 to vector<16xi32>
      %mul3A_349 = arith.muli %shift_right_logical3A_346, %mul3A_348 : vector<16xi32>
      %add3A_350 = arith.addi %add3A_340, %mul3A_349 : vector<16xi32>
      %gather3A_351 = tpu.vector_load_idx %arg5[%add3A_350] : memref<1024xi32, #tpu.memory_space<vmem>>[vector<16xi32>], vector<16xi32>,
      %swap3A_352 = arith.constant 272 : index
      %swap3A_353 = tpu.vector_load %arg7[%swap3A_352] {strides = array<i32>} : memref<448xi32, #tpu.memory_space<vmem>>, vector<16xi32>,
      tpu.vector_store %arg7[%swap3A_352], %gather3A_351 {strides = array<i32>} : memref<448xi32, #tpu.memory_space<vmem>>, vector<16xi32>,
      %iota3A_354 = tpu.iota {dimensions = array<i32: 0>} : vector<16xi32>
      %add3A_355 = arith.constant 288 : i32
      %add3A_356 = vector.broadcast %add3A_355 : i32 to vector<16xi32>
      %add3A_357 = arith.addi %add3A_356, %iota3A_354 : vector<16xi32>
      %mul3A_358 = arith.constant 1171 : i32
      %mul3A_359 = vector.broadcast %mul3A_358 : i32 to vector<16xi32>
      %mul3A_360 = arith.muli %add3A_357, %mul3A_359 : vector<16xi32>
      %shift_right_logical3A_361 = arith.constant 16 : i32
      %shift_right_logical3A_362 = vector.broadcast %shift_right_logical3A_361 : i32 to vector<16xi32>
      %shift_right_logical3A_363 = arith.shrui %mul3A_360, %shift_right_logical3A_362 : vector<16xi32>
      %mul3A_364 = arith.constant 72 : i32
      %mul3A_365 = vector.broadcast %mul3A_364 : i32 to vector<16xi32>
      %mul3A_366 = arith.muli %shift_right_logical3A_363, %mul3A_365 : vector<16xi32>
      %add3A_367 = arith.addi %add3A_357, %mul3A_366 : vector<16xi32>
      %gather3A_368 = tpu.vector_load_idx %arg5[%add3A_367] : memref<1024xi32, #tpu.memory_space<vmem>>[vector<16xi32>], vector<16xi32>,
      %swap3A_369 = arith.constant 288 : index
      %swap3A_370 = tpu.vector_load %arg7[%swap3A_369] {strides = array<i32>} : memref<448xi32, #tpu.memory_space<vmem>>, vector<16xi32>,
      tpu.vector_store %arg7[%swap3A_369], %gather3A_368 {strides = array<i32>} : memref<448xi32, #tpu.memory_space<vmem>>, vector<16xi32>,
      %iota3A_371 = tpu.iota {dimensions = array<i32: 0>} : vector<16xi32>
      %add3A_372 = arith.constant 304 : i32
      %add3A_373 = vector.broadcast %add3A_372 : i32 to vector<16xi32>
      %add3A_374 = arith.addi %add3A_373, %iota3A_371 : vector<16xi32>
      %mul3A_375 = arith.constant 1171 : i32
      %mul3A_376 = vector.broadcast %mul3A_375 : i32 to vector<16xi32>
      %mul3A_377 = arith.muli %add3A_374, %mul3A_376 : vector<16xi32>
      %shift_right_logical3A_378 = arith.constant 16 : i32
      %shift_right_logical3A_379 = vector.broadcast %shift_right_logical3A_378 : i32 to vector<16xi32>
      %shift_right_logical3A_380 = arith.shrui %mul3A_377, %shift_right_logical3A_379 : vector<16xi32>
      %mul3A_381 = arith.constant 72 : i32
      %mul3A_382 = vector.broadcast %mul3A_381 : i32 to vector<16xi32>
      %mul3A_383 = arith.muli %shift_right_logical3A_380, %mul3A_382 : vector<16xi32>
      %add3A_384 = arith.addi %add3A_374, %mul3A_383 : vector<16xi32>
      %gather3A_385 = tpu.vector_load_idx %arg5[%add3A_384] : memref<1024xi32, #tpu.memory_space<vmem>>[vector<16xi32>], vector<16xi32>,
      %swap3A_386 = arith.constant 304 : index
      %swap3A_387 = tpu.vector_load %arg7[%swap3A_386] {strides = array<i32>} : memref<448xi32, #tpu.memory_space<vmem>>, vector<16xi32>,
      tpu.vector_store %arg7[%swap3A_386], %gather3A_385 {strides = array<i32>} : memref<448xi32, #tpu.memory_space<vmem>>, vector<16xi32>,
      %iota3A_388 = tpu.iota {dimensions = array<i32: 0>} : vector<16xi32>
      %add3A_389 = arith.constant 320 : i32
      %add3A_390 = vector.broadcast %add3A_389 : i32 to vector<16xi32>
      %add3A_391 = arith.addi %add3A_390, %iota3A_388 : vector<16xi32>
      %mul3A_392 = arith.constant 1171 : i32
      %mul3A_393 = vector.broadcast %mul3A_392 : i32 to vector<16xi32>
      %mul3A_394 = arith.muli %add3A_391, %mul3A_393 : vector<16xi32>
      %shift_right_logical3A_395 = arith.constant 16 : i32
      %shift_right_logical3A_396 = vector.broadcast %shift_right_logical3A_395 : i32 to vector<16xi32>
      %shift_right_logical3A_397 = arith.shrui %mul3A_394, %shift_right_logical3A_396 : vector<16xi32>
      %mul3A_398 = arith.constant 72 : i32
      %mul3A_399 = vector.broadcast %mul3A_398 : i32 to vector<16xi32>
      %mul3A_400 = arith.muli %shift_right_logical3A_397, %mul3A_399 : vector<16xi32>
      %add3A_401 = arith.addi %add3A_391, %mul3A_400 : vector<16xi32>
      %gather3A_402 = tpu.vector_load_idx %arg5[%add3A_401] : memref<1024xi32, #tpu.memory_space<vmem>>[vector<16xi32>], vector<16xi32>,
      %swap3A_403 = arith.constant 320 : index
      %swap3A_404 = tpu.vector_load %arg7[%swap3A_403] {strides = array<i32>} : memref<448xi32, #tpu.memory_space<vmem>>, vector<16xi32>,
      tpu.vector_store %arg7[%swap3A_403], %gather3A_402 {strides = array<i32>} : memref<448xi32, #tpu.memory_space<vmem>>, vector<16xi32>,
      %iota3A_405 = tpu.iota {dimensions = array<i32: 0>} : vector<16xi32>
      %add3A_406 = arith.constant 336 : i32
      %add3A_407 = vector.broadcast %add3A_406 : i32 to vector<16xi32>
      %add3A_408 = arith.addi %add3A_407, %iota3A_405 : vector<16xi32>
      %mul3A_409 = arith.constant 1171 : i32
      %mul3A_410 = vector.broadcast %mul3A_409 : i32 to vector<16xi32>
      %mul3A_411 = arith.muli %add3A_408, %mul3A_410 : vector<16xi32>
      %shift_right_logical3A_412 = arith.constant 16 : i32
      %shift_right_logical3A_413 = vector.broadcast %shift_right_logical3A_412 : i32 to vector<16xi32>
      %shift_right_logical3A_414 = arith.shrui %mul3A_411, %shift_right_logical3A_413 : vector<16xi32>
      %mul3A_415 = arith.constant 72 : i32
      %mul3A_416 = vector.broadcast %mul3A_415 : i32 to vector<16xi32>
      %mul3A_417 = arith.muli %shift_right_logical3A_414, %mul3A_416 : vector<16xi32>
      %add3A_418 = arith.addi %add3A_408, %mul3A_417 : vector<16xi32>
      %gather3A_419 = tpu.vector_load_idx %arg5[%add3A_418] : memref<1024xi32, #tpu.memory_space<vmem>>[vector<16xi32>], vector<16xi32>,
      %swap3A_420 = arith.constant 336 : index
      %swap3A_421 = tpu.vector_load %arg7[%swap3A_420] {strides = array<i32>} : memref<448xi32, #tpu.memory_space<vmem>>, vector<16xi32>,
      tpu.vector_store %arg7[%swap3A_420], %gather3A_419 {strides = array<i32>} : memref<448xi32, #tpu.memory_space<vmem>>, vector<16xi32>,
      %iota3A_422 = tpu.iota {dimensions = array<i32: 0>} : vector<16xi32>
      %add3A_423 = arith.constant 352 : i32
      %add3A_424 = vector.broadcast %add3A_423 : i32 to vector<16xi32>
      %add3A_425 = arith.addi %add3A_424, %iota3A_422 : vector<16xi32>
      %mul3A_426 = arith.constant 1171 : i32
      %mul3A_427 = vector.broadcast %mul3A_426 : i32 to vector<16xi32>
      %mul3A_428 = arith.muli %add3A_425, %mul3A_427 : vector<16xi32>
      %shift_right_logical3A_429 = arith.constant 16 : i32
      %shift_right_logical3A_430 = vector.broadcast %shift_right_logical3A_429 : i32 to vector<16xi32>
      %shift_right_logical3A_431 = arith.shrui %mul3A_428, %shift_right_logical3A_430 : vector<16xi32>
      %mul3A_432 = arith.constant 72 : i32
      %mul3A_433 = vector.broadcast %mul3A_432 : i32 to vector<16xi32>
      %mul3A_434 = arith.muli %shift_right_logical3A_431, %mul3A_433 : vector<16xi32>
      %add3A_435 = arith.addi %add3A_425, %mul3A_434 : vector<16xi32>
      %gather3A_436 = tpu.vector_load_idx %arg5[%add3A_435] : memref<1024xi32, #tpu.memory_space<vmem>>[vector<16xi32>], vector<16xi32>,
      %swap3A_437 = arith.constant 352 : index
      %swap3A_438 = tpu.vector_load %arg7[%swap3A_437] {strides = array<i32>} : memref<448xi32, #tpu.memory_space<vmem>>, vector<16xi32>,
      tpu.vector_store %arg7[%swap3A_437], %gather3A_436 {strides = array<i32>} : memref<448xi32, #tpu.memory_space<vmem>>, vector<16xi32>,
      %iota3A_439 = tpu.iota {dimensions = array<i32: 0>} : vector<16xi32>
      %add3A_440 = arith.constant 368 : i32
      %add3A_441 = vector.broadcast %add3A_440 : i32 to vector<16xi32>
      %add3A_442 = arith.addi %add3A_441, %iota3A_439 : vector<16xi32>
      %mul3A_443 = arith.constant 1171 : i32
      %mul3A_444 = vector.broadcast %mul3A_443 : i32 to vector<16xi32>
      %mul3A_445 = arith.muli %add3A_442, %mul3A_444 : vector<16xi32>
      %shift_right_logical3A_446 = arith.constant 16 : i32
      %shift_right_logical3A_447 = vector.broadcast %shift_right_logical3A_446 : i32 to vector<16xi32>
      %shift_right_logical3A_448 = arith.shrui %mul3A_445, %shift_right_logical3A_447 : vector<16xi32>
      %mul3A_449 = arith.constant 72 : i32
      %mul3A_450 = vector.broadcast %mul3A_449 : i32 to vector<16xi32>
      %mul3A_451 = arith.muli %shift_right_logical3A_448, %mul3A_450 : vector<16xi32>
      %add3A_452 = arith.addi %add3A_442, %mul3A_451 : vector<16xi32>
      %gather3A_453 = tpu.vector_load_idx %arg5[%add3A_452] : memref<1024xi32, #tpu.memory_space<vmem>>[vector<16xi32>], vector<16xi32>,
      %swap3A_454 = arith.constant 368 : index
      %swap3A_455 = tpu.vector_load %arg7[%swap3A_454] {strides = array<i32>} : memref<448xi32, #tpu.memory_space<vmem>>, vector<16xi32>,
      tpu.vector_store %arg7[%swap3A_454], %gather3A_453 {strides = array<i32>} : memref<448xi32, #tpu.memory_space<vmem>>, vector<16xi32>,
      %iota3A_456 = tpu.iota {dimensions = array<i32: 0>} : vector<16xi32>
      %add3A_457 = arith.constant 384 : i32
      %add3A_458 = vector.broadcast %add3A_457 : i32 to vector<16xi32>
      %add3A_459 = arith.addi %add3A_458, %iota3A_456 : vector<16xi32>
      %mul3A_460 = arith.constant 1171 : i32
      %mul3A_461 = vector.broadcast %mul3A_460 : i32 to vector<16xi32>
      %mul3A_462 = arith.muli %add3A_459, %mul3A_461 : vector<16xi32>
      %shift_right_logical3A_463 = arith.constant 16 : i32
      %shift_right_logical3A_464 = vector.broadcast %shift_right_logical3A_463 : i32 to vector<16xi32>
      %shift_right_logical3A_465 = arith.shrui %mul3A_462, %shift_right_logical3A_464 : vector<16xi32>
      %mul3A_466 = arith.constant 72 : i32
      %mul3A_467 = vector.broadcast %mul3A_466 : i32 to vector<16xi32>
      %mul3A_468 = arith.muli %shift_right_logical3A_465, %mul3A_467 : vector<16xi32>
      %add3A_469 = arith.addi %add3A_459, %mul3A_468 : vector<16xi32>
      %gather3A_470 = tpu.vector_load_idx %arg5[%add3A_469] : memref<1024xi32, #tpu.memory_space<vmem>>[vector<16xi32>], vector<16xi32>,
      %swap3A_471 = arith.constant 384 : index
      %swap3A_472 = tpu.vector_load %arg7[%swap3A_471] {strides = array<i32>} : memref<448xi32, #tpu.memory_space<vmem>>, vector<16xi32>,
      tpu.vector_store %arg7[%swap3A_471], %gather3A_470 {strides = array<i32>} : memref<448xi32, #tpu.memory_space<vmem>>, vector<16xi32>,
      %iota3A_473 = tpu.iota {dimensions = array<i32: 0>} : vector<16xi32>
      %add3A_474 = arith.constant 400 : i32
      %add3A_475 = vector.broadcast %add3A_474 : i32 to vector<16xi32>
      %add3A_476 = arith.addi %add3A_475, %iota3A_473 : vector<16xi32>
      %mul3A_477 = arith.constant 1171 : i32
      %mul3A_478 = vector.broadcast %mul3A_477 : i32 to vector<16xi32>
      %mul3A_479 = arith.muli %add3A_476, %mul3A_478 : vector<16xi32>
      %shift_right_logical3A_480 = arith.constant 16 : i32
      %shift_right_logical3A_481 = vector.broadcast %shift_right_logical3A_480 : i32 to vector<16xi32>
      %shift_right_logical3A_482 = arith.shrui %mul3A_479, %shift_right_logical3A_481 : vector<16xi32>
      %mul3A_483 = arith.constant 72 : i32
      %mul3A_484 = vector.broadcast %mul3A_483 : i32 to vector<16xi32>
      %mul3A_485 = arith.muli %shift_right_logical3A_482, %mul3A_484 : vector<16xi32>
      %add3A_486 = arith.addi %add3A_476, %mul3A_485 : vector<16xi32>
      %gather3A_487 = tpu.vector_load_idx %arg5[%add3A_486] : memref<1024xi32, #tpu.memory_space<vmem>>[vector<16xi32>], vector<16xi32>,
      %swap3A_488 = arith.constant 400 : index
      %swap3A_489 = tpu.vector_load %arg7[%swap3A_488] {strides = array<i32>} : memref<448xi32, #tpu.memory_space<vmem>>, vector<16xi32>,
      tpu.vector_store %arg7[%swap3A_488], %gather3A_487 {strides = array<i32>} : memref<448xi32, #tpu.memory_space<vmem>>, vector<16xi32>,
      %iota3A_490 = tpu.iota {dimensions = array<i32: 0>} : vector<16xi32>
      %add3A_491 = arith.constant 416 : i32
      %add3A_492 = vector.broadcast %add3A_491 : i32 to vector<16xi32>
      %add3A_493 = arith.addi %add3A_492, %iota3A_490 : vector<16xi32>
      %mul3A_494 = arith.constant 1171 : i32
      %mul3A_495 = vector.broadcast %mul3A_494 : i32 to vector<16xi32>
      %mul3A_496 = arith.muli %add3A_493, %mul3A_495 : vector<16xi32>
      %shift_right_logical3A_497 = arith.constant 16 : i32
      %shift_right_logical3A_498 = vector.broadcast %shift_right_logical3A_497 : i32 to vector<16xi32>
      %shift_right_logical3A_499 = arith.shrui %mul3A_496, %shift_right_logical3A_498 : vector<16xi32>
      %mul3A_500 = arith.constant 72 : i32
      %mul3A_501 = vector.broadcast %mul3A_500 : i32 to vector<16xi32>
      %mul3A_502 = arith.muli %shift_right_logical3A_499, %mul3A_501 : vector<16xi32>
      %add3A_503 = arith.addi %add3A_493, %mul3A_502 : vector<16xi32>
      %gather3A_504 = tpu.vector_load_idx %arg5[%add3A_503] : memref<1024xi32, #tpu.memory_space<vmem>>[vector<16xi32>], vector<16xi32>,
      %swap3A_505 = arith.constant 416 : index
      %swap3A_506 = tpu.vector_load %arg7[%swap3A_505] {strides = array<i32>} : memref<448xi32, #tpu.memory_space<vmem>>, vector<16xi32>,
      tpu.vector_store %arg7[%swap3A_505], %gather3A_504 {strides = array<i32>} : memref<448xi32, #tpu.memory_space<vmem>>, vector<16xi32>,
      %iota3A_507 = tpu.iota {dimensions = array<i32: 0>} : vector<16xi32>
      %add3A_508 = arith.constant 432 : i32
      %add3A_509 = vector.broadcast %add3A_508 : i32 to vector<16xi32>
      %add3A_510 = arith.addi %add3A_509, %iota3A_507 : vector<16xi32>
      %mul3A_511 = arith.constant 1171 : i32
      %mul3A_512 = vector.broadcast %mul3A_511 : i32 to vector<16xi32>
      %mul3A_513 = arith.muli %add3A_510, %mul3A_512 : vector<16xi32>
      %shift_right_logical3A_514 = arith.constant 16 : i32
      %shift_right_logical3A_515 = vector.broadcast %shift_right_logical3A_514 : i32 to vector<16xi32>
      %shift_right_logical3A_516 = arith.shrui %mul3A_513, %shift_right_logical3A_515 : vector<16xi32>
      %mul3A_517 = arith.constant 72 : i32
      %mul3A_518 = vector.broadcast %mul3A_517 : i32 to vector<16xi32>
      %mul3A_519 = arith.muli %shift_right_logical3A_516, %mul3A_518 : vector<16xi32>
      %add3A_520 = arith.addi %add3A_510, %mul3A_519 : vector<16xi32>
      %gather3A_521 = tpu.vector_load_idx %arg5[%add3A_520] : memref<1024xi32, #tpu.memory_space<vmem>>[vector<16xi32>], vector<16xi32>,
      %swap3A_522 = arith.constant 432 : index
      %swap3A_523 = tpu.vector_load %arg7[%swap3A_522] {strides = array<i32>} : memref<448xi32, #tpu.memory_space<vmem>>, vector<16xi32>,
      tpu.vector_store %arg7[%swap3A_522], %gather3A_521 {strides = array<i32>} : memref<448xi32, #tpu.memory_space<vmem>>, vector<16xi32>,
      %dma_start3A = arith.constant 0 : i32
      %dma_start3A_524 = arith.constant 0 : i32
      %dma_start3A_525 = arith.constant 0 : i32
      %dma_start3A_526 = tpu.memref_slice %arg9[%dma_start3A, %dma_start3A_524, %dma_start3A_525] : memref<2x448x80xf32, #tpu.memory_space<vmem>> -> memref<1x112x80xf32, #tpu.memory_space<vmem>>
      %dma_start3A_527 = tpu.memref_squeeze %dma_start3A_526 : memref<1x112x80xf32, #tpu.memory_space<vmem>> -> memref<112x80xf32, #tpu.memory_space<vmem>>
      %dma_start3A_528 = arith.constant 0 : i32
      %dma_start3A_529 = tpu.memref_slice %arg7[%dma_start3A_528] : memref<448xi32, #tpu.memory_space<vmem>> -> memref<112xi32, #tpu.memory_space<vmem>>
      %dma_start3A_530 = arith.constant 0 : i32
      %dma_start3A_531 = arith.constant 0 : i32
      %dma_start3A_532 = tpu.memref_slice %arg2[%dma_start3A_530, %dma_start3A_531] : memref<10000x80xf32, #tpu.memory_space<hbm>> -> memref<10000x80xf32, #tpu.memory_space<hbm>>
      tpu.enqueue_indirect_dma source(%dma_start3A_532 : memref<10000x80xf32, #tpu.memory_space<hbm>>) target(%dma_start3A_527 : memref<112x80xf32, #tpu.memory_space<vmem>>) offsets(%dma_start3A_529 : memref<112xi32, #tpu.memory_space<vmem>>) semaphore(%arg10 : memref<!tpu.dma_semaphore, #tpu.memory_space<semaphore_mem>>)
      %dma_start3A_533 = arith.constant 0 : i32
      %dma_start3A_534 = arith.constant 112 : i32
      %dma_start3A_535 = arith.constant 0 : i32
      %dma_start3A_536 = tpu.memref_slice %arg9[%dma_start3A_533, %dma_start3A_534, %dma_start3A_535] : memref<2x448x80xf32, #tpu.memory_space<vmem>> -> memref<1x112x80xf32, #tpu.memory_space<vmem>>
      %dma_start3A_537 = tpu.memref_squeeze %dma_start3A_536 : memref<1x112x80xf32, #tpu.memory_space<vmem>> -> memref<112x80xf32, #tpu.memory_space<vmem>>
      %dma_start3A_538 = arith.constant 112 : i32
      %dma_start3A_539 = tpu.memref_slice %arg7[%dma_start3A_538] : memref<448xi32, #tpu.memory_space<vmem>> -> memref<112xi32, #tpu.memory_space<vmem>>
      %dma_start3A_540 = arith.constant 0 : i32
      %dma_start3A_541 = arith.constant 0 : i32
      %dma_start3A_542 = tpu.memref_slice %arg2[%dma_start3A_540, %dma_start3A_541] : memref<10000x80xf32, #tpu.memory_space<hbm>> -> memref<10000x80xf32, #tpu.memory_space<hbm>>
      tpu.enqueue_indirect_dma source(%dma_start3A_542 : memref<10000x80xf32, #tpu.memory_space<hbm>>) target(%dma_start3A_537 : memref<112x80xf32, #tpu.memory_space<vmem>>) offsets(%dma_start3A_539 : memref<112xi32, #tpu.memory_space<vmem>>) semaphore(%arg10 : memref<!tpu.dma_semaphore, #tpu.memory_space<semaphore_mem>>)
      %dma_start3A_543 = arith.constant 0 : i32
      %dma_start3A_544 = arith.constant 224 : i32
      %dma_start3A_545 = arith.constant 0 : i32
      %dma_start3A_546 = tpu.memref_slice %arg9[%dma_start3A_543, %dma_start3A_544, %dma_start3A_545] : memref<2x448x80xf32, #tpu.memory_space<vmem>> -> memref<1x112x80xf32, #tpu.memory_space<vmem>>
      %dma_start3A_547 = tpu.memref_squeeze %dma_start3A_546 : memref<1x112x80xf32, #tpu.memory_space<vmem>> -> memref<112x80xf32, #tpu.memory_space<vmem>>
      %dma_start3A_548 = arith.constant 224 : i32
      %dma_start3A_549 = tpu.memref_slice %arg7[%dma_start3A_548] : memref<448xi32, #tpu.memory_space<vmem>> -> memref<112xi32, #tpu.memory_space<vmem>>
      %dma_start3A_550 = arith.constant 0 : i32
      %dma_start3A_551 = arith.constant 0 : i32
      %dma_start3A_552 = tpu.memref_slice %arg2[%dma_start3A_550, %dma_start3A_551] : memref<10000x80xf32, #tpu.memory_space<hbm>> -> memref<10000x80xf32, #tpu.memory_space<hbm>>
      tpu.enqueue_indirect_dma source(%dma_start3A_552 : memref<10000x80xf32, #tpu.memory_space<hbm>>) target(%dma_start3A_547 : memref<112x80xf32, #tpu.memory_space<vmem>>) offsets(%dma_start3A_549 : memref<112xi32, #tpu.memory_space<vmem>>) semaphore(%arg10 : memref<!tpu.dma_semaphore, #tpu.memory_space<semaphore_mem>>)
      %dma_start3A_553 = arith.constant 0 : i32
      %dma_start3A_554 = arith.constant 336 : i32
      %dma_start3A_555 = arith.constant 0 : i32
      %dma_start3A_556 = tpu.memref_slice %arg9[%dma_start3A_553, %dma_start3A_554, %dma_start3A_555] : memref<2x448x80xf32, #tpu.memory_space<vmem>> -> memref<1x112x80xf32, #tpu.memory_space<vmem>>
      %dma_start3A_557 = tpu.memref_squeeze %dma_start3A_556 : memref<1x112x80xf32, #tpu.memory_space<vmem>> -> memref<112x80xf32, #tpu.memory_space<vmem>>
      %dma_start3A_558 = arith.constant 336 : i32
      %dma_start3A_559 = tpu.memref_slice %arg7[%dma_start3A_558] : memref<448xi32, #tpu.memory_space<vmem>> -> memref<112xi32, #tpu.memory_space<vmem>>
      %dma_start3A_560 = arith.constant 0 : i32
      %dma_start3A_561 = arith.constant 0 : i32
      %dma_start3A_562 = tpu.memref_slice %arg2[%dma_start3A_560, %dma_start3A_561] : memref<10000x80xf32, #tpu.memory_space<hbm>> -> memref<10000x80xf32, #tpu.memory_space<hbm>>
      tpu.enqueue_indirect_dma source(%dma_start3A_562 : memref<10000x80xf32, #tpu.memory_space<hbm>>) target(%dma_start3A_557 : memref<112x80xf32, #tpu.memory_space<vmem>>) offsets(%dma_start3A_559 : memref<112xi32, #tpu.memory_space<vmem>>) semaphore(%arg10 : memref<!tpu.dma_semaphore, #tpu.memory_space<semaphore_mem>>)
      %gt3A_563 = arith.constant 0 : i32
      %gt3A_564 = arith.cmpi sgt, %scan3A_40, %gt3A_563 : i32
      %convert_element_type3A_565 = arith.extui %gt3A_564 : i1 to i32
      %cond3A_566 = arith.constant 0 : i32
      %cond3A_567 = arith.cmpi ne, %convert_element_type3A_565, %cond3A_566 : i32
      scf.if %cond3A_567 {
        %dma_wait3A_1470 = arith.constant 1 : i32
        %dma_wait3A_1471 = arith.constant 0 : i32
        %dma_wait3A_1472 = arith.constant 0 : i32
        %dma_wait3A_1473 = tpu.memref_slice %arg9[%dma_wait3A_1470, %dma_wait3A_1471, %dma_wait3A_1472] : memref<2x448x80xf32, #tpu.memory_space<vmem>> -> memref<1x400x80xf32, #tpu.memory_space<vmem>>
        %dma_wait3A_1474 = tpu.memref_squeeze %dma_wait3A_1473 : memref<1x400x80xf32, #tpu.memory_space<vmem>> -> memref<400x80xf32, #tpu.memory_space<vmem>>
        %dma_wait3A_1475 = arith.constant 0 : i32
        %dma_wait3A_1476 = arith.constant 0 : i32
        %dma_wait3A_1477 = arith.constant 0 : i32
        %dma_wait3A_1478 = tpu.memref_slice %arg4[%dma_wait3A_1475, %dma_wait3A_1476, %dma_wait3A_1477] : memref<16384x50x80xf32, #tpu.memory_space<hbm>> -> memref<8x50x80xf32, #tpu.memory_space<hbm>>
        %dma_wait3A_1479 = arith.constant 0 : i32
        %dma_wait3A_1480 = arith.constant 0 : i32
        %dma_wait3A_1481 = tpu.memref_slice %arg9[%dma_wait3A_1470, %dma_wait3A_1479, %dma_wait3A_1480] : memref<2x448x80xf32, #tpu.memory_space<vmem>> -> memref<1x400x80xf32, #tpu.memory_space<vmem>>
        %dma_wait3A_1482 = tpu.memref_squeeze %dma_wait3A_1481 : memref<1x400x80xf32, #tpu.memory_space<vmem>> -> memref<400x80xf32, #tpu.memory_space<vmem>>
        %dma_wait3A_1483 = arith.constant 0 : i32
        %dma_wait3A_1484 = arith.constant 0 : i32
        %dma_wait3A_1485 = arith.constant 0 : i32
        %dma_wait3A_1486 = tpu.memref_slice %arg4[%dma_wait3A_1483, %dma_wait3A_1484, %dma_wait3A_1485] : memref<16384x50x80xf32, #tpu.memory_space<hbm>> -> memref<8x50x80xf32, #tpu.memory_space<hbm>>
        tpu.wait_dma2 semaphore(%arg13 : memref<!tpu.dma_semaphore, #tpu.memory_space<semaphore_mem>>) src(%dma_wait3A_1486 : memref<8x50x80xf32, #tpu.memory_space<hbm>>) dst(%dma_wait3A_1482 : memref<400x80xf32, #tpu.memory_space<vmem>>)
      } else {
      }
      %mul3A_568 = arith.constant 128 : i32
      %mul3A_569 = arith.muli %add3A_47, %mul3A_568 : i32
      "tpu.region"() ({
        %run_scoped3A = tpu.sem_alloc : memref<!tpu.dma_semaphore, #tpu.memory_space<semaphore_mem>>
        %dma_start3A_1470 = tpu.memref_slice %arg3[%mul3A_569] : memref<2097152xi32, #tpu.memory_space<hbm>> -> memref<1024xi32, #tpu.memory_space<hbm>>
        %dma_start3A_1471 = tpu.memref_slice %arg3[%mul3A_569] : memref<2097152xi32, #tpu.memory_space<hbm>> -> memref<1024xi32, #tpu.memory_space<hbm>>
        tpu.enqueue_dma source(%dma_start3A_1471 : memref<1024xi32, #tpu.memory_space<hbm>>) target(%arg6 : memref<1024xi32, #tpu.memory_space<vmem>>) target_semaphore(%run_scoped3A : memref<!tpu.dma_semaphore, #tpu.memory_space<semaphore_mem>>)
        %dma_wait3A_1472 = tpu.memref_slice %arg3[%mul3A_569] : memref<2097152xi32, #tpu.memory_space<hbm>> -> memref<1024xi32, #tpu.memory_space<hbm>>
        %dma_wait3A_1473 = tpu.memref_slice %arg3[%mul3A_569] : memref<2097152xi32, #tpu.memory_space<hbm>> -> memref<1024xi32, #tpu.memory_space<hbm>>
        tpu.wait_dma2 semaphore(%run_scoped3A : memref<!tpu.dma_semaphore, #tpu.memory_space<semaphore_mem>>) src(%dma_wait3A_1473 : memref<1024xi32, #tpu.memory_space<hbm>>) dst(%arg6 : memref<1024xi32, #tpu.memory_space<vmem>>)
        tpu.yield
      }) : () -> ()
      %iota3A_570 = tpu.iota {dimensions = array<i32: 0>} : vector<16xi32>
      %add3A_571 = arith.constant 0 : i32
      %add3A_572 = vector.broadcast %add3A_571 : i32 to vector<16xi32>
      %add3A_573 = arith.addi %add3A_572, %iota3A_570 : vector<16xi32>
      %mul3A_574 = arith.constant 1171 : i32
      %mul3A_575 = vector.broadcast %mul3A_574 : i32 to vector<16xi32>
      %mul3A_576 = arith.muli %add3A_573, %mul3A_575 : vector<16xi32>
      %shift_right_logical3A_577 = arith.constant 16 : i32
      %shift_right_logical3A_578 = vector.broadcast %shift_right_logical3A_577 : i32 to vector<16xi32>
      %shift_right_logical3A_579 = arith.shrui %mul3A_576, %shift_right_logical3A_578 : vector<16xi32>
      %mul3A_580 = arith.constant 72 : i32
      %mul3A_581 = vector.broadcast %mul3A_580 : i32 to vector<16xi32>
      %mul3A_582 = arith.muli %shift_right_logical3A_579, %mul3A_581 : vector<16xi32>
      %add3A_583 = arith.addi %add3A_573, %mul3A_582 : vector<16xi32>
      %gather3A_584 = tpu.vector_load_idx %arg6[%add3A_583] : memref<1024xi32, #tpu.memory_space<vmem>>[vector<16xi32>], vector<16xi32>,
      %swap3A_585 = arith.constant 0 : index
      %swap3A_586 = tpu.vector_load %arg8[%swap3A_585] {strides = array<i32>} : memref<448xi32, #tpu.memory_space<vmem>>, vector<16xi32>,
      tpu.vector_store %arg8[%swap3A_585], %gather3A_584 {strides = array<i32>} : memref<448xi32, #tpu.memory_space<vmem>>, vector<16xi32>,
      %iota3A_587 = tpu.iota {dimensions = array<i32: 0>} : vector<16xi32>
      %add3A_588 = arith.constant 16 : i32
      %add3A_589 = vector.broadcast %add3A_588 : i32 to vector<16xi32>
      %add3A_590 = arith.addi %add3A_589, %iota3A_587 : vector<16xi32>
      %mul3A_591 = arith.constant 1171 : i32
      %mul3A_592 = vector.broadcast %mul3A_591 : i32 to vector<16xi32>
      %mul3A_593 = arith.muli %add3A_590, %mul3A_592 : vector<16xi32>
      %shift_right_logical3A_594 = arith.constant 16 : i32
      %shift_right_logical3A_595 = vector.broadcast %shift_right_logical3A_594 : i32 to vector<16xi32>
      %shift_right_logical3A_596 = arith.shrui %mul3A_593, %shift_right_logical3A_595 : vector<16xi32>
      %mul3A_597 = arith.constant 72 : i32
      %mul3A_598 = vector.broadcast %mul3A_597 : i32 to vector<16xi32>
      %mul3A_599 = arith.muli %shift_right_logical3A_596, %mul3A_598 : vector<16xi32>
      %add3A_600 = arith.addi %add3A_590, %mul3A_599 : vector<16xi32>
      %gather3A_601 = tpu.vector_load_idx %arg6[%add3A_600] : memref<1024xi32, #tpu.memory_space<vmem>>[vector<16xi32>], vector<16xi32>,
      %swap3A_602 = arith.constant 16 : index
      %swap3A_603 = tpu.vector_load %arg8[%swap3A_602] {strides = array<i32>} : memref<448xi32, #tpu.memory_space<vmem>>, vector<16xi32>,
      tpu.vector_store %arg8[%swap3A_602], %gather3A_601 {strides = array<i32>} : memref<448xi32, #tpu.memory_space<vmem>>, vector<16xi32>,
      %iota3A_604 = tpu.iota {dimensions = array<i32: 0>} : vector<16xi32>
      %add3A_605 = arith.constant 32 : i32
      %add3A_606 = vector.broadcast %add3A_605 : i32 to vector<16xi32>
      %add3A_607 = arith.addi %add3A_606, %iota3A_604 : vector<16xi32>
      %mul3A_608 = arith.constant 1171 : i32
      %mul3A_609 = vector.broadcast %mul3A_608 : i32 to vector<16xi32>
      %mul3A_610 = arith.muli %add3A_607, %mul3A_609 : vector<16xi32>
      %shift_right_logical3A_611 = arith.constant 16 : i32
      %shift_right_logical3A_612 = vector.broadcast %shift_right_logical3A_611 : i32 to vector<16xi32>
      %shift_right_logical3A_613 = arith.shrui %mul3A_610, %shift_right_logical3A_612 : vector<16xi32>
      %mul3A_614 = arith.constant 72 : i32
      %mul3A_615 = vector.broadcast %mul3A_614 : i32 to vector<16xi32>
      %mul3A_616 = arith.muli %shift_right_logical3A_613, %mul3A_615 : vector<16xi32>
      %add3A_617 = arith.addi %add3A_607, %mul3A_616 : vector<16xi32>
      %gather3A_618 = tpu.vector_load_idx %arg6[%add3A_617] : memref<1024xi32, #tpu.memory_space<vmem>>[vector<16xi32>], vector<16xi32>,
      %swap3A_619 = arith.constant 32 : index
      %swap3A_620 = tpu.vector_load %arg8[%swap3A_619] {strides = array<i32>} : memref<448xi32, #tpu.memory_space<vmem>>, vector<16xi32>,
      tpu.vector_store %arg8[%swap3A_619], %gather3A_618 {strides = array<i32>} : memref<448xi32, #tpu.memory_space<vmem>>, vector<16xi32>,
      %iota3A_621 = tpu.iota {dimensions = array<i32: 0>} : vector<16xi32>
      %add3A_622 = arith.constant 48 : i32
      %add3A_623 = vector.broadcast %add3A_622 : i32 to vector<16xi32>
      %add3A_624 = arith.addi %add3A_623, %iota3A_621 : vector<16xi32>
      %mul3A_625 = arith.constant 1171 : i32
      %mul3A_626 = vector.broadcast %mul3A_625 : i32 to vector<16xi32>
      %mul3A_627 = arith.muli %add3A_624, %mul3A_626 : vector<16xi32>
      %shift_right_logical3A_628 = arith.constant 16 : i32
      %shift_right_logical3A_629 = vector.broadcast %shift_right_logical3A_628 : i32 to vector<16xi32>
      %shift_right_logical3A_630 = arith.shrui %mul3A_627, %shift_right_logical3A_629 : vector<16xi32>
      %mul3A_631 = arith.constant 72 : i32
      %mul3A_632 = vector.broadcast %mul3A_631 : i32 to vector<16xi32>
      %mul3A_633 = arith.muli %shift_right_logical3A_630, %mul3A_632 : vector<16xi32>
      %add3A_634 = arith.addi %add3A_624, %mul3A_633 : vector<16xi32>
      %gather3A_635 = tpu.vector_load_idx %arg6[%add3A_634] : memref<1024xi32, #tpu.memory_space<vmem>>[vector<16xi32>], vector<16xi32>,
      %swap3A_636 = arith.constant 48 : index
      %swap3A_637 = tpu.vector_load %arg8[%swap3A_636] {strides = array<i32>} : memref<448xi32, #tpu.memory_space<vmem>>, vector<16xi32>,
      tpu.vector_store %arg8[%swap3A_636], %gather3A_635 {strides = array<i32>} : memref<448xi32, #tpu.memory_space<vmem>>, vector<16xi32>,
      %iota3A_638 = tpu.iota {dimensions = array<i32: 0>} : vector<16xi32>
      %add3A_639 = arith.constant 64 : i32
      %add3A_640 = vector.broadcast %add3A_639 : i32 to vector<16xi32>
      %add3A_641 = arith.addi %add3A_640, %iota3A_638 : vector<16xi32>
      %mul3A_642 = arith.constant 1171 : i32
      %mul3A_643 = vector.broadcast %mul3A_642 : i32 to vector<16xi32>
      %mul3A_644 = arith.muli %add3A_641, %mul3A_643 : vector<16xi32>
      %shift_right_logical3A_645 = arith.constant 16 : i32
      %shift_right_logical3A_646 = vector.broadcast %shift_right_logical3A_645 : i32 to vector<16xi32>
      %shift_right_logical3A_647 = arith.shrui %mul3A_644, %shift_right_logical3A_646 : vector<16xi32>
      %mul3A_648 = arith.constant 72 : i32
      %mul3A_649 = vector.broadcast %mul3A_648 : i32 to vector<16xi32>
      %mul3A_650 = arith.muli %shift_right_logical3A_647, %mul3A_649 : vector<16xi32>
      %add3A_651 = arith.addi %add3A_641, %mul3A_650 : vector<16xi32>
      %gather3A_652 = tpu.vector_load_idx %arg6[%add3A_651] : memref<1024xi32, #tpu.memory_space<vmem>>[vector<16xi32>], vector<16xi32>,
      %swap3A_653 = arith.constant 64 : index
      %swap3A_654 = tpu.vector_load %arg8[%swap3A_653] {strides = array<i32>} : memref<448xi32, #tpu.memory_space<vmem>>, vector<16xi32>,
      tpu.vector_store %arg8[%swap3A_653], %gather3A_652 {strides = array<i32>} : memref<448xi32, #tpu.memory_space<vmem>>, vector<16xi32>,
      %iota3A_655 = tpu.iota {dimensions = array<i32: 0>} : vector<16xi32>
      %add3A_656 = arith.constant 80 : i32
      %add3A_657 = vector.broadcast %add3A_656 : i32 to vector<16xi32>
      %add3A_658 = arith.addi %add3A_657, %iota3A_655 : vector<16xi32>
      %mul3A_659 = arith.constant 1171 : i32
      %mul3A_660 = vector.broadcast %mul3A_659 : i32 to vector<16xi32>
      %mul3A_661 = arith.muli %add3A_658, %mul3A_660 : vector<16xi32>
      %shift_right_logical3A_662 = arith.constant 16 : i32
      %shift_right_logical3A_663 = vector.broadcast %shift_right_logical3A_662 : i32 to vector<16xi32>
      %shift_right_logical3A_664 = arith.shrui %mul3A_661, %shift_right_logical3A_663 : vector<16xi32>
      %mul3A_665 = arith.constant 72 : i32
      %mul3A_666 = vector.broadcast %mul3A_665 : i32 to vector<16xi32>
      %mul3A_667 = arith.muli %shift_right_logical3A_664, %mul3A_666 : vector<16xi32>
      %add3A_668 = arith.addi %add3A_658, %mul3A_667 : vector<16xi32>
      %gather3A_669 = tpu.vector_load_idx %arg6[%add3A_668] : memref<1024xi32, #tpu.memory_space<vmem>>[vector<16xi32>], vector<16xi32>,
      %swap3A_670 = arith.constant 80 : index
      %swap3A_671 = tpu.vector_load %arg8[%swap3A_670] {strides = array<i32>} : memref<448xi32, #tpu.memory_space<vmem>>, vector<16xi32>,
      tpu.vector_store %arg8[%swap3A_670], %gather3A_669 {strides = array<i32>} : memref<448xi32, #tpu.memory_space<vmem>>, vector<16xi32>,
      %iota3A_672 = tpu.iota {dimensions = array<i32: 0>} : vector<16xi32>
      %add3A_673 = arith.constant 96 : i32
      %add3A_674 = vector.broadcast %add3A_673 : i32 to vector<16xi32>
      %add3A_675 = arith.addi %add3A_674, %iota3A_672 : vector<16xi32>
      %mul3A_676 = arith.constant 1171 : i32
      %mul3A_677 = vector.broadcast %mul3A_676 : i32 to vector<16xi32>
      %mul3A_678 = arith.muli %add3A_675, %mul3A_677 : vector<16xi32>
      %shift_right_logical3A_679 = arith.constant 16 : i32
      %shift_right_logical3A_680 = vector.broadcast %shift_right_logical3A_679 : i32 to vector<16xi32>
      %shift_right_logical3A_681 = arith.shrui %mul3A_678, %shift_right_logical3A_680 : vector<16xi32>
      %mul3A_682 = arith.constant 72 : i32
      %mul3A_683 = vector.broadcast %mul3A_682 : i32 to vector<16xi32>
      %mul3A_684 = arith.muli %shift_right_logical3A_681, %mul3A_683 : vector<16xi32>
      %add3A_685 = arith.addi %add3A_675, %mul3A_684 : vector<16xi32>
      %gather3A_686 = tpu.vector_load_idx %arg6[%add3A_685] : memref<1024xi32, #tpu.memory_space<vmem>>[vector<16xi32>], vector<16xi32>,
      %swap3A_687 = arith.constant 96 : index
      %swap3A_688 = tpu.vector_load %arg8[%swap3A_687] {strides = array<i32>} : memref<448xi32, #tpu.memory_space<vmem>>, vector<16xi32>,
      tpu.vector_store %arg8[%swap3A_687], %gather3A_686 {strides = array<i32>} : memref<448xi32, #tpu.memory_space<vmem>>, vector<16xi32>,
      %iota3A_689 = tpu.iota {dimensions = array<i32: 0>} : vector<16xi32>
      %add3A_690 = arith.constant 112 : i32
      %add3A_691 = vector.broadcast %add3A_690 : i32 to vector<16xi32>
      %add3A_692 = arith.addi %add3A_691, %iota3A_689 : vector<16xi32>
      %mul3A_693 = arith.constant 1171 : i32
      %mul3A_694 = vector.broadcast %mul3A_693 : i32 to vector<16xi32>
      %mul3A_695 = arith.muli %add3A_692, %mul3A_694 : vector<16xi32>
      %shift_right_logical3A_696 = arith.constant 16 : i32
      %shift_right_logical3A_697 = vector.broadcast %shift_right_logical3A_696 : i32 to vector<16xi32>
      %shift_right_logical3A_698 = arith.shrui %mul3A_695, %shift_right_logical3A_697 : vector<16xi32>
      %mul3A_699 = arith.constant 72 : i32
      %mul3A_700 = vector.broadcast %mul3A_699 : i32 to vector<16xi32>
      %mul3A_701 = arith.muli %shift_right_logical3A_698, %mul3A_700 : vector<16xi32>
      %add3A_702 = arith.addi %add3A_692, %mul3A_701 : vector<16xi32>
      %gather3A_703 = tpu.vector_load_idx %arg6[%add3A_702] : memref<1024xi32, #tpu.memory_space<vmem>>[vector<16xi32>], vector<16xi32>,
      %swap3A_704 = arith.constant 112 : index
      %swap3A_705 = tpu.vector_load %arg8[%swap3A_704] {strides = array<i32>} : memref<448xi32, #tpu.memory_space<vmem>>, vector<16xi32>,
      tpu.vector_store %arg8[%swap3A_704], %gather3A_703 {strides = array<i32>} : memref<448xi32, #tpu.memory_space<vmem>>, vector<16xi32>,
      %iota3A_706 = tpu.iota {dimensions = array<i32: 0>} : vector<16xi32>
      %add3A_707 = arith.constant 128 : i32
      %add3A_708 = vector.broadcast %add3A_707 : i32 to vector<16xi32>
      %add3A_709 = arith.addi %add3A_708, %iota3A_706 : vector<16xi32>
      %mul3A_710 = arith.constant 1171 : i32
      %mul3A_711 = vector.broadcast %mul3A_710 : i32 to vector<16xi32>
      %mul3A_712 = arith.muli %add3A_709, %mul3A_711 : vector<16xi32>
      %shift_right_logical3A_713 = arith.constant 16 : i32
      %shift_right_logical3A_714 = vector.broadcast %shift_right_logical3A_713 : i32 to vector<16xi32>
      %shift_right_logical3A_715 = arith.shrui %mul3A_712, %shift_right_logical3A_714 : vector<16xi32>
      %mul3A_716 = arith.constant 72 : i32
      %mul3A_717 = vector.broadcast %mul3A_716 : i32 to vector<16xi32>
      %mul3A_718 = arith.muli %shift_right_logical3A_715, %mul3A_717 : vector<16xi32>
      %add3A_719 = arith.addi %add3A_709, %mul3A_718 : vector<16xi32>
      %gather3A_720 = tpu.vector_load_idx %arg6[%add3A_719] : memref<1024xi32, #tpu.memory_space<vmem>>[vector<16xi32>], vector<16xi32>,
      %swap3A_721 = arith.constant 128 : index
      %swap3A_722 = tpu.vector_load %arg8[%swap3A_721] {strides = array<i32>} : memref<448xi32, #tpu.memory_space<vmem>>, vector<16xi32>,
      tpu.vector_store %arg8[%swap3A_721], %gather3A_720 {strides = array<i32>} : memref<448xi32, #tpu.memory_space<vmem>>, vector<16xi32>,
      %iota3A_723 = tpu.iota {dimensions = array<i32: 0>} : vector<16xi32>
      %add3A_724 = arith.constant 144 : i32
      %add3A_725 = vector.broadcast %add3A_724 : i32 to vector<16xi32>
      %add3A_726 = arith.addi %add3A_725, %iota3A_723 : vector<16xi32>
      %mul3A_727 = arith.constant 1171 : i32
      %mul3A_728 = vector.broadcast %mul3A_727 : i32 to vector<16xi32>
      %mul3A_729 = arith.muli %add3A_726, %mul3A_728 : vector<16xi32>
      %shift_right_logical3A_730 = arith.constant 16 : i32
      %shift_right_logical3A_731 = vector.broadcast %shift_right_logical3A_730 : i32 to vector<16xi32>
      %shift_right_logical3A_732 = arith.shrui %mul3A_729, %shift_right_logical3A_731 : vector<16xi32>
      %mul3A_733 = arith.constant 72 : i32
      %mul3A_734 = vector.broadcast %mul3A_733 : i32 to vector<16xi32>
      %mul3A_735 = arith.muli %shift_right_logical3A_732, %mul3A_734 : vector<16xi32>
      %add3A_736 = arith.addi %add3A_726, %mul3A_735 : vector<16xi32>
      %gather3A_737 = tpu.vector_load_idx %arg6[%add3A_736] : memref<1024xi32, #tpu.memory_space<vmem>>[vector<16xi32>], vector<16xi32>,
      %swap3A_738 = arith.constant 144 : index
      %swap3A_739 = tpu.vector_load %arg8[%swap3A_738] {strides = array<i32>} : memref<448xi32, #tpu.memory_space<vmem>>, vector<16xi32>,
      tpu.vector_store %arg8[%swap3A_738], %gather3A_737 {strides = array<i32>} : memref<448xi32, #tpu.memory_space<vmem>>, vector<16xi32>,
      %iota3A_740 = tpu.iota {dimensions = array<i32: 0>} : vector<16xi32>
      %add3A_741 = arith.constant 160 : i32
      %add3A_742 = vector.broadcast %add3A_741 : i32 to vector<16xi32>
      %add3A_743 = arith.addi %add3A_742, %iota3A_740 : vector<16xi32>
      %mul3A_744 = arith.constant 1171 : i32
      %mul3A_745 = vector.broadcast %mul3A_744 : i32 to vector<16xi32>
      %mul3A_746 = arith.muli %add3A_743, %mul3A_745 : vector<16xi32>
      %shift_right_logical3A_747 = arith.constant 16 : i32
      %shift_right_logical3A_748 = vector.broadcast %shift_right_logical3A_747 : i32 to vector<16xi32>
      %shift_right_logical3A_749 = arith.shrui %mul3A_746, %shift_right_logical3A_748 : vector<16xi32>
      %mul3A_750 = arith.constant 72 : i32
      %mul3A_751 = vector.broadcast %mul3A_750 : i32 to vector<16xi32>
      %mul3A_752 = arith.muli %shift_right_logical3A_749, %mul3A_751 : vector<16xi32>
      %add3A_753 = arith.addi %add3A_743, %mul3A_752 : vector<16xi32>
      %gather3A_754 = tpu.vector_load_idx %arg6[%add3A_753] : memref<1024xi32, #tpu.memory_space<vmem>>[vector<16xi32>], vector<16xi32>,
      %swap3A_755 = arith.constant 160 : index
      %swap3A_756 = tpu.vector_load %arg8[%swap3A_755] {strides = array<i32>} : memref<448xi32, #tpu.memory_space<vmem>>, vector<16xi32>,
      tpu.vector_store %arg8[%swap3A_755], %gather3A_754 {strides = array<i32>} : memref<448xi32, #tpu.memory_space<vmem>>, vector<16xi32>,
      %iota3A_757 = tpu.iota {dimensions = array<i32: 0>} : vector<16xi32>
      %add3A_758 = arith.constant 176 : i32
      %add3A_759 = vector.broadcast %add3A_758 : i32 to vector<16xi32>
      %add3A_760 = arith.addi %add3A_759, %iota3A_757 : vector<16xi32>
      %mul3A_761 = arith.constant 1171 : i32
      %mul3A_762 = vector.broadcast %mul3A_761 : i32 to vector<16xi32>
      %mul3A_763 = arith.muli %add3A_760, %mul3A_762 : vector<16xi32>
      %shift_right_logical3A_764 = arith.constant 16 : i32
      %shift_right_logical3A_765 = vector.broadcast %shift_right_logical3A_764 : i32 to vector<16xi32>
      %shift_right_logical3A_766 = arith.shrui %mul3A_763, %shift_right_logical3A_765 : vector<16xi32>
      %mul3A_767 = arith.constant 72 : i32
      %mul3A_768 = vector.broadcast %mul3A_767 : i32 to vector<16xi32>
      %mul3A_769 = arith.muli %shift_right_logical3A_766, %mul3A_768 : vector<16xi32>
      %add3A_770 = arith.addi %add3A_760, %mul3A_769 : vector<16xi32>
      %gather3A_771 = tpu.vector_load_idx %arg6[%add3A_770] : memref<1024xi32, #tpu.memory_space<vmem>>[vector<16xi32>], vector<16xi32>,
      %swap3A_772 = arith.constant 176 : index
      %swap3A_773 = tpu.vector_load %arg8[%swap3A_772] {strides = array<i32>} : memref<448xi32, #tpu.memory_space<vmem>>, vector<16xi32>,
      tpu.vector_store %arg8[%swap3A_772], %gather3A_771 {strides = array<i32>} : memref<448xi32, #tpu.memory_space<vmem>>, vector<16xi32>,
      %iota3A_774 = tpu.iota {dimensions = array<i32: 0>} : vector<16xi32>
      %add3A_775 = arith.constant 192 : i32
      %add3A_776 = vector.broadcast %add3A_775 : i32 to vector<16xi32>
      %add3A_777 = arith.addi %add3A_776, %iota3A_774 : vector<16xi32>
      %mul3A_778 = arith.constant 1171 : i32
      %mul3A_779 = vector.broadcast %mul3A_778 : i32 to vector<16xi32>
      %mul3A_780 = arith.muli %add3A_777, %mul3A_779 : vector<16xi32>
      %shift_right_logical3A_781 = arith.constant 16 : i32
      %shift_right_logical3A_782 = vector.broadcast %shift_right_logical3A_781 : i32 to vector<16xi32>
      %shift_right_logical3A_783 = arith.shrui %mul3A_780, %shift_right_logical3A_782 : vector<16xi32>
      %mul3A_784 = arith.constant 72 : i32
      %mul3A_785 = vector.broadcast %mul3A_784 : i32 to vector<16xi32>
      %mul3A_786 = arith.muli %shift_right_logical3A_783, %mul3A_785 : vector<16xi32>
      %add3A_787 = arith.addi %add3A_777, %mul3A_786 : vector<16xi32>
      %gather3A_788 = tpu.vector_load_idx %arg6[%add3A_787] : memref<1024xi32, #tpu.memory_space<vmem>>[vector<16xi32>], vector<16xi32>,
      %swap3A_789 = arith.constant 192 : index
      %swap3A_790 = tpu.vector_load %arg8[%swap3A_789] {strides = array<i32>} : memref<448xi32, #tpu.memory_space<vmem>>, vector<16xi32>,
      tpu.vector_store %arg8[%swap3A_789], %gather3A_788 {strides = array<i32>} : memref<448xi32, #tpu.memory_space<vmem>>, vector<16xi32>,
      %iota3A_791 = tpu.iota {dimensions = array<i32: 0>} : vector<16xi32>
      %add3A_792 = arith.constant 208 : i32
      %add3A_793 = vector.broadcast %add3A_792 : i32 to vector<16xi32>
      %add3A_794 = arith.addi %add3A_793, %iota3A_791 : vector<16xi32>
      %mul3A_795 = arith.constant 1171 : i32
      %mul3A_796 = vector.broadcast %mul3A_795 : i32 to vector<16xi32>
      %mul3A_797 = arith.muli %add3A_794, %mul3A_796 : vector<16xi32>
      %shift_right_logical3A_798 = arith.constant 16 : i32
      %shift_right_logical3A_799 = vector.broadcast %shift_right_logical3A_798 : i32 to vector<16xi32>
      %shift_right_logical3A_800 = arith.shrui %mul3A_797, %shift_right_logical3A_799 : vector<16xi32>
      %mul3A_801 = arith.constant 72 : i32
      %mul3A_802 = vector.broadcast %mul3A_801 : i32 to vector<16xi32>
      %mul3A_803 = arith.muli %shift_right_logical3A_800, %mul3A_802 : vector<16xi32>
      %add3A_804 = arith.addi %add3A_794, %mul3A_803 : vector<16xi32>
      %gather3A_805 = tpu.vector_load_idx %arg6[%add3A_804] : memref<1024xi32, #tpu.memory_space<vmem>>[vector<16xi32>], vector<16xi32>,
      %swap3A_806 = arith.constant 208 : index
      %swap3A_807 = tpu.vector_load %arg8[%swap3A_806] {strides = array<i32>} : memref<448xi32, #tpu.memory_space<vmem>>, vector<16xi32>,
      tpu.vector_store %arg8[%swap3A_806], %gather3A_805 {strides = array<i32>} : memref<448xi32, #tpu.memory_space<vmem>>, vector<16xi32>,
      %iota3A_808 = tpu.iota {dimensions = array<i32: 0>} : vector<16xi32>
      %add3A_809 = arith.constant 224 : i32
      %add3A_810 = vector.broadcast %add3A_809 : i32 to vector<16xi32>
      %add3A_811 = arith.addi %add3A_810, %iota3A_808 : vector<16xi32>
      %mul3A_812 = arith.constant 1171 : i32
      %mul3A_813 = vector.broadcast %mul3A_812 : i32 to vector<16xi32>
      %mul3A_814 = arith.muli %add3A_811, %mul3A_813 : vector<16xi32>
      %shift_right_logical3A_815 = arith.constant 16 : i32
      %shift_right_logical3A_816 = vector.broadcast %shift_right_logical3A_815 : i32 to vector<16xi32>
      %shift_right_logical3A_817 = arith.shrui %mul3A_814, %shift_right_logical3A_816 : vector<16xi32>
      %mul3A_818 = arith.constant 72 : i32
      %mul3A_819 = vector.broadcast %mul3A_818 : i32 to vector<16xi32>
      %mul3A_820 = arith.muli %shift_right_logical3A_817, %mul3A_819 : vector<16xi32>
      %add3A_821 = arith.addi %add3A_811, %mul3A_820 : vector<16xi32>
      %gather3A_822 = tpu.vector_load_idx %arg6[%add3A_821] : memref<1024xi32, #tpu.memory_space<vmem>>[vector<16xi32>], vector<16xi32>,
      %swap3A_823 = arith.constant 224 : index
      %swap3A_824 = tpu.vector_load %arg8[%swap3A_823] {strides = array<i32>} : memref<448xi32, #tpu.memory_space<vmem>>, vector<16xi32>,
      tpu.vector_store %arg8[%swap3A_823], %gather3A_822 {strides = array<i32>} : memref<448xi32, #tpu.memory_space<vmem>>, vector<16xi32>,
      %iota3A_825 = tpu.iota {dimensions = array<i32: 0>} : vector<16xi32>
      %add3A_826 = arith.constant 240 : i32
      %add3A_827 = vector.broadcast %add3A_826 : i32 to vector<16xi32>
      %add3A_828 = arith.addi %add3A_827, %iota3A_825 : vector<16xi32>
      %mul3A_829 = arith.constant 1171 : i32
      %mul3A_830 = vector.broadcast %mul3A_829 : i32 to vector<16xi32>
      %mul3A_831 = arith.muli %add3A_828, %mul3A_830 : vector<16xi32>
      %shift_right_logical3A_832 = arith.constant 16 : i32
      %shift_right_logical3A_833 = vector.broadcast %shift_right_logical3A_832 : i32 to vector<16xi32>
      %shift_right_logical3A_834 = arith.shrui %mul3A_831, %shift_right_logical3A_833 : vector<16xi32>
      %mul3A_835 = arith.constant 72 : i32
      %mul3A_836 = vector.broadcast %mul3A_835 : i32 to vector<16xi32>
      %mul3A_837 = arith.muli %shift_right_logical3A_834, %mul3A_836 : vector<16xi32>
      %add3A_838 = arith.addi %add3A_828, %mul3A_837 : vector<16xi32>
      %gather3A_839 = tpu.vector_load_idx %arg6[%add3A_838] : memref<1024xi32, #tpu.memory_space<vmem>>[vector<16xi32>], vector<16xi32>,
      %swap3A_840 = arith.constant 240 : index
      %swap3A_841 = tpu.vector_load %arg8[%swap3A_840] {strides = array<i32>} : memref<448xi32, #tpu.memory_space<vmem>>, vector<16xi32>,
      tpu.vector_store %arg8[%swap3A_840], %gather3A_839 {strides = array<i32>} : memref<448xi32, #tpu.memory_space<vmem>>, vector<16xi32>,
      %iota3A_842 = tpu.iota {dimensions = array<i32: 0>} : vector<16xi32>
      %add3A_843 = arith.constant 256 : i32
      %add3A_844 = vector.broadcast %add3A_843 : i32 to vector<16xi32>
      %add3A_845 = arith.addi %add3A_844, %iota3A_842 : vector<16xi32>
      %mul3A_846 = arith.constant 1171 : i32
      %mul3A_847 = vector.broadcast %mul3A_846 : i32 to vector<16xi32>
      %mul3A_848 = arith.muli %add3A_845, %mul3A_847 : vector<16xi32>
      %shift_right_logical3A_849 = arith.constant 16 : i32
      %shift_right_logical3A_850 = vector.broadcast %shift_right_logical3A_849 : i32 to vector<16xi32>
      %shift_right_logical3A_851 = arith.shrui %mul3A_848, %shift_right_logical3A_850 : vector<16xi32>
      %mul3A_852 = arith.constant 72 : i32
      %mul3A_853 = vector.broadcast %mul3A_852 : i32 to vector<16xi32>
      %mul3A_854 = arith.muli %shift_right_logical3A_851, %mul3A_853 : vector<16xi32>
      %add3A_855 = arith.addi %add3A_845, %mul3A_854 : vector<16xi32>
      %gather3A_856 = tpu.vector_load_idx %arg6[%add3A_855] : memref<1024xi32, #tpu.memory_space<vmem>>[vector<16xi32>], vector<16xi32>,
      %swap3A_857 = arith.constant 256 : index
      %swap3A_858 = tpu.vector_load %arg8[%swap3A_857] {strides = array<i32>} : memref<448xi32, #tpu.memory_space<vmem>>, vector<16xi32>,
      tpu.vector_store %arg8[%swap3A_857], %gather3A_856 {strides = array<i32>} : memref<448xi32, #tpu.memory_space<vmem>>, vector<16xi32>,
      %iota3A_859 = tpu.iota {dimensions = array<i32: 0>} : vector<16xi32>
      %add3A_860 = arith.constant 272 : i32
      %add3A_861 = vector.broadcast %add3A_860 : i32 to vector<16xi32>
      %add3A_862 = arith.addi %add3A_861, %iota3A_859 : vector<16xi32>
      %mul3A_863 = arith.constant 1171 : i32
      %mul3A_864 = vector.broadcast %mul3A_863 : i32 to vector<16xi32>
      %mul3A_865 = arith.muli %add3A_862, %mul3A_864 : vector<16xi32>
      %shift_right_logical3A_866 = arith.constant 16 : i32
      %shift_right_logical3A_867 = vector.broadcast %shift_right_logical3A_866 : i32 to vector<16xi32>
      %shift_right_logical3A_868 = arith.shrui %mul3A_865, %shift_right_logical3A_867 : vector<16xi32>
      %mul3A_869 = arith.constant 72 : i32
      %mul3A_870 = vector.broadcast %mul3A_869 : i32 to vector<16xi32>
      %mul3A_871 = arith.muli %shift_right_logical3A_868, %mul3A_870 : vector<16xi32>
      %add3A_872 = arith.addi %add3A_862, %mul3A_871 : vector<16xi32>
      %gather3A_873 = tpu.vector_load_idx %arg6[%add3A_872] : memref<1024xi32, #tpu.memory_space<vmem>>[vector<16xi32>], vector<16xi32>,
      %swap3A_874 = arith.constant 272 : index
      %swap3A_875 = tpu.vector_load %arg8[%swap3A_874] {strides = array<i32>} : memref<448xi32, #tpu.memory_space<vmem>>, vector<16xi32>,
      tpu.vector_store %arg8[%swap3A_874], %gather3A_873 {strides = array<i32>} : memref<448xi32, #tpu.memory_space<vmem>>, vector<16xi32>,
      %iota3A_876 = tpu.iota {dimensions = array<i32: 0>} : vector<16xi32>
      %add3A_877 = arith.constant 288 : i32
      %add3A_878 = vector.broadcast %add3A_877 : i32 to vector<16xi32>
      %add3A_879 = arith.addi %add3A_878, %iota3A_876 : vector<16xi32>
      %mul3A_880 = arith.constant 1171 : i32
      %mul3A_881 = vector.broadcast %mul3A_880 : i32 to vector<16xi32>
      %mul3A_882 = arith.muli %add3A_879, %mul3A_881 : vector<16xi32>
      %shift_right_logical3A_883 = arith.constant 16 : i32
      %shift_right_logical3A_884 = vector.broadcast %shift_right_logical3A_883 : i32 to vector<16xi32>
      %shift_right_logical3A_885 = arith.shrui %mul3A_882, %shift_right_logical3A_884 : vector<16xi32>
      %mul3A_886 = arith.constant 72 : i32
      %mul3A_887 = vector.broadcast %mul3A_886 : i32 to vector<16xi32>
      %mul3A_888 = arith.muli %shift_right_logical3A_885, %mul3A_887 : vector<16xi32>
      %add3A_889 = arith.addi %add3A_879, %mul3A_888 : vector<16xi32>
      %gather3A_890 = tpu.vector_load_idx %arg6[%add3A_889] : memref<1024xi32, #tpu.memory_space<vmem>>[vector<16xi32>], vector<16xi32>,
      %swap3A_891 = arith.constant 288 : index
      %swap3A_892 = tpu.vector_load %arg8[%swap3A_891] {strides = array<i32>} : memref<448xi32, #tpu.memory_space<vmem>>, vector<16xi32>,
      tpu.vector_store %arg8[%swap3A_891], %gather3A_890 {strides = array<i32>} : memref<448xi32, #tpu.memory_space<vmem>>, vector<16xi32>,
      %iota3A_893 = tpu.iota {dimensions = array<i32: 0>} : vector<16xi32>
      %add3A_894 = arith.constant 304 : i32
      %add3A_895 = vector.broadcast %add3A_894 : i32 to vector<16xi32>
      %add3A_896 = arith.addi %add3A_895, %iota3A_893 : vector<16xi32>
      %mul3A_897 = arith.constant 1171 : i32
      %mul3A_898 = vector.broadcast %mul3A_897 : i32 to vector<16xi32>
      %mul3A_899 = arith.muli %add3A_896, %mul3A_898 : vector<16xi32>
      %shift_right_logical3A_900 = arith.constant 16 : i32
      %shift_right_logical3A_901 = vector.broadcast %shift_right_logical3A_900 : i32 to vector<16xi32>
      %shift_right_logical3A_902 = arith.shrui %mul3A_899, %shift_right_logical3A_901 : vector<16xi32>
      %mul3A_903 = arith.constant 72 : i32
      %mul3A_904 = vector.broadcast %mul3A_903 : i32 to vector<16xi32>
      %mul3A_905 = arith.muli %shift_right_logical3A_902, %mul3A_904 : vector<16xi32>
      %add3A_906 = arith.addi %add3A_896, %mul3A_905 : vector<16xi32>
      %gather3A_907 = tpu.vector_load_idx %arg6[%add3A_906] : memref<1024xi32, #tpu.memory_space<vmem>>[vector<16xi32>], vector<16xi32>,
      %swap3A_908 = arith.constant 304 : index
      %swap3A_909 = tpu.vector_load %arg8[%swap3A_908] {strides = array<i32>} : memref<448xi32, #tpu.memory_space<vmem>>, vector<16xi32>,
      tpu.vector_store %arg8[%swap3A_908], %gather3A_907 {strides = array<i32>} : memref<448xi32, #tpu.memory_space<vmem>>, vector<16xi32>,
      %iota3A_910 = tpu.iota {dimensions = array<i32: 0>} : vector<16xi32>
      %add3A_911 = arith.constant 320 : i32
      %add3A_912 = vector.broadcast %add3A_911 : i32 to vector<16xi32>
      %add3A_913 = arith.addi %add3A_912, %iota3A_910 : vector<16xi32>
      %mul3A_914 = arith.constant 1171 : i32
      %mul3A_915 = vector.broadcast %mul3A_914 : i32 to vector<16xi32>
      %mul3A_916 = arith.muli %add3A_913, %mul3A_915 : vector<16xi32>
      %shift_right_logical3A_917 = arith.constant 16 : i32
      %shift_right_logical3A_918 = vector.broadcast %shift_right_logical3A_917 : i32 to vector<16xi32>
      %shift_right_logical3A_919 = arith.shrui %mul3A_916, %shift_right_logical3A_918 : vector<16xi32>
      %mul3A_920 = arith.constant 72 : i32
      %mul3A_921 = vector.broadcast %mul3A_920 : i32 to vector<16xi32>
      %mul3A_922 = arith.muli %shift_right_logical3A_919, %mul3A_921 : vector<16xi32>
      %add3A_923 = arith.addi %add3A_913, %mul3A_922 : vector<16xi32>
      %gather3A_924 = tpu.vector_load_idx %arg6[%add3A_923] : memref<1024xi32, #tpu.memory_space<vmem>>[vector<16xi32>], vector<16xi32>,
      %swap3A_925 = arith.constant 320 : index
      %swap3A_926 = tpu.vector_load %arg8[%swap3A_925] {strides = array<i32>} : memref<448xi32, #tpu.memory_space<vmem>>, vector<16xi32>,
      tpu.vector_store %arg8[%swap3A_925], %gather3A_924 {strides = array<i32>} : memref<448xi32, #tpu.memory_space<vmem>>, vector<16xi32>,
      %iota3A_927 = tpu.iota {dimensions = array<i32: 0>} : vector<16xi32>
      %add3A_928 = arith.constant 336 : i32
      %add3A_929 = vector.broadcast %add3A_928 : i32 to vector<16xi32>
      %add3A_930 = arith.addi %add3A_929, %iota3A_927 : vector<16xi32>
      %mul3A_931 = arith.constant 1171 : i32
      %mul3A_932 = vector.broadcast %mul3A_931 : i32 to vector<16xi32>
      %mul3A_933 = arith.muli %add3A_930, %mul3A_932 : vector<16xi32>
      %shift_right_logical3A_934 = arith.constant 16 : i32
      %shift_right_logical3A_935 = vector.broadcast %shift_right_logical3A_934 : i32 to vector<16xi32>
      %shift_right_logical3A_936 = arith.shrui %mul3A_933, %shift_right_logical3A_935 : vector<16xi32>
      %mul3A_937 = arith.constant 72 : i32
      %mul3A_938 = vector.broadcast %mul3A_937 : i32 to vector<16xi32>
      %mul3A_939 = arith.muli %shift_right_logical3A_936, %mul3A_938 : vector<16xi32>
      %add3A_940 = arith.addi %add3A_930, %mul3A_939 : vector<16xi32>
      %gather3A_941 = tpu.vector_load_idx %arg6[%add3A_940] : memref<1024xi32, #tpu.memory_space<vmem>>[vector<16xi32>], vector<16xi32>,
      %swap3A_942 = arith.constant 336 : index
      %swap3A_943 = tpu.vector_load %arg8[%swap3A_942] {strides = array<i32>} : memref<448xi32, #tpu.memory_space<vmem>>, vector<16xi32>,
      tpu.vector_store %arg8[%swap3A_942], %gather3A_941 {strides = array<i32>} : memref<448xi32, #tpu.memory_space<vmem>>, vector<16xi32>,
      %iota3A_944 = tpu.iota {dimensions = array<i32: 0>} : vector<16xi32>
      %add3A_945 = arith.constant 352 : i32
      %add3A_946 = vector.broadcast %add3A_945 : i32 to vector<16xi32>
      %add3A_947 = arith.addi %add3A_946, %iota3A_944 : vector<16xi32>
      %mul3A_948 = arith.constant 1171 : i32
      %mul3A_949 = vector.broadcast %mul3A_948 : i32 to vector<16xi32>
      %mul3A_950 = arith.muli %add3A_947, %mul3A_949 : vector<16xi32>
      %shift_right_logical3A_951 = arith.constant 16 : i32
      %shift_right_logical3A_952 = vector.broadcast %shift_right_logical3A_951 : i32 to vector<16xi32>
      %shift_right_logical3A_953 = arith.shrui %mul3A_950, %shift_right_logical3A_952 : vector<16xi32>
      %mul3A_954 = arith.constant 72 : i32
      %mul3A_955 = vector.broadcast %mul3A_954 : i32 to vector<16xi32>
      %mul3A_956 = arith.muli %shift_right_logical3A_953, %mul3A_955 : vector<16xi32>
      %add3A_957 = arith.addi %add3A_947, %mul3A_956 : vector<16xi32>
      %gather3A_958 = tpu.vector_load_idx %arg6[%add3A_957] : memref<1024xi32, #tpu.memory_space<vmem>>[vector<16xi32>], vector<16xi32>,
      %swap3A_959 = arith.constant 352 : index
      %swap3A_960 = tpu.vector_load %arg8[%swap3A_959] {strides = array<i32>} : memref<448xi32, #tpu.memory_space<vmem>>, vector<16xi32>,
      tpu.vector_store %arg8[%swap3A_959], %gather3A_958 {strides = array<i32>} : memref<448xi32, #tpu.memory_space<vmem>>, vector<16xi32>,
      %iota3A_961 = tpu.iota {dimensions = array<i32: 0>} : vector<16xi32>
      %add3A_962 = arith.constant 368 : i32
      %add3A_963 = vector.broadcast %add3A_962 : i32 to vector<16xi32>
      %add3A_964 = arith.addi %add3A_963, %iota3A_961 : vector<16xi32>
      %mul3A_965 = arith.constant 1171 : i32
      %mul3A_966 = vector.broadcast %mul3A_965 : i32 to vector<16xi32>
      %mul3A_967 = arith.muli %add3A_964, %mul3A_966 : vector<16xi32>
      %shift_right_logical3A_968 = arith.constant 16 : i32
      %shift_right_logical3A_969 = vector.broadcast %shift_right_logical3A_968 : i32 to vector<16xi32>
      %shift_right_logical3A_970 = arith.shrui %mul3A_967, %shift_right_logical3A_969 : vector<16xi32>
      %mul3A_971 = arith.constant 72 : i32
      %mul3A_972 = vector.broadcast %mul3A_971 : i32 to vector<16xi32>
      %mul3A_973 = arith.muli %shift_right_logical3A_970, %mul3A_972 : vector<16xi32>
      %add3A_974 = arith.addi %add3A_964, %mul3A_973 : vector<16xi32>
      %gather3A_975 = tpu.vector_load_idx %arg6[%add3A_974] : memref<1024xi32, #tpu.memory_space<vmem>>[vector<16xi32>], vector<16xi32>,
      %swap3A_976 = arith.constant 368 : index
      %swap3A_977 = tpu.vector_load %arg8[%swap3A_976] {strides = array<i32>} : memref<448xi32, #tpu.memory_space<vmem>>, vector<16xi32>,
      tpu.vector_store %arg8[%swap3A_976], %gather3A_975 {strides = array<i32>} : memref<448xi32, #tpu.memory_space<vmem>>, vector<16xi32>,
      %iota3A_978 = tpu.iota {dimensions = array<i32: 0>} : vector<16xi32>
      %add3A_979 = arith.constant 384 : i32
      %add3A_980 = vector.broadcast %add3A_979 : i32 to vector<16xi32>
      %add3A_981 = arith.addi %add3A_980, %iota3A_978 : vector<16xi32>
      %mul3A_982 = arith.constant 1171 : i32
      %mul3A_983 = vector.broadcast %mul3A_982 : i32 to vector<16xi32>
      %mul3A_984 = arith.muli %add3A_981, %mul3A_983 : vector<16xi32>
      %shift_right_logical3A_985 = arith.constant 16 : i32
      %shift_right_logical3A_986 = vector.broadcast %shift_right_logical3A_985 : i32 to vector<16xi32>
      %shift_right_logical3A_987 = arith.shrui %mul3A_984, %shift_right_logical3A_986 : vector<16xi32>
      %mul3A_988 = arith.constant 72 : i32
      %mul3A_989 = vector.broadcast %mul3A_988 : i32 to vector<16xi32>
      %mul3A_990 = arith.muli %shift_right_logical3A_987, %mul3A_989 : vector<16xi32>
      %add3A_991 = arith.addi %add3A_981, %mul3A_990 : vector<16xi32>
      %gather3A_992 = tpu.vector_load_idx %arg6[%add3A_991] : memref<1024xi32, #tpu.memory_space<vmem>>[vector<16xi32>], vector<16xi32>,
      %swap3A_993 = arith.constant 384 : index
      %swap3A_994 = tpu.vector_load %arg8[%swap3A_993] {strides = array<i32>} : memref<448xi32, #tpu.memory_space<vmem>>, vector<16xi32>,
      tpu.vector_store %arg8[%swap3A_993], %gather3A_992 {strides = array<i32>} : memref<448xi32, #tpu.memory_space<vmem>>, vector<16xi32>,
      %iota3A_995 = tpu.iota {dimensions = array<i32: 0>} : vector<16xi32>
      %add3A_996 = arith.constant 400 : i32
      %add3A_997 = vector.broadcast %add3A_996 : i32 to vector<16xi32>
      %add3A_998 = arith.addi %add3A_997, %iota3A_995 : vector<16xi32>
      %mul3A_999 = arith.constant 1171 : i32
      %mul3A_1000 = vector.broadcast %mul3A_999 : i32 to vector<16xi32>
      %mul3A_1001 = arith.muli %add3A_998, %mul3A_1000 : vector<16xi32>
      %shift_right_logical3A_1002 = arith.constant 16 : i32
      %shift_right_logical3A_1003 = vector.broadcast %shift_right_logical3A_1002 : i32 to vector<16xi32>
      %shift_right_logical3A_1004 = arith.shrui %mul3A_1001, %shift_right_logical3A_1003 : vector<16xi32>
      %mul3A_1005 = arith.constant 72 : i32
      %mul3A_1006 = vector.broadcast %mul3A_1005 : i32 to vector<16xi32>
      %mul3A_1007 = arith.muli %shift_right_logical3A_1004, %mul3A_1006 : vector<16xi32>
      %add3A_1008 = arith.addi %add3A_998, %mul3A_1007 : vector<16xi32>
      %gather3A_1009 = tpu.vector_load_idx %arg6[%add3A_1008] : memref<1024xi32, #tpu.memory_space<vmem>>[vector<16xi32>], vector<16xi32>,
      %swap3A_1010 = arith.constant 400 : index
      %swap3A_1011 = tpu.vector_load %arg8[%swap3A_1010] {strides = array<i32>} : memref<448xi32, #tpu.memory_space<vmem>>, vector<16xi32>,
      tpu.vector_store %arg8[%swap3A_1010], %gather3A_1009 {strides = array<i32>} : memref<448xi32, #tpu.memory_space<vmem>>, vector<16xi32>,
      %iota3A_1012 = tpu.iota {dimensions = array<i32: 0>} : vector<16xi32>
      %add3A_1013 = arith.constant 416 : i32
      %add3A_1014 = vector.broadcast %add3A_1013 : i32 to vector<16xi32>
      %add3A_1015 = arith.addi %add3A_1014, %iota3A_1012 : vector<16xi32>
      %mul3A_1016 = arith.constant 1171 : i32
      %mul3A_1017 = vector.broadcast %mul3A_1016 : i32 to vector<16xi32>
      %mul3A_1018 = arith.muli %add3A_1015, %mul3A_1017 : vector<16xi32>
      %shift_right_logical3A_1019 = arith.constant 16 : i32
      %shift_right_logical3A_1020 = vector.broadcast %shift_right_logical3A_1019 : i32 to vector<16xi32>
      %shift_right_logical3A_1021 = arith.shrui %mul3A_1018, %shift_right_logical3A_1020 : vector<16xi32>
      %mul3A_1022 = arith.constant 72 : i32
      %mul3A_1023 = vector.broadcast %mul3A_1022 : i32 to vector<16xi32>
      %mul3A_1024 = arith.muli %shift_right_logical3A_1021, %mul3A_1023 : vector<16xi32>
      %add3A_1025 = arith.addi %add3A_1015, %mul3A_1024 : vector<16xi32>
      %gather3A_1026 = tpu.vector_load_idx %arg6[%add3A_1025] : memref<1024xi32, #tpu.memory_space<vmem>>[vector<16xi32>], vector<16xi32>,
      %swap3A_1027 = arith.constant 416 : index
      %swap3A_1028 = tpu.vector_load %arg8[%swap3A_1027] {strides = array<i32>} : memref<448xi32, #tpu.memory_space<vmem>>, vector<16xi32>,
      tpu.vector_store %arg8[%swap3A_1027], %gather3A_1026 {strides = array<i32>} : memref<448xi32, #tpu.memory_space<vmem>>, vector<16xi32>,
      %iota3A_1029 = tpu.iota {dimensions = array<i32: 0>} : vector<16xi32>
      %add3A_1030 = arith.constant 432 : i32
      %add3A_1031 = vector.broadcast %add3A_1030 : i32 to vector<16xi32>
      %add3A_1032 = arith.addi %add3A_1031, %iota3A_1029 : vector<16xi32>
      %mul3A_1033 = arith.constant 1171 : i32
      %mul3A_1034 = vector.broadcast %mul3A_1033 : i32 to vector<16xi32>
      %mul3A_1035 = arith.muli %add3A_1032, %mul3A_1034 : vector<16xi32>
      %shift_right_logical3A_1036 = arith.constant 16 : i32
      %shift_right_logical3A_1037 = vector.broadcast %shift_right_logical3A_1036 : i32 to vector<16xi32>
      %shift_right_logical3A_1038 = arith.shrui %mul3A_1035, %shift_right_logical3A_1037 : vector<16xi32>
      %mul3A_1039 = arith.constant 72 : i32
      %mul3A_1040 = vector.broadcast %mul3A_1039 : i32 to vector<16xi32>
      %mul3A_1041 = arith.muli %shift_right_logical3A_1038, %mul3A_1040 : vector<16xi32>
      %add3A_1042 = arith.addi %add3A_1032, %mul3A_1041 : vector<16xi32>
      %gather3A_1043 = tpu.vector_load_idx %arg6[%add3A_1042] : memref<1024xi32, #tpu.memory_space<vmem>>[vector<16xi32>], vector<16xi32>,
      %swap3A_1044 = arith.constant 432 : index
      %swap3A_1045 = tpu.vector_load %arg8[%swap3A_1044] {strides = array<i32>} : memref<448xi32, #tpu.memory_space<vmem>>, vector<16xi32>,
      tpu.vector_store %arg8[%swap3A_1044], %gather3A_1043 {strides = array<i32>} : memref<448xi32, #tpu.memory_space<vmem>>, vector<16xi32>,
      %dma_start3A_1046 = arith.constant 1 : i32
      %dma_start3A_1047 = arith.constant 0 : i32
      %dma_start3A_1048 = arith.constant 0 : i32
      %dma_start3A_1049 = tpu.memref_slice %arg9[%dma_start3A_1046, %dma_start3A_1047, %dma_start3A_1048] : memref<2x448x80xf32, #tpu.memory_space<vmem>> -> memref<1x112x80xf32, #tpu.memory_space<vmem>>
      %dma_start3A_1050 = tpu.memref_squeeze %dma_start3A_1049 : memref<1x112x80xf32, #tpu.memory_space<vmem>> -> memref<112x80xf32, #tpu.memory_space<vmem>>
      %dma_start3A_1051 = arith.constant 0 : i32
      %dma_start3A_1052 = tpu.memref_slice %arg8[%dma_start3A_1051] : memref<448xi32, #tpu.memory_space<vmem>> -> memref<112xi32, #tpu.memory_space<vmem>>
      %dma_start3A_1053 = arith.constant 0 : i32
      %dma_start3A_1054 = arith.constant 0 : i32
      %dma_start3A_1055 = tpu.memref_slice %arg2[%dma_start3A_1053, %dma_start3A_1054] : memref<10000x80xf32, #tpu.memory_space<hbm>> -> memref<10000x80xf32, #tpu.memory_space<hbm>>
      tpu.enqueue_indirect_dma source(%dma_start3A_1055 : memref<10000x80xf32, #tpu.memory_space<hbm>>) target(%dma_start3A_1050 : memref<112x80xf32, #tpu.memory_space<vmem>>) offsets(%dma_start3A_1052 : memref<112xi32, #tpu.memory_space<vmem>>) semaphore(%arg11 : memref<!tpu.dma_semaphore, #tpu.memory_space<semaphore_mem>>)
      %dma_start3A_1056 = arith.constant 1 : i32
      %dma_start3A_1057 = arith.constant 112 : i32
      %dma_start3A_1058 = arith.constant 0 : i32
      %dma_start3A_1059 = tpu.memref_slice %arg9[%dma_start3A_1056, %dma_start3A_1057, %dma_start3A_1058] : memref<2x448x80xf32, #tpu.memory_space<vmem>> -> memref<1x112x80xf32, #tpu.memory_space<vmem>>
      %dma_start3A_1060 = tpu.memref_squeeze %dma_start3A_1059 : memref<1x112x80xf32, #tpu.memory_space<vmem>> -> memref<112x80xf32, #tpu.memory_space<vmem>>
      %dma_start3A_1061 = arith.constant 112 : i32
      %dma_start3A_1062 = tpu.memref_slice %arg8[%dma_start3A_1061] : memref<448xi32, #tpu.memory_space<vmem>> -> memref<112xi32, #tpu.memory_space<vmem>>
      %dma_start3A_1063 = arith.constant 0 : i32
      %dma_start3A_1064 = arith.constant 0 : i32
      %dma_start3A_1065 = tpu.memref_slice %arg2[%dma_start3A_1063, %dma_start3A_1064] : memref<10000x80xf32, #tpu.memory_space<hbm>> -> memref<10000x80xf32, #tpu.memory_space<hbm>>
      tpu.enqueue_indirect_dma source(%dma_start3A_1065 : memref<10000x80xf32, #tpu.memory_space<hbm>>) target(%dma_start3A_1060 : memref<112x80xf32, #tpu.memory_space<vmem>>) offsets(%dma_start3A_1062 : memref<112xi32, #tpu.memory_space<vmem>>) semaphore(%arg11 : memref<!tpu.dma_semaphore, #tpu.memory_space<semaphore_mem>>)
      %dma_start3A_1066 = arith.constant 1 : i32
      %dma_start3A_1067 = arith.constant 224 : i32
      %dma_start3A_1068 = arith.constant 0 : i32
      %dma_start3A_1069 = tpu.memref_slice %arg9[%dma_start3A_1066, %dma_start3A_1067, %dma_start3A_1068] : memref<2x448x80xf32, #tpu.memory_space<vmem>> -> memref<1x112x80xf32, #tpu.memory_space<vmem>>
      %dma_start3A_1070 = tpu.memref_squeeze %dma_start3A_1069 : memref<1x112x80xf32, #tpu.memory_space<vmem>> -> memref<112x80xf32, #tpu.memory_space<vmem>>
      %dma_start3A_1071 = arith.constant 224 : i32
      %dma_start3A_1072 = tpu.memref_slice %arg8[%dma_start3A_1071] : memref<448xi32, #tpu.memory_space<vmem>> -> memref<112xi32, #tpu.memory_space<vmem>>
      %dma_start3A_1073 = arith.constant 0 : i32
      %dma_start3A_1074 = arith.constant 0 : i32
      %dma_start3A_1075 = tpu.memref_slice %arg2[%dma_start3A_1073, %dma_start3A_1074] : memref<10000x80xf32, #tpu.memory_space<hbm>> -> memref<10000x80xf32, #tpu.memory_space<hbm>>
      tpu.enqueue_indirect_dma source(%dma_start3A_1075 : memref<10000x80xf32, #tpu.memory_space<hbm>>) target(%dma_start3A_1070 : memref<112x80xf32, #tpu.memory_space<vmem>>) offsets(%dma_start3A_1072 : memref<112xi32, #tpu.memory_space<vmem>>) semaphore(%arg11 : memref<!tpu.dma_semaphore, #tpu.memory_space<semaphore_mem>>)
      %dma_start3A_1076 = arith.constant 1 : i32
      %dma_start3A_1077 = arith.constant 336 : i32
      %dma_start3A_1078 = arith.constant 0 : i32
      %dma_start3A_1079 = tpu.memref_slice %arg9[%dma_start3A_1076, %dma_start3A_1077, %dma_start3A_1078] : memref<2x448x80xf32, #tpu.memory_space<vmem>> -> memref<1x112x80xf32, #tpu.memory_space<vmem>>
      %dma_start3A_1080 = tpu.memref_squeeze %dma_start3A_1079 : memref<1x112x80xf32, #tpu.memory_space<vmem>> -> memref<112x80xf32, #tpu.memory_space<vmem>>
      %dma_start3A_1081 = arith.constant 336 : i32
      %dma_start3A_1082 = tpu.memref_slice %arg8[%dma_start3A_1081] : memref<448xi32, #tpu.memory_space<vmem>> -> memref<112xi32, #tpu.memory_space<vmem>>
      %dma_start3A_1083 = arith.constant 0 : i32
      %dma_start3A_1084 = arith.constant 0 : i32
      %dma_start3A_1085 = tpu.memref_slice %arg2[%dma_start3A_1083, %dma_start3A_1084] : memref<10000x80xf32, #tpu.memory_space<hbm>> -> memref<10000x80xf32, #tpu.memory_space<hbm>>
      tpu.enqueue_indirect_dma source(%dma_start3A_1085 : memref<10000x80xf32, #tpu.memory_space<hbm>>) target(%dma_start3A_1080 : memref<112x80xf32, #tpu.memory_space<vmem>>) offsets(%dma_start3A_1082 : memref<112xi32, #tpu.memory_space<vmem>>) semaphore(%arg11 : memref<!tpu.dma_semaphore, #tpu.memory_space<semaphore_mem>>)
      %dma_wait3A_1086 = arith.constant 0 : i32
      %dma_wait3A_1087 = arith.constant 0 : i32
      %dma_wait3A_1088 = arith.constant 0 : i32
      %dma_wait3A_1089 = tpu.memref_slice %arg9[%dma_wait3A_1086, %dma_wait3A_1087, %dma_wait3A_1088] : memref<2x448x80xf32, #tpu.memory_space<vmem>> -> memref<1x112x80xf32, #tpu.memory_space<vmem>>
      %dma_wait3A_1090 = tpu.memref_squeeze %dma_wait3A_1089 : memref<1x112x80xf32, #tpu.memory_space<vmem>> -> memref<112x80xf32, #tpu.memory_space<vmem>>
      %dma_wait3A_1091 = arith.constant 0 : i32
      %dma_wait3A_1092 = tpu.memref_slice %arg7[%dma_wait3A_1091] : memref<448xi32, #tpu.memory_space<vmem>> -> memref<112xi32, #tpu.memory_space<vmem>>
      %dma_wait3A_1093 = arith.constant 0 : i32
      %dma_wait3A_1094 = arith.constant 0 : i32
      %dma_wait3A_1095 = tpu.memref_slice %arg2[%dma_wait3A_1093, %dma_wait3A_1094] : memref<10000x80xf32, #tpu.memory_space<hbm>> -> memref<10000x80xf32, #tpu.memory_space<hbm>>
      tpu.wait_indirect_dma semaphore(%arg10 : memref<!tpu.dma_semaphore, #tpu.memory_space<semaphore_mem>>) src(%dma_wait3A_1095 : memref<10000x80xf32, #tpu.memory_space<hbm>>) dst(%dma_wait3A_1090 : memref<112x80xf32, #tpu.memory_space<vmem>>)
      %dma_wait3A_1096 = arith.constant 0 : i32
      %dma_wait3A_1097 = arith.constant 112 : i32
      %dma_wait3A_1098 = arith.constant 0 : i32
      %dma_wait3A_1099 = tpu.memref_slice %arg9[%dma_wait3A_1096, %dma_wait3A_1097, %dma_wait3A_1098] : memref<2x448x80xf32, #tpu.memory_space<vmem>> -> memref<1x112x80xf32, #tpu.memory_space<vmem>>
      %dma_wait3A_1100 = tpu.memref_squeeze %dma_wait3A_1099 : memref<1x112x80xf32, #tpu.memory_space<vmem>> -> memref<112x80xf32, #tpu.memory_space<vmem>>
      %dma_wait3A_1101 = arith.constant 112 : i32
      %dma_wait3A_1102 = tpu.memref_slice %arg7[%dma_wait3A_1101] : memref<448xi32, #tpu.memory_space<vmem>> -> memref<112xi32, #tpu.memory_space<vmem>>
      %dma_wait3A_1103 = arith.constant 0 : i32
      %dma_wait3A_1104 = arith.constant 0 : i32
      %dma_wait3A_1105 = tpu.memref_slice %arg2[%dma_wait3A_1103, %dma_wait3A_1104] : memref<10000x80xf32, #tpu.memory_space<hbm>> -> memref<10000x80xf32, #tpu.memory_space<hbm>>
      tpu.wait_indirect_dma semaphore(%arg10 : memref<!tpu.dma_semaphore, #tpu.memory_space<semaphore_mem>>) src(%dma_wait3A_1105 : memref<10000x80xf32, #tpu.memory_space<hbm>>) dst(%dma_wait3A_1100 : memref<112x80xf32, #tpu.memory_space<vmem>>)
      %dma_wait3A_1106 = arith.constant 0 : i32
      %dma_wait3A_1107 = arith.constant 224 : i32
      %dma_wait3A_1108 = arith.constant 0 : i32
      %dma_wait3A_1109 = tpu.memref_slice %arg9[%dma_wait3A_1106, %dma_wait3A_1107, %dma_wait3A_1108] : memref<2x448x80xf32, #tpu.memory_space<vmem>> -> memref<1x112x80xf32, #tpu.memory_space<vmem>>
      %dma_wait3A_1110 = tpu.memref_squeeze %dma_wait3A_1109 : memref<1x112x80xf32, #tpu.memory_space<vmem>> -> memref<112x80xf32, #tpu.memory_space<vmem>>
      %dma_wait3A_1111 = arith.constant 224 : i32
      %dma_wait3A_1112 = tpu.memref_slice %arg7[%dma_wait3A_1111] : memref<448xi32, #tpu.memory_space<vmem>> -> memref<112xi32, #tpu.memory_space<vmem>>
      %dma_wait3A_1113 = arith.constant 0 : i32
      %dma_wait3A_1114 = arith.constant 0 : i32
      %dma_wait3A_1115 = tpu.memref_slice %arg2[%dma_wait3A_1113, %dma_wait3A_1114] : memref<10000x80xf32, #tpu.memory_space<hbm>> -> memref<10000x80xf32, #tpu.memory_space<hbm>>
      tpu.wait_indirect_dma semaphore(%arg10 : memref<!tpu.dma_semaphore, #tpu.memory_space<semaphore_mem>>) src(%dma_wait3A_1115 : memref<10000x80xf32, #tpu.memory_space<hbm>>) dst(%dma_wait3A_1110 : memref<112x80xf32, #tpu.memory_space<vmem>>)
      %dma_wait3A_1116 = arith.constant 0 : i32
      %dma_wait3A_1117 = arith.constant 336 : i32
      %dma_wait3A_1118 = arith.constant 0 : i32
      %dma_wait3A_1119 = tpu.memref_slice %arg9[%dma_wait3A_1116, %dma_wait3A_1117, %dma_wait3A_1118] : memref<2x448x80xf32, #tpu.memory_space<vmem>> -> memref<1x112x80xf32, #tpu.memory_space<vmem>>
      %dma_wait3A_1120 = tpu.memref_squeeze %dma_wait3A_1119 : memref<1x112x80xf32, #tpu.memory_space<vmem>> -> memref<112x80xf32, #tpu.memory_space<vmem>>
      %dma_wait3A_1121 = arith.constant 336 : i32
      %dma_wait3A_1122 = tpu.memref_slice %arg7[%dma_wait3A_1121] : memref<448xi32, #tpu.memory_space<vmem>> -> memref<112xi32, #tpu.memory_space<vmem>>
      %dma_wait3A_1123 = arith.constant 0 : i32
      %dma_wait3A_1124 = arith.constant 0 : i32
      %dma_wait3A_1125 = tpu.memref_slice %arg2[%dma_wait3A_1123, %dma_wait3A_1124] : memref<10000x80xf32, #tpu.memory_space<hbm>> -> memref<10000x80xf32, #tpu.memory_space<hbm>>
      tpu.wait_indirect_dma semaphore(%arg10 : memref<!tpu.dma_semaphore, #tpu.memory_space<semaphore_mem>>) src(%dma_wait3A_1125 : memref<10000x80xf32, #tpu.memory_space<hbm>>) dst(%dma_wait3A_1120 : memref<112x80xf32, #tpu.memory_space<vmem>>)
      %add3A_1126 = arith.constant 0 : i32
      %add3A_1127 = arith.addi %add3A_45, %add3A_1126 : i32
      %dma_start3A_1128 = arith.constant 0 : i32
      %dma_start3A_1129 = arith.constant 0 : i32
      %dma_start3A_1130 = arith.constant 0 : i32
      %dma_start3A_1131 = tpu.memref_slice %arg9[%dma_start3A_1128, %dma_start3A_1129, %dma_start3A_1130] : memref<2x448x80xf32, #tpu.memory_space<vmem>> -> memref<1x50x80xf32, #tpu.memory_space<vmem>>
      %dma_start3A_1132 = tpu.memref_squeeze %dma_start3A_1131 : memref<1x50x80xf32, #tpu.memory_space<vmem>> -> memref<50x80xf32, #tpu.memory_space<vmem>>
      %dma_start3A_1133 = arith.constant 0 : i32
      %dma_start3A_1134 = arith.constant 0 : i32
      %dma_start3A_1135 = tpu.memref_slice %arg4[%add3A_1127, %dma_start3A_1133, %dma_start3A_1134] : memref<16384x50x80xf32, #tpu.memory_space<hbm>> -> memref<1x50x80xf32, #tpu.memory_space<hbm>>
      %dma_start3A_1136 = tpu.memref_squeeze %dma_start3A_1135 : memref<1x50x80xf32, #tpu.memory_space<hbm>> -> memref<50x80xf32, #tpu.memory_space<hbm>>
      %dma_start3A_1137 = arith.constant 0 : i32
      %dma_start3A_1138 = arith.constant 0 : i32
      %dma_start3A_1139 = tpu.memref_slice %arg4[%add3A_1127, %dma_start3A_1137, %dma_start3A_1138] : memref<16384x50x80xf32, #tpu.memory_space<hbm>> -> memref<1x50x80xf32, #tpu.memory_space<hbm>>
      %dma_start3A_1140 = tpu.memref_squeeze %dma_start3A_1139 : memref<1x50x80xf32, #tpu.memory_space<hbm>> -> memref<50x80xf32, #tpu.memory_space<hbm>>
      %dma_start3A_1141 = arith.constant 0 : i32
      %dma_start3A_1142 = arith.constant 0 : i32
      %dma_start3A_1143 = tpu.memref_slice %arg9[%dma_start3A_1128, %dma_start3A_1141, %dma_start3A_1142] : memref<2x448x80xf32, #tpu.memory_space<vmem>> -> memref<1x50x80xf32, #tpu.memory_space<vmem>>
      %dma_start3A_1144 = tpu.memref_squeeze %dma_start3A_1143 : memref<1x50x80xf32, #tpu.memory_space<vmem>> -> memref<50x80xf32, #tpu.memory_space<vmem>>
      tpu.enqueue_dma source(%dma_start3A_1144 : memref<50x80xf32, #tpu.memory_space<vmem>>) target(%dma_start3A_1140 : memref<50x80xf32, #tpu.memory_space<hbm>>) target_semaphore(%arg12 : memref<!tpu.dma_semaphore, #tpu.memory_space<semaphore_mem>>)
      %add3A_1145 = arith.constant 1 : i32
      %add3A_1146 = arith.addi %add3A_45, %add3A_1145 : i32
      %dma_start3A_1147 = arith.constant 0 : i32
      %dma_start3A_1148 = arith.constant 56 : i32
      %dma_start3A_1149 = arith.constant 0 : i32
      %dma_start3A_1150 = tpu.memref_slice %arg9[%dma_start3A_1147, %dma_start3A_1148, %dma_start3A_1149] : memref<2x448x80xf32, #tpu.memory_space<vmem>> -> memref<1x50x80xf32, #tpu.memory_space<vmem>>
      %dma_start3A_1151 = tpu.memref_squeeze %dma_start3A_1150 : memref<1x50x80xf32, #tpu.memory_space<vmem>> -> memref<50x80xf32, #tpu.memory_space<vmem>>
      %dma_start3A_1152 = arith.constant 0 : i32
      %dma_start3A_1153 = arith.constant 0 : i32
      %dma_start3A_1154 = tpu.memref_slice %arg4[%add3A_1146, %dma_start3A_1152, %dma_start3A_1153] : memref<16384x50x80xf32, #tpu.memory_space<hbm>> -> memref<1x50x80xf32, #tpu.memory_space<hbm>>
      %dma_start3A_1155 = tpu.memref_squeeze %dma_start3A_1154 : memref<1x50x80xf32, #tpu.memory_space<hbm>> -> memref<50x80xf32, #tpu.memory_space<hbm>>
      %dma_start3A_1156 = arith.constant 0 : i32
      %dma_start3A_1157 = arith.constant 0 : i32
      %dma_start3A_1158 = tpu.memref_slice %arg4[%add3A_1146, %dma_start3A_1156, %dma_start3A_1157] : memref<16384x50x80xf32, #tpu.memory_space<hbm>> -> memref<1x50x80xf32, #tpu.memory_space<hbm>>
      %dma_start3A_1159 = tpu.memref_squeeze %dma_start3A_1158 : memref<1x50x80xf32, #tpu.memory_space<hbm>> -> memref<50x80xf32, #tpu.memory_space<hbm>>
      %dma_start3A_1160 = arith.constant 56 : i32
      %dma_start3A_1161 = arith.constant 0 : i32
      %dma_start3A_1162 = tpu.memref_slice %arg9[%dma_start3A_1147, %dma_start3A_1160, %dma_start3A_1161] : memref<2x448x80xf32, #tpu.memory_space<vmem>> -> memref<1x50x80xf32, #tpu.memory_space<vmem>>
      %dma_start3A_1163 = tpu.memref_squeeze %dma_start3A_1162 : memref<1x50x80xf32, #tpu.memory_space<vmem>> -> memref<50x80xf32, #tpu.memory_space<vmem>>
      tpu.enqueue_dma source(%dma_start3A_1163 : memref<50x80xf32, #tpu.memory_space<vmem>>) target(%dma_start3A_1159 : memref<50x80xf32, #tpu.memory_space<hbm>>) target_semaphore(%arg12 : memref<!tpu.dma_semaphore, #tpu.memory_space<semaphore_mem>>)
      %add3A_1164 = arith.constant 2 : i32
      %add3A_1165 = arith.addi %add3A_45, %add3A_1164 : i32
      %dma_start3A_1166 = arith.constant 0 : i32
      %dma_start3A_1167 = arith.constant 112 : i32
      %dma_start3A_1168 = arith.constant 0 : i32
      %dma_start3A_1169 = tpu.memref_slice %arg9[%dma_start3A_1166, %dma_start3A_1167, %dma_start3A_1168] : memref<2x448x80xf32, #tpu.memory_space<vmem>> -> memref<1x50x80xf32, #tpu.memory_space<vmem>>
      %dma_start3A_1170 = tpu.memref_squeeze %dma_start3A_1169 : memref<1x50x80xf32, #tpu.memory_space<vmem>> -> memref<50x80xf32, #tpu.memory_space<vmem>>
      %dma_start3A_1171 = arith.constant 0 : i32
      %dma_start3A_1172 = arith.constant 0 : i32
      %dma_start3A_1173 = tpu.memref_slice %arg4[%add3A_1165, %dma_start3A_1171, %dma_start3A_1172] : memref<16384x50x80xf32, #tpu.memory_space<hbm>> -> memref<1x50x80xf32, #tpu.memory_space<hbm>>
      %dma_start3A_1174 = tpu.memref_squeeze %dma_start3A_1173 : memref<1x50x80xf32, #tpu.memory_space<hbm>> -> memref<50x80xf32, #tpu.memory_space<hbm>>
      %dma_start3A_1175 = arith.constant 0 : i32
      %dma_start3A_1176 = arith.constant 0 : i32
      %dma_start3A_1177 = tpu.memref_slice %arg4[%add3A_1165, %dma_start3A_1175, %dma_start3A_1176] : memref<16384x50x80xf32, #tpu.memory_space<hbm>> -> memref<1x50x80xf32, #tpu.memory_space<hbm>>
      %dma_start3A_1178 = tpu.memref_squeeze %dma_start3A_1177 : memref<1x50x80xf32, #tpu.memory_space<hbm>> -> memref<50x80xf32, #tpu.memory_space<hbm>>
      %dma_start3A_1179 = arith.constant 112 : i32
      %dma_start3A_1180 = arith.constant 0 : i32
      %dma_start3A_1181 = tpu.memref_slice %arg9[%dma_start3A_1166, %dma_start3A_1179, %dma_start3A_1180] : memref<2x448x80xf32, #tpu.memory_space<vmem>> -> memref<1x50x80xf32, #tpu.memory_space<vmem>>
      %dma_start3A_1182 = tpu.memref_squeeze %dma_start3A_1181 : memref<1x50x80xf32, #tpu.memory_space<vmem>> -> memref<50x80xf32, #tpu.memory_space<vmem>>
      tpu.enqueue_dma source(%dma_start3A_1182 : memref<50x80xf32, #tpu.memory_space<vmem>>) target(%dma_start3A_1178 : memref<50x80xf32, #tpu.memory_space<hbm>>) target_semaphore(%arg12 : memref<!tpu.dma_semaphore, #tpu.memory_space<semaphore_mem>>)
      %add3A_1183 = arith.constant 3 : i32
      %add3A_1184 = arith.addi %add3A_45, %add3A_1183 : i32
      %dma_start3A_1185 = arith.constant 0 : i32
      %dma_start3A_1186 = arith.constant 168 : i32
      %dma_start3A_1187 = arith.constant 0 : i32
      %dma_start3A_1188 = tpu.memref_slice %arg9[%dma_start3A_1185, %dma_start3A_1186, %dma_start3A_1187] : memref<2x448x80xf32, #tpu.memory_space<vmem>> -> memref<1x50x80xf32, #tpu.memory_space<vmem>>
      %dma_start3A_1189 = tpu.memref_squeeze %dma_start3A_1188 : memref<1x50x80xf32, #tpu.memory_space<vmem>> -> memref<50x80xf32, #tpu.memory_space<vmem>>
      %dma_start3A_1190 = arith.constant 0 : i32
      %dma_start3A_1191 = arith.constant 0 : i32
      %dma_start3A_1192 = tpu.memref_slice %arg4[%add3A_1184, %dma_start3A_1190, %dma_start3A_1191] : memref<16384x50x80xf32, #tpu.memory_space<hbm>> -> memref<1x50x80xf32, #tpu.memory_space<hbm>>
      %dma_start3A_1193 = tpu.memref_squeeze %dma_start3A_1192 : memref<1x50x80xf32, #tpu.memory_space<hbm>> -> memref<50x80xf32, #tpu.memory_space<hbm>>
      %dma_start3A_1194 = arith.constant 0 : i32
      %dma_start3A_1195 = arith.constant 0 : i32
      %dma_start3A_1196 = tpu.memref_slice %arg4[%add3A_1184, %dma_start3A_1194, %dma_start3A_1195] : memref<16384x50x80xf32, #tpu.memory_space<hbm>> -> memref<1x50x80xf32, #tpu.memory_space<hbm>>
      %dma_start3A_1197 = tpu.memref_squeeze %dma_start3A_1196 : memref<1x50x80xf32, #tpu.memory_space<hbm>> -> memref<50x80xf32, #tpu.memory_space<hbm>>
      %dma_start3A_1198 = arith.constant 168 : i32
      %dma_start3A_1199 = arith.constant 0 : i32
      %dma_start3A_1200 = tpu.memref_slice %arg9[%dma_start3A_1185, %dma_start3A_1198, %dma_start3A_1199] : memref<2x448x80xf32, #tpu.memory_space<vmem>> -> memref<1x50x80xf32, #tpu.memory_space<vmem>>
      %dma_start3A_1201 = tpu.memref_squeeze %dma_start3A_1200 : memref<1x50x80xf32, #tpu.memory_space<vmem>> -> memref<50x80xf32, #tpu.memory_space<vmem>>
      tpu.enqueue_dma source(%dma_start3A_1201 : memref<50x80xf32, #tpu.memory_space<vmem>>) target(%dma_start3A_1197 : memref<50x80xf32, #tpu.memory_space<hbm>>) target_semaphore(%arg12 : memref<!tpu.dma_semaphore, #tpu.memory_space<semaphore_mem>>)
      %add3A_1202 = arith.constant 4 : i32
      %add3A_1203 = arith.addi %add3A_45, %add3A_1202 : i32
      %dma_start3A_1204 = arith.constant 0 : i32
      %dma_start3A_1205 = arith.constant 224 : i32
      %dma_start3A_1206 = arith.constant 0 : i32
      %dma_start3A_1207 = tpu.memref_slice %arg9[%dma_start3A_1204, %dma_start3A_1205, %dma_start3A_1206] : memref<2x448x80xf32, #tpu.memory_space<vmem>> -> memref<1x50x80xf32, #tpu.memory_space<vmem>>
      %dma_start3A_1208 = tpu.memref_squeeze %dma_start3A_1207 : memref<1x50x80xf32, #tpu.memory_space<vmem>> -> memref<50x80xf32, #tpu.memory_space<vmem>>
      %dma_start3A_1209 = arith.constant 0 : i32
      %dma_start3A_1210 = arith.constant 0 : i32
      %dma_start3A_1211 = tpu.memref_slice %arg4[%add3A_1203, %dma_start3A_1209, %dma_start3A_1210] : memref<16384x50x80xf32, #tpu.memory_space<hbm>> -> memref<1x50x80xf32, #tpu.memory_space<hbm>>
      %dma_start3A_1212 = tpu.memref_squeeze %dma_start3A_1211 : memref<1x50x80xf32, #tpu.memory_space<hbm>> -> memref<50x80xf32, #tpu.memory_space<hbm>>
      %dma_start3A_1213 = arith.constant 0 : i32
      %dma_start3A_1214 = arith.constant 0 : i32
      %dma_start3A_1215 = tpu.memref_slice %arg4[%add3A_1203, %dma_start3A_1213, %dma_start3A_1214] : memref<16384x50x80xf32, #tpu.memory_space<hbm>> -> memref<1x50x80xf32, #tpu.memory_space<hbm>>
      %dma_start3A_1216 = tpu.memref_squeeze %dma_start3A_1215 : memref<1x50x80xf32, #tpu.memory_space<hbm>> -> memref<50x80xf32, #tpu.memory_space<hbm>>
      %dma_start3A_1217 = arith.constant 224 : i32
      %dma_start3A_1218 = arith.constant 0 : i32
      %dma_start3A_1219 = tpu.memref_slice %arg9[%dma_start3A_1204, %dma_start3A_1217, %dma_start3A_1218] : memref<2x448x80xf32, #tpu.memory_space<vmem>> -> memref<1x50x80xf32, #tpu.memory_space<vmem>>
      %dma_start3A_1220 = tpu.memref_squeeze %dma_start3A_1219 : memref<1x50x80xf32, #tpu.memory_space<vmem>> -> memref<50x80xf32, #tpu.memory_space<vmem>>
      tpu.enqueue_dma source(%dma_start3A_1220 : memref<50x80xf32, #tpu.memory_space<vmem>>) target(%dma_start3A_1216 : memref<50x80xf32, #tpu.memory_space<hbm>>) target_semaphore(%arg12 : memref<!tpu.dma_semaphore, #tpu.memory_space<semaphore_mem>>)
      %add3A_1221 = arith.constant 5 : i32
      %add3A_1222 = arith.addi %add3A_45, %add3A_1221 : i32
      %dma_start3A_1223 = arith.constant 0 : i32
      %dma_start3A_1224 = arith.constant 280 : i32
      %dma_start3A_1225 = arith.constant 0 : i32
      %dma_start3A_1226 = tpu.memref_slice %arg9[%dma_start3A_1223, %dma_start3A_1224, %dma_start3A_1225] : memref<2x448x80xf32, #tpu.memory_space<vmem>> -> memref<1x50x80xf32, #tpu.memory_space<vmem>>
      %dma_start3A_1227 = tpu.memref_squeeze %dma_start3A_1226 : memref<1x50x80xf32, #tpu.memory_space<vmem>> -> memref<50x80xf32, #tpu.memory_space<vmem>>
      %dma_start3A_1228 = arith.constant 0 : i32
      %dma_start3A_1229 = arith.constant 0 : i32
      %dma_start3A_1230 = tpu.memref_slice %arg4[%add3A_1222, %dma_start3A_1228, %dma_start3A_1229] : memref<16384x50x80xf32, #tpu.memory_space<hbm>> -> memref<1x50x80xf32, #tpu.memory_space<hbm>>
      %dma_start3A_1231 = tpu.memref_squeeze %dma_start3A_1230 : memref<1x50x80xf32, #tpu.memory_space<hbm>> -> memref<50x80xf32, #tpu.memory_space<hbm>>
      %dma_start3A_1232 = arith.constant 0 : i32
      %dma_start3A_1233 = arith.constant 0 : i32
      %dma_start3A_1234 = tpu.memref_slice %arg4[%add3A_1222, %dma_start3A_1232, %dma_start3A_1233] : memref<16384x50x80xf32, #tpu.memory_space<hbm>> -> memref<1x50x80xf32, #tpu.memory_space<hbm>>
      %dma_start3A_1235 = tpu.memref_squeeze %dma_start3A_1234 : memref<1x50x80xf32, #tpu.memory_space<hbm>> -> memref<50x80xf32, #tpu.memory_space<hbm>>
      %dma_start3A_1236 = arith.constant 280 : i32
      %dma_start3A_1237 = arith.constant 0 : i32
      %dma_start3A_1238 = tpu.memref_slice %arg9[%dma_start3A_1223, %dma_start3A_1236, %dma_start3A_1237] : memref<2x448x80xf32, #tpu.memory_space<vmem>> -> memref<1x50x80xf32, #tpu.memory_space<vmem>>
      %dma_start3A_1239 = tpu.memref_squeeze %dma_start3A_1238 : memref<1x50x80xf32, #tpu.memory_space<vmem>> -> memref<50x80xf32, #tpu.memory_space<vmem>>
      tpu.enqueue_dma source(%dma_start3A_1239 : memref<50x80xf32, #tpu.memory_space<vmem>>) target(%dma_start3A_1235 : memref<50x80xf32, #tpu.memory_space<hbm>>) target_semaphore(%arg12 : memref<!tpu.dma_semaphore, #tpu.memory_space<semaphore_mem>>)
      %add3A_1240 = arith.constant 6 : i32
      %add3A_1241 = arith.addi %add3A_45, %add3A_1240 : i32
      %dma_start3A_1242 = arith.constant 0 : i32
      %dma_start3A_1243 = arith.constant 336 : i32
      %dma_start3A_1244 = arith.constant 0 : i32
      %dma_start3A_1245 = tpu.memref_slice %arg9[%dma_start3A_1242, %dma_start3A_1243, %dma_start3A_1244] : memref<2x448x80xf32, #tpu.memory_space<vmem>> -> memref<1x50x80xf32, #tpu.memory_space<vmem>>
      %dma_start3A_1246 = tpu.memref_squeeze %dma_start3A_1245 : memref<1x50x80xf32, #tpu.memory_space<vmem>> -> memref<50x80xf32, #tpu.memory_space<vmem>>
      %dma_start3A_1247 = arith.constant 0 : i32
      %dma_start3A_1248 = arith.constant 0 : i32
      %dma_start3A_1249 = tpu.memref_slice %arg4[%add3A_1241, %dma_start3A_1247, %dma_start3A_1248] : memref<16384x50x80xf32, #tpu.memory_space<hbm>> -> memref<1x50x80xf32, #tpu.memory_space<hbm>>
      %dma_start3A_1250 = tpu.memref_squeeze %dma_start3A_1249 : memref<1x50x80xf32, #tpu.memory_space<hbm>> -> memref<50x80xf32, #tpu.memory_space<hbm>>
      %dma_start3A_1251 = arith.constant 0 : i32
      %dma_start3A_1252 = arith.constant 0 : i32
      %dma_start3A_1253 = tpu.memref_slice %arg4[%add3A_1241, %dma_start3A_1251, %dma_start3A_1252] : memref<16384x50x80xf32, #tpu.memory_space<hbm>> -> memref<1x50x80xf32, #tpu.memory_space<hbm>>
      %dma_start3A_1254 = tpu.memref_squeeze %dma_start3A_1253 : memref<1x50x80xf32, #tpu.memory_space<hbm>> -> memref<50x80xf32, #tpu.memory_space<hbm>>
      %dma_start3A_1255 = arith.constant 336 : i32
      %dma_start3A_1256 = arith.constant 0 : i32
      %dma_start3A_1257 = tpu.memref_slice %arg9[%dma_start3A_1242, %dma_start3A_1255, %dma_start3A_1256] : memref<2x448x80xf32, #tpu.memory_space<vmem>> -> memref<1x50x80xf32, #tpu.memory_space<vmem>>
      %dma_start3A_1258 = tpu.memref_squeeze %dma_start3A_1257 : memref<1x50x80xf32, #tpu.memory_space<vmem>> -> memref<50x80xf32, #tpu.memory_space<vmem>>
      tpu.enqueue_dma source(%dma_start3A_1258 : memref<50x80xf32, #tpu.memory_space<vmem>>) target(%dma_start3A_1254 : memref<50x80xf32, #tpu.memory_space<hbm>>) target_semaphore(%arg12 : memref<!tpu.dma_semaphore, #tpu.memory_space<semaphore_mem>>)
      %add3A_1259 = arith.constant 7 : i32
      %add3A_1260 = arith.addi %add3A_45, %add3A_1259 : i32
      %dma_start3A_1261 = arith.constant 0 : i32
      %dma_start3A_1262 = arith.constant 392 : i32
      %dma_start3A_1263 = arith.constant 0 : i32
      %dma_start3A_1264 = tpu.memref_slice %arg9[%dma_start3A_1261, %dma_start3A_1262, %dma_start3A_1263] : memref<2x448x80xf32, #tpu.memory_space<vmem>> -> memref<1x50x80xf32, #tpu.memory_space<vmem>>
      %dma_start3A_1265 = tpu.memref_squeeze %dma_start3A_1264 : memref<1x50x80xf32, #tpu.memory_space<vmem>> -> memref<50x80xf32, #tpu.memory_space<vmem>>
      %dma_start3A_1266 = arith.constant 0 : i32
      %dma_start3A_1267 = arith.constant 0 : i32
      %dma_start3A_1268 = tpu.memref_slice %arg4[%add3A_1260, %dma_start3A_1266, %dma_start3A_1267] : memref<16384x50x80xf32, #tpu.memory_space<hbm>> -> memref<1x50x80xf32, #tpu.memory_space<hbm>>
      %dma_start3A_1269 = tpu.memref_squeeze %dma_start3A_1268 : memref<1x50x80xf32, #tpu.memory_space<hbm>> -> memref<50x80xf32, #tpu.memory_space<hbm>>
      %dma_start3A_1270 = arith.constant 0 : i32
      %dma_start3A_1271 = arith.constant 0 : i32
      %dma_start3A_1272 = tpu.memref_slice %arg4[%add3A_1260, %dma_start3A_1270, %dma_start3A_1271] : memref<16384x50x80xf32, #tpu.memory_space<hbm>> -> memref<1x50x80xf32, #tpu.memory_space<hbm>>
      %dma_start3A_1273 = tpu.memref_squeeze %dma_start3A_1272 : memref<1x50x80xf32, #tpu.memory_space<hbm>> -> memref<50x80xf32, #tpu.memory_space<hbm>>
      %dma_start3A_1274 = arith.constant 392 : i32
      %dma_start3A_1275 = arith.constant 0 : i32
      %dma_start3A_1276 = tpu.memref_slice %arg9[%dma_start3A_1261, %dma_start3A_1274, %dma_start3A_1275] : memref<2x448x80xf32, #tpu.memory_space<vmem>> -> memref<1x50x80xf32, #tpu.memory_space<vmem>>
      %dma_start3A_1277 = tpu.memref_squeeze %dma_start3A_1276 : memref<1x50x80xf32, #tpu.memory_space<vmem>> -> memref<50x80xf32, #tpu.memory_space<vmem>>
      tpu.enqueue_dma source(%dma_start3A_1277 : memref<50x80xf32, #tpu.memory_space<vmem>>) target(%dma_start3A_1273 : memref<50x80xf32, #tpu.memory_space<hbm>>) target_semaphore(%arg12 : memref<!tpu.dma_semaphore, #tpu.memory_space<semaphore_mem>>)
      %dma_wait3A_1278 = arith.constant 1 : i32
      %dma_wait3A_1279 = arith.constant 0 : i32
      %dma_wait3A_1280 = arith.constant 0 : i32
      %dma_wait3A_1281 = tpu.memref_slice %arg9[%dma_wait3A_1278, %dma_wait3A_1279, %dma_wait3A_1280] : memref<2x448x80xf32, #tpu.memory_space<vmem>> -> memref<1x112x80xf32, #tpu.memory_space<vmem>>
      %dma_wait3A_1282 = tpu.memref_squeeze %dma_wait3A_1281 : memref<1x112x80xf32, #tpu.memory_space<vmem>> -> memref<112x80xf32, #tpu.memory_space<vmem>>
      %dma_wait3A_1283 = arith.constant 0 : i32
      %dma_wait3A_1284 = tpu.memref_slice %arg8[%dma_wait3A_1283] : memref<448xi32, #tpu.memory_space<vmem>> -> memref<112xi32, #tpu.memory_space<vmem>>
      %dma_wait3A_1285 = arith.constant 0 : i32
      %dma_wait3A_1286 = arith.constant 0 : i32
      %dma_wait3A_1287 = tpu.memref_slice %arg2[%dma_wait3A_1285, %dma_wait3A_1286] : memref<10000x80xf32, #tpu.memory_space<hbm>> -> memref<10000x80xf32, #tpu.memory_space<hbm>>
      tpu.wait_indirect_dma semaphore(%arg11 : memref<!tpu.dma_semaphore, #tpu.memory_space<semaphore_mem>>) src(%dma_wait3A_1287 : memref<10000x80xf32, #tpu.memory_space<hbm>>) dst(%dma_wait3A_1282 : memref<112x80xf32, #tpu.memory_space<vmem>>)
      %dma_wait3A_1288 = arith.constant 1 : i32
      %dma_wait3A_1289 = arith.constant 112 : i32
      %dma_wait3A_1290 = arith.constant 0 : i32
      %dma_wait3A_1291 = tpu.memref_slice %arg9[%dma_wait3A_1288, %dma_wait3A_1289, %dma_wait3A_1290] : memref<2x448x80xf32, #tpu.memory_space<vmem>> -> memref<1x112x80xf32, #tpu.memory_space<vmem>>
      %dma_wait3A_1292 = tpu.memref_squeeze %dma_wait3A_1291 : memref<1x112x80xf32, #tpu.memory_space<vmem>> -> memref<112x80xf32, #tpu.memory_space<vmem>>
      %dma_wait3A_1293 = arith.constant 112 : i32
      %dma_wait3A_1294 = tpu.memref_slice %arg8[%dma_wait3A_1293] : memref<448xi32, #tpu.memory_space<vmem>> -> memref<112xi32, #tpu.memory_space<vmem>>
      %dma_wait3A_1295 = arith.constant 0 : i32
      %dma_wait3A_1296 = arith.constant 0 : i32
      %dma_wait3A_1297 = tpu.memref_slice %arg2[%dma_wait3A_1295, %dma_wait3A_1296] : memref<10000x80xf32, #tpu.memory_space<hbm>> -> memref<10000x80xf32, #tpu.memory_space<hbm>>
      tpu.wait_indirect_dma semaphore(%arg11 : memref<!tpu.dma_semaphore, #tpu.memory_space<semaphore_mem>>) src(%dma_wait3A_1297 : memref<10000x80xf32, #tpu.memory_space<hbm>>) dst(%dma_wait3A_1292 : memref<112x80xf32, #tpu.memory_space<vmem>>)
      %dma_wait3A_1298 = arith.constant 1 : i32
      %dma_wait3A_1299 = arith.constant 224 : i32
      %dma_wait3A_1300 = arith.constant 0 : i32
      %dma_wait3A_1301 = tpu.memref_slice %arg9[%dma_wait3A_1298, %dma_wait3A_1299, %dma_wait3A_1300] : memref<2x448x80xf32, #tpu.memory_space<vmem>> -> memref<1x112x80xf32, #tpu.memory_space<vmem>>
      %dma_wait3A_1302 = tpu.memref_squeeze %dma_wait3A_1301 : memref<1x112x80xf32, #tpu.memory_space<vmem>> -> memref<112x80xf32, #tpu.memory_space<vmem>>
      %dma_wait3A_1303 = arith.constant 224 : i32
      %dma_wait3A_1304 = tpu.memref_slice %arg8[%dma_wait3A_1303] : memref<448xi32, #tpu.memory_space<vmem>> -> memref<112xi32, #tpu.memory_space<vmem>>
      %dma_wait3A_1305 = arith.constant 0 : i32
      %dma_wait3A_1306 = arith.constant 0 : i32
      %dma_wait3A_1307 = tpu.memref_slice %arg2[%dma_wait3A_1305, %dma_wait3A_1306] : memref<10000x80xf32, #tpu.memory_space<hbm>> -> memref<10000x80xf32, #tpu.memory_space<hbm>>
      tpu.wait_indirect_dma semaphore(%arg11 : memref<!tpu.dma_semaphore, #tpu.memory_space<semaphore_mem>>) src(%dma_wait3A_1307 : memref<10000x80xf32, #tpu.memory_space<hbm>>) dst(%dma_wait3A_1302 : memref<112x80xf32, #tpu.memory_space<vmem>>)
      %dma_wait3A_1308 = arith.constant 1 : i32
      %dma_wait3A_1309 = arith.constant 336 : i32
      %dma_wait3A_1310 = arith.constant 0 : i32
      %dma_wait3A_1311 = tpu.memref_slice %arg9[%dma_wait3A_1308, %dma_wait3A_1309, %dma_wait3A_1310] : memref<2x448x80xf32, #tpu.memory_space<vmem>> -> memref<1x112x80xf32, #tpu.memory_space<vmem>>
      %dma_wait3A_1312 = tpu.memref_squeeze %dma_wait3A_1311 : memref<1x112x80xf32, #tpu.memory_space<vmem>> -> memref<112x80xf32, #tpu.memory_space<vmem>>
      %dma_wait3A_1313 = arith.constant 336 : i32
      %dma_wait3A_1314 = tpu.memref_slice %arg8[%dma_wait3A_1313] : memref<448xi32, #tpu.memory_space<vmem>> -> memref<112xi32, #tpu.memory_space<vmem>>
      %dma_wait3A_1315 = arith.constant 0 : i32
      %dma_wait3A_1316 = arith.constant 0 : i32
      %dma_wait3A_1317 = tpu.memref_slice %arg2[%dma_wait3A_1315, %dma_wait3A_1316] : memref<10000x80xf32, #tpu.memory_space<hbm>> -> memref<10000x80xf32, #tpu.memory_space<hbm>>
      tpu.wait_indirect_dma semaphore(%arg11 : memref<!tpu.dma_semaphore, #tpu.memory_space<semaphore_mem>>) src(%dma_wait3A_1317 : memref<10000x80xf32, #tpu.memory_space<hbm>>) dst(%dma_wait3A_1312 : memref<112x80xf32, #tpu.memory_space<vmem>>)
      %add3A_1318 = arith.constant 0 : i32
      %add3A_1319 = arith.addi %add3A_47, %add3A_1318 : i32
      %dma_start3A_1320 = arith.constant 1 : i32
      %dma_start3A_1321 = arith.constant 0 : i32
      %dma_start3A_1322 = arith.constant 0 : i32
      %dma_start3A_1323 = tpu.memref_slice %arg9[%dma_start3A_1320, %dma_start3A_1321, %dma_start3A_1322] : memref<2x448x80xf32, #tpu.memory_space<vmem>> -> memref<1x50x80xf32, #tpu.memory_space<vmem>>
      %dma_start3A_1324 = tpu.memref_squeeze %dma_start3A_1323 : memref<1x50x80xf32, #tpu.memory_space<vmem>> -> memref<50x80xf32, #tpu.memory_space<vmem>>
      %dma_start3A_1325 = arith.constant 0 : i32
      %dma_start3A_1326 = arith.constant 0 : i32
      %dma_start3A_1327 = tpu.memref_slice %arg4[%add3A_1319, %dma_start3A_1325, %dma_start3A_1326] : memref<16384x50x80xf32, #tpu.memory_space<hbm>> -> memref<1x50x80xf32, #tpu.memory_space<hbm>>
      %dma_start3A_1328 = tpu.memref_squeeze %dma_start3A_1327 : memref<1x50x80xf32, #tpu.memory_space<hbm>> -> memref<50x80xf32, #tpu.memory_space<hbm>>
      %dma_start3A_1329 = arith.constant 0 : i32
      %dma_start3A_1330 = arith.constant 0 : i32
      %dma_start3A_1331 = tpu.memref_slice %arg4[%add3A_1319, %dma_start3A_1329, %dma_start3A_1330] : memref<16384x50x80xf32, #tpu.memory_space<hbm>> -> memref<1x50x80xf32, #tpu.memory_space<hbm>>
      %dma_start3A_1332 = tpu.memref_squeeze %dma_start3A_1331 : memref<1x50x80xf32, #tpu.memory_space<hbm>> -> memref<50x80xf32, #tpu.memory_space<hbm>>
      %dma_start3A_1333 = arith.constant 0 : i32
      %dma_start3A_1334 = arith.constant 0 : i32
      %dma_start3A_1335 = tpu.memref_slice %arg9[%dma_start3A_1320, %dma_start3A_1333, %dma_start3A_1334] : memref<2x448x80xf32, #tpu.memory_space<vmem>> -> memref<1x50x80xf32, #tpu.memory_space<vmem>>
      %dma_start3A_1336 = tpu.memref_squeeze %dma_start3A_1335 : memref<1x50x80xf32, #tpu.memory_space<vmem>> -> memref<50x80xf32, #tpu.memory_space<vmem>>
      tpu.enqueue_dma source(%dma_start3A_1336 : memref<50x80xf32, #tpu.memory_space<vmem>>) target(%dma_start3A_1332 : memref<50x80xf32, #tpu.memory_space<hbm>>) target_semaphore(%arg13 : memref<!tpu.dma_semaphore, #tpu.memory_space<semaphore_mem>>)
      %add3A_1337 = arith.constant 1 : i32
      %add3A_1338 = arith.addi %add3A_47, %add3A_1337 : i32
      %dma_start3A_1339 = arith.constant 1 : i32
      %dma_start3A_1340 = arith.constant 56 : i32
      %dma_start3A_1341 = arith.constant 0 : i32
      %dma_start3A_1342 = tpu.memref_slice %arg9[%dma_start3A_1339, %dma_start3A_1340, %dma_start3A_1341] : memref<2x448x80xf32, #tpu.memory_space<vmem>> -> memref<1x50x80xf32, #tpu.memory_space<vmem>>
      %dma_start3A_1343 = tpu.memref_squeeze %dma_start3A_1342 : memref<1x50x80xf32, #tpu.memory_space<vmem>> -> memref<50x80xf32, #tpu.memory_space<vmem>>
      %dma_start3A_1344 = arith.constant 0 : i32
      %dma_start3A_1345 = arith.constant 0 : i32
      %dma_start3A_1346 = tpu.memref_slice %arg4[%add3A_1338, %dma_start3A_1344, %dma_start3A_1345] : memref<16384x50x80xf32, #tpu.memory_space<hbm>> -> memref<1x50x80xf32, #tpu.memory_space<hbm>>
      %dma_start3A_1347 = tpu.memref_squeeze %dma_start3A_1346 : memref<1x50x80xf32, #tpu.memory_space<hbm>> -> memref<50x80xf32, #tpu.memory_space<hbm>>
      %dma_start3A_1348 = arith.constant 0 : i32
      %dma_start3A_1349 = arith.constant 0 : i32
      %dma_start3A_1350 = tpu.memref_slice %arg4[%add3A_1338, %dma_start3A_1348, %dma_start3A_1349] : memref<16384x50x80xf32, #tpu.memory_space<hbm>> -> memref<1x50x80xf32, #tpu.memory_space<hbm>>
      %dma_start3A_1351 = tpu.memref_squeeze %dma_start3A_1350 : memref<1x50x80xf32, #tpu.memory_space<hbm>> -> memref<50x80xf32, #tpu.memory_space<hbm>>
      %dma_start3A_1352 = arith.constant 56 : i32
      %dma_start3A_1353 = arith.constant 0 : i32
      %dma_start3A_1354 = tpu.memref_slice %arg9[%dma_start3A_1339, %dma_start3A_1352, %dma_start3A_1353] : memref<2x448x80xf32, #tpu.memory_space<vmem>> -> memref<1x50x80xf32, #tpu.memory_space<vmem>>
      %dma_start3A_1355 = tpu.memref_squeeze %dma_start3A_1354 : memref<1x50x80xf32, #tpu.memory_space<vmem>> -> memref<50x80xf32, #tpu.memory_space<vmem>>
      tpu.enqueue_dma source(%dma_start3A_1355 : memref<50x80xf32, #tpu.memory_space<vmem>>) target(%dma_start3A_1351 : memref<50x80xf32, #tpu.memory_space<hbm>>) target_semaphore(%arg13 : memref<!tpu.dma_semaphore, #tpu.memory_space<semaphore_mem>>)
      %add3A_1356 = arith.constant 2 : i32
      %add3A_1357 = arith.addi %add3A_47, %add3A_1356 : i32
      %dma_start3A_1358 = arith.constant 1 : i32
      %dma_start3A_1359 = arith.constant 112 : i32
      %dma_start3A_1360 = arith.constant 0 : i32
      %dma_start3A_1361 = tpu.memref_slice %arg9[%dma_start3A_1358, %dma_start3A_1359, %dma_start3A_1360] : memref<2x448x80xf32, #tpu.memory_space<vmem>> -> memref<1x50x80xf32, #tpu.memory_space<vmem>>
      %dma_start3A_1362 = tpu.memref_squeeze %dma_start3A_1361 : memref<1x50x80xf32, #tpu.memory_space<vmem>> -> memref<50x80xf32, #tpu.memory_space<vmem>>
      %dma_start3A_1363 = arith.constant 0 : i32
      %dma_start3A_1364 = arith.constant 0 : i32
      %dma_start3A_1365 = tpu.memref_slice %arg4[%add3A_1357, %dma_start3A_1363, %dma_start3A_1364] : memref<16384x50x80xf32, #tpu.memory_space<hbm>> -> memref<1x50x80xf32, #tpu.memory_space<hbm>>
      %dma_start3A_1366 = tpu.memref_squeeze %dma_start3A_1365 : memref<1x50x80xf32, #tpu.memory_space<hbm>> -> memref<50x80xf32, #tpu.memory_space<hbm>>
      %dma_start3A_1367 = arith.constant 0 : i32
      %dma_start3A_1368 = arith.constant 0 : i32
      %dma_start3A_1369 = tpu.memref_slice %arg4[%add3A_1357, %dma_start3A_1367, %dma_start3A_1368] : memref<16384x50x80xf32, #tpu.memory_space<hbm>> -> memref<1x50x80xf32, #tpu.memory_space<hbm>>
      %dma_start3A_1370 = tpu.memref_squeeze %dma_start3A_1369 : memref<1x50x80xf32, #tpu.memory_space<hbm>> -> memref<50x80xf32, #tpu.memory_space<hbm>>
      %dma_start3A_1371 = arith.constant 112 : i32
      %dma_start3A_1372 = arith.constant 0 : i32
      %dma_start3A_1373 = tpu.memref_slice %arg9[%dma_start3A_1358, %dma_start3A_1371, %dma_start3A_1372] : memref<2x448x80xf32, #tpu.memory_space<vmem>> -> memref<1x50x80xf32, #tpu.memory_space<vmem>>
      %dma_start3A_1374 = tpu.memref_squeeze %dma_start3A_1373 : memref<1x50x80xf32, #tpu.memory_space<vmem>> -> memref<50x80xf32, #tpu.memory_space<vmem>>
      tpu.enqueue_dma source(%dma_start3A_1374 : memref<50x80xf32, #tpu.memory_space<vmem>>) target(%dma_start3A_1370 : memref<50x80xf32, #tpu.memory_space<hbm>>) target_semaphore(%arg13 : memref<!tpu.dma_semaphore, #tpu.memory_space<semaphore_mem>>)
      %add3A_1375 = arith.constant 3 : i32
      %add3A_1376 = arith.addi %add3A_47, %add3A_1375 : i32
      %dma_start3A_1377 = arith.constant 1 : i32
      %dma_start3A_1378 = arith.constant 168 : i32
      %dma_start3A_1379 = arith.constant 0 : i32
      %dma_start3A_1380 = tpu.memref_slice %arg9[%dma_start3A_1377, %dma_start3A_1378, %dma_start3A_1379] : memref<2x448x80xf32, #tpu.memory_space<vmem>> -> memref<1x50x80xf32, #tpu.memory_space<vmem>>
      %dma_start3A_1381 = tpu.memref_squeeze %dma_start3A_1380 : memref<1x50x80xf32, #tpu.memory_space<vmem>> -> memref<50x80xf32, #tpu.memory_space<vmem>>
      %dma_start3A_1382 = arith.constant 0 : i32
      %dma_start3A_1383 = arith.constant 0 : i32
      %dma_start3A_1384 = tpu.memref_slice %arg4[%add3A_1376, %dma_start3A_1382, %dma_start3A_1383] : memref<16384x50x80xf32, #tpu.memory_space<hbm>> -> memref<1x50x80xf32, #tpu.memory_space<hbm>>
      %dma_start3A_1385 = tpu.memref_squeeze %dma_start3A_1384 : memref<1x50x80xf32, #tpu.memory_space<hbm>> -> memref<50x80xf32, #tpu.memory_space<hbm>>
      %dma_start3A_1386 = arith.constant 0 : i32
      %dma_start3A_1387 = arith.constant 0 : i32
      %dma_start3A_1388 = tpu.memref_slice %arg4[%add3A_1376, %dma_start3A_1386, %dma_start3A_1387] : memref<16384x50x80xf32, #tpu.memory_space<hbm>> -> memref<1x50x80xf32, #tpu.memory_space<hbm>>
      %dma_start3A_1389 = tpu.memref_squeeze %dma_start3A_1388 : memref<1x50x80xf32, #tpu.memory_space<hbm>> -> memref<50x80xf32, #tpu.memory_space<hbm>>
      %dma_start3A_1390 = arith.constant 168 : i32
      %dma_start3A_1391 = arith.constant 0 : i32
      %dma_start3A_1392 = tpu.memref_slice %arg9[%dma_start3A_1377, %dma_start3A_1390, %dma_start3A_1391] : memref<2x448x80xf32, #tpu.memory_space<vmem>> -> memref<1x50x80xf32, #tpu.memory_space<vmem>>
      %dma_start3A_1393 = tpu.memref_squeeze %dma_start3A_1392 : memref<1x50x80xf32, #tpu.memory_space<vmem>> -> memref<50x80xf32, #tpu.memory_space<vmem>>
      tpu.enqueue_dma source(%dma_start3A_1393 : memref<50x80xf32, #tpu.memory_space<vmem>>) target(%dma_start3A_1389 : memref<50x80xf32, #tpu.memory_space<hbm>>) target_semaphore(%arg13 : memref<!tpu.dma_semaphore, #tpu.memory_space<semaphore_mem>>)
      %add3A_1394 = arith.constant 4 : i32
      %add3A_1395 = arith.addi %add3A_47, %add3A_1394 : i32
      %dma_start3A_1396 = arith.constant 1 : i32
      %dma_start3A_1397 = arith.constant 224 : i32
      %dma_start3A_1398 = arith.constant 0 : i32
      %dma_start3A_1399 = tpu.memref_slice %arg9[%dma_start3A_1396, %dma_start3A_1397, %dma_start3A_1398] : memref<2x448x80xf32, #tpu.memory_space<vmem>> -> memref<1x50x80xf32, #tpu.memory_space<vmem>>
      %dma_start3A_1400 = tpu.memref_squeeze %dma_start3A_1399 : memref<1x50x80xf32, #tpu.memory_space<vmem>> -> memref<50x80xf32, #tpu.memory_space<vmem>>
      %dma_start3A_1401 = arith.constant 0 : i32
      %dma_start3A_1402 = arith.constant 0 : i32
      %dma_start3A_1403 = tpu.memref_slice %arg4[%add3A_1395, %dma_start3A_1401, %dma_start3A_1402] : memref<16384x50x80xf32, #tpu.memory_space<hbm>> -> memref<1x50x80xf32, #tpu.memory_space<hbm>>
      %dma_start3A_1404 = tpu.memref_squeeze %dma_start3A_1403 : memref<1x50x80xf32, #tpu.memory_space<hbm>> -> memref<50x80xf32, #tpu.memory_space<hbm>>
      %dma_start3A_1405 = arith.constant 0 : i32
      %dma_start3A_1406 = arith.constant 0 : i32
      %dma_start3A_1407 = tpu.memref_slice %arg4[%add3A_1395, %dma_start3A_1405, %dma_start3A_1406] : memref<16384x50x80xf32, #tpu.memory_space<hbm>> -> memref<1x50x80xf32, #tpu.memory_space<hbm>>
      %dma_start3A_1408 = tpu.memref_squeeze %dma_start3A_1407 : memref<1x50x80xf32, #tpu.memory_space<hbm>> -> memref<50x80xf32, #tpu.memory_space<hbm>>
      %dma_start3A_1409 = arith.constant 224 : i32
      %dma_start3A_1410 = arith.constant 0 : i32
      %dma_start3A_1411 = tpu.memref_slice %arg9[%dma_start3A_1396, %dma_start3A_1409, %dma_start3A_1410] : memref<2x448x80xf32, #tpu.memory_space<vmem>> -> memref<1x50x80xf32, #tpu.memory_space<vmem>>
      %dma_start3A_1412 = tpu.memref_squeeze %dma_start3A_1411 : memref<1x50x80xf32, #tpu.memory_space<vmem>> -> memref<50x80xf32, #tpu.memory_space<vmem>>
      tpu.enqueue_dma source(%dma_start3A_1412 : memref<50x80xf32, #tpu.memory_space<vmem>>) target(%dma_start3A_1408 : memref<50x80xf32, #tpu.memory_space<hbm>>) target_semaphore(%arg13 : memref<!tpu.dma_semaphore, #tpu.memory_space<semaphore_mem>>)
      %add3A_1413 = arith.constant 5 : i32
      %add3A_1414 = arith.addi %add3A_47, %add3A_1413 : i32
      %dma_start3A_1415 = arith.constant 1 : i32
      %dma_start3A_1416 = arith.constant 280 : i32
      %dma_start3A_1417 = arith.constant 0 : i32
      %dma_start3A_1418 = tpu.memref_slice %arg9[%dma_start3A_1415, %dma_start3A_1416, %dma_start3A_1417] : memref<2x448x80xf32, #tpu.memory_space<vmem>> -> memref<1x50x80xf32, #tpu.memory_space<vmem>>
      %dma_start3A_1419 = tpu.memref_squeeze %dma_start3A_1418 : memref<1x50x80xf32, #tpu.memory_space<vmem>> -> memref<50x80xf32, #tpu.memory_space<vmem>>
      %dma_start3A_1420 = arith.constant 0 : i32
      %dma_start3A_1421 = arith.constant 0 : i32
      %dma_start3A_1422 = tpu.memref_slice %arg4[%add3A_1414, %dma_start3A_1420, %dma_start3A_1421] : memref<16384x50x80xf32, #tpu.memory_space<hbm>> -> memref<1x50x80xf32, #tpu.memory_space<hbm>>
      %dma_start3A_1423 = tpu.memref_squeeze %dma_start3A_1422 : memref<1x50x80xf32, #tpu.memory_space<hbm>> -> memref<50x80xf32, #tpu.memory_space<hbm>>
      %dma_start3A_1424 = arith.constant 0 : i32
      %dma_start3A_1425 = arith.constant 0 : i32
      %dma_start3A_1426 = tpu.memref_slice %arg4[%add3A_1414, %dma_start3A_1424, %dma_start3A_1425] : memref<16384x50x80xf32, #tpu.memory_space<hbm>> -> memref<1x50x80xf32, #tpu.memory_space<hbm>>
      %dma_start3A_1427 = tpu.memref_squeeze %dma_start3A_1426 : memref<1x50x80xf32, #tpu.memory_space<hbm>> -> memref<50x80xf32, #tpu.memory_space<hbm>>
      %dma_start3A_1428 = arith.constant 280 : i32
      %dma_start3A_1429 = arith.constant 0 : i32
      %dma_start3A_1430 = tpu.memref_slice %arg9[%dma_start3A_1415, %dma_start3A_1428, %dma_start3A_1429] : memref<2x448x80xf32, #tpu.memory_space<vmem>> -> memref<1x50x80xf32, #tpu.memory_space<vmem>>
      %dma_start3A_1431 = tpu.memref_squeeze %dma_start3A_1430 : memref<1x50x80xf32, #tpu.memory_space<vmem>> -> memref<50x80xf32, #tpu.memory_space<vmem>>
      tpu.enqueue_dma source(%dma_start3A_1431 : memref<50x80xf32, #tpu.memory_space<vmem>>) target(%dma_start3A_1427 : memref<50x80xf32, #tpu.memory_space<hbm>>) target_semaphore(%arg13 : memref<!tpu.dma_semaphore, #tpu.memory_space<semaphore_mem>>)
      %add3A_1432 = arith.constant 6 : i32
      %add3A_1433 = arith.addi %add3A_47, %add3A_1432 : i32
      %dma_start3A_1434 = arith.constant 1 : i32
      %dma_start3A_1435 = arith.constant 336 : i32
      %dma_start3A_1436 = arith.constant 0 : i32
      %dma_start3A_1437 = tpu.memref_slice %arg9[%dma_start3A_1434, %dma_start3A_1435, %dma_start3A_1436] : memref<2x448x80xf32, #tpu.memory_space<vmem>> -> memref<1x50x80xf32, #tpu.memory_space<vmem>>
      %dma_start3A_1438 = tpu.memref_squeeze %dma_start3A_1437 : memref<1x50x80xf32, #tpu.memory_space<vmem>> -> memref<50x80xf32, #tpu.memory_space<vmem>>
      %dma_start3A_1439 = arith.constant 0 : i32
      %dma_start3A_1440 = arith.constant 0 : i32
      %dma_start3A_1441 = tpu.memref_slice %arg4[%add3A_1433, %dma_start3A_1439, %dma_start3A_1440] : memref<16384x50x80xf32, #tpu.memory_space<hbm>> -> memref<1x50x80xf32, #tpu.memory_space<hbm>>
      %dma_start3A_1442 = tpu.memref_squeeze %dma_start3A_1441 : memref<1x50x80xf32, #tpu.memory_space<hbm>> -> memref<50x80xf32, #tpu.memory_space<hbm>>
      %dma_start3A_1443 = arith.constant 0 : i32
      %dma_start3A_1444 = arith.constant 0 : i32
      %dma_start3A_1445 = tpu.memref_slice %arg4[%add3A_1433, %dma_start3A_1443, %dma_start3A_1444] : memref<16384x50x80xf32, #tpu.memory_space<hbm>> -> memref<1x50x80xf32, #tpu.memory_space<hbm>>
      %dma_start3A_1446 = tpu.memref_squeeze %dma_start3A_1445 : memref<1x50x80xf32, #tpu.memory_space<hbm>> -> memref<50x80xf32, #tpu.memory_space<hbm>>
      %dma_start3A_1447 = arith.constant 336 : i32
      %dma_start3A_1448 = arith.constant 0 : i32
      %dma_start3A_1449 = tpu.memref_slice %arg9[%dma_start3A_1434, %dma_start3A_1447, %dma_start3A_1448] : memref<2x448x80xf32, #tpu.memory_space<vmem>> -> memref<1x50x80xf32, #tpu.memory_space<vmem>>
      %dma_start3A_1450 = tpu.memref_squeeze %dma_start3A_1449 : memref<1x50x80xf32, #tpu.memory_space<vmem>> -> memref<50x80xf32, #tpu.memory_space<vmem>>
      tpu.enqueue_dma source(%dma_start3A_1450 : memref<50x80xf32, #tpu.memory_space<vmem>>) target(%dma_start3A_1446 : memref<50x80xf32, #tpu.memory_space<hbm>>) target_semaphore(%arg13 : memref<!tpu.dma_semaphore, #tpu.memory_space<semaphore_mem>>)
      %add3A_1451 = arith.constant 7 : i32
      %add3A_1452 = arith.addi %add3A_47, %add3A_1451 : i32
      %dma_start3A_1453 = arith.constant 1 : i32
      %dma_start3A_1454 = arith.constant 392 : i32
      %dma_start3A_1455 = arith.constant 0 : i32
      %dma_start3A_1456 = tpu.memref_slice %arg9[%dma_start3A_1453, %dma_start3A_1454, %dma_start3A_1455] : memref<2x448x80xf32, #tpu.memory_space<vmem>> -> memref<1x50x80xf32, #tpu.memory_space<vmem>>
      %dma_start3A_1457 = tpu.memref_squeeze %dma_start3A_1456 : memref<1x50x80xf32, #tpu.memory_space<vmem>> -> memref<50x80xf32, #tpu.memory_space<vmem>>
      %dma_start3A_1458 = arith.constant 0 : i32
      %dma_start3A_1459 = arith.constant 0 : i32
      %dma_start3A_1460 = tpu.memref_slice %arg4[%add3A_1452, %dma_start3A_1458, %dma_start3A_1459] : memref<16384x50x80xf32, #tpu.memory_space<hbm>> -> memref<1x50x80xf32, #tpu.memory_space<hbm>>
      %dma_start3A_1461 = tpu.memref_squeeze %dma_start3A_1460 : memref<1x50x80xf32, #tpu.memory_space<hbm>> -> memref<50x80xf32, #tpu.memory_space<hbm>>
      %dma_start3A_1462 = arith.constant 0 : i32
      %dma_start3A_1463 = arith.constant 0 : i32
      %dma_start3A_1464 = tpu.memref_slice %arg4[%add3A_1452, %dma_start3A_1462, %dma_start3A_1463] : memref<16384x50x80xf32, #tpu.memory_space<hbm>> -> memref<1x50x80xf32, #tpu.memory_space<hbm>>
      %dma_start3A_1465 = tpu.memref_squeeze %dma_start3A_1464 : memref<1x50x80xf32, #tpu.memory_space<hbm>> -> memref<50x80xf32, #tpu.memory_space<hbm>>
      %dma_start3A_1466 = arith.constant 392 : i32
      %dma_start3A_1467 = arith.constant 0 : i32
      %dma_start3A_1468 = tpu.memref_slice %arg9[%dma_start3A_1453, %dma_start3A_1466, %dma_start3A_1467] : memref<2x448x80xf32, #tpu.memory_space<vmem>> -> memref<1x50x80xf32, #tpu.memory_space<vmem>>
      %dma_start3A_1469 = tpu.memref_squeeze %dma_start3A_1468 : memref<1x50x80xf32, #tpu.memory_space<vmem>> -> memref<50x80xf32, #tpu.memory_space<vmem>>
      tpu.enqueue_dma source(%dma_start3A_1469 : memref<50x80xf32, #tpu.memory_space<vmem>>) target(%dma_start3A_1465 : memref<50x80xf32, #tpu.memory_space<hbm>>) target_semaphore(%arg13 : memref<!tpu.dma_semaphore, #tpu.memory_space<semaphore_mem>>)
    }
    %scan3A_6 = arith.constant 32 : i32
    %dma_wait3A = arith.constant 0 : i32
    %dma_wait3A_7 = arith.constant 0 : i32
    %dma_wait3A_8 = arith.constant 0 : i32
    %dma_wait3A_9 = tpu.memref_slice %arg9[%dma_wait3A, %dma_wait3A_7, %dma_wait3A_8] : memref<2x448x80xf32, #tpu.memory_space<vmem>> -> memref<1x400x80xf32, #tpu.memory_space<vmem>>
    %dma_wait3A_10 = tpu.memref_squeeze %dma_wait3A_9 : memref<1x400x80xf32, #tpu.memory_space<vmem>> -> memref<400x80xf32, #tpu.memory_space<vmem>>
    %dma_wait3A_11 = arith.constant 0 : i32
    %dma_wait3A_12 = arith.constant 0 : i32
    %dma_wait3A_13 = arith.constant 0 : i32
    %dma_wait3A_14 = tpu.memref_slice %arg4[%dma_wait3A_11, %dma_wait3A_12, %dma_wait3A_13] : memref<16384x50x80xf32, #tpu.memory_space<hbm>> -> memref<8x50x80xf32, #tpu.memory_space<hbm>>
    %dma_wait3A_15 = arith.constant 0 : i32
    %dma_wait3A_16 = arith.constant 0 : i32
    %dma_wait3A_17 = tpu.memref_slice %arg9[%dma_wait3A, %dma_wait3A_15, %dma_wait3A_16] : memref<2x448x80xf32, #tpu.memory_space<vmem>> -> memref<1x400x80xf32, #tpu.memory_space<vmem>>
    %dma_wait3A_18 = tpu.memref_squeeze %dma_wait3A_17 : memref<1x400x80xf32, #tpu.memory_space<vmem>> -> memref<400x80xf32, #tpu.memory_space<vmem>>
    %dma_wait3A_19 = arith.constant 0 : i32
    %dma_wait3A_20 = arith.constant 0 : i32
    %dma_wait3A_21 = arith.constant 0 : i32
    %dma_wait3A_22 = tpu.memref_slice %arg4[%dma_wait3A_19, %dma_wait3A_20, %dma_wait3A_21] : memref<16384x50x80xf32, #tpu.memory_space<hbm>> -> memref<8x50x80xf32, #tpu.memory_space<hbm>>
    tpu.wait_dma2 semaphore(%arg12 : memref<!tpu.dma_semaphore, #tpu.memory_space<semaphore_mem>>) src(%dma_wait3A_22 : memref<8x50x80xf32, #tpu.memory_space<hbm>>) dst(%dma_wait3A_18 : memref<400x80xf32, #tpu.memory_space<vmem>>)
    %dma_wait3A_23 = arith.constant 1 : i32
    %dma_wait3A_24 = arith.constant 0 : i32
    %dma_wait3A_25 = arith.constant 0 : i32
    %dma_wait3A_26 = tpu.memref_slice %arg9[%dma_wait3A_23, %dma_wait3A_24, %dma_wait3A_25] : memref<2x448x80xf32, #tpu.memory_space<vmem>> -> memref<1x400x80xf32, #tpu.memory_space<vmem>>
    %dma_wait3A_27 = tpu.memref_squeeze %dma_wait3A_26 : memref<1x400x80xf32, #tpu.memory_space<vmem>> -> memref<400x80xf32, #tpu.memory_space<vmem>>
    %dma_wait3A_28 = arith.constant 0 : i32
    %dma_wait3A_29 = arith.constant 0 : i32
    %dma_wait3A_30 = arith.constant 0 : i32
    %dma_wait3A_31 = tpu.memref_slice %arg4[%dma_wait3A_28, %dma_wait3A_29, %dma_wait3A_30] : memref<16384x50x80xf32, #tpu.memory_space<hbm>> -> memref<8x50x80xf32, #tpu.memory_space<hbm>>
    %dma_wait3A_32 = arith.constant 0 : i32
    %dma_wait3A_33 = arith.constant 0 : i32
    %dma_wait3A_34 = tpu.memref_slice %arg9[%dma_wait3A_23, %dma_wait3A_32, %dma_wait3A_33] : memref<2x448x80xf32, #tpu.memory_space<vmem>> -> memref<1x400x80xf32, #tpu.memory_space<vmem>>
    %dma_wait3A_35 = tpu.memref_squeeze %dma_wait3A_34 : memref<1x400x80xf32, #tpu.memory_space<vmem>> -> memref<400x80xf32, #tpu.memory_space<vmem>>
    %dma_wait3A_36 = arith.constant 0 : i32
    %dma_wait3A_37 = arith.constant 0 : i32
    %dma_wait3A_38 = arith.constant 0 : i32
    %dma_wait3A_39 = tpu.memref_slice %arg4[%dma_wait3A_36, %dma_wait3A_37, %dma_wait3A_38] : memref<16384x50x80xf32, #tpu.memory_space<hbm>> -> memref<8x50x80xf32, #tpu.memory_space<hbm>>
    tpu.wait_dma2 semaphore(%arg13 : memref<!tpu.dma_semaphore, #tpu.memory_space<semaphore_mem>>) src(%dma_wait3A_39 : memref<8x50x80xf32, #tpu.memory_space<hbm>>) dst(%dma_wait3A_35 : memref<400x80xf32, #tpu.memory_space<vmem>>)
    return
  }
}

module attributes {stable_mosaic.version = 14 : i64} {
  func.func @_keys_body(%arg0: i32, %arg1: memref<512x200xi32, #tpu.memory_space<vmem>>, %arg2: memref<512x128xi32, #tpu.memory_space<vmem>>) attributes {dimension_semantics = [#tpu.dimension_semantics<arbitrary>], iteration_bounds = array<i64: 32>, scalar_prefetch = 0 : i64, scratch_operands = 0 : i64, tpu.core_type = #tpu.core_type<tc>, window_params = [{transform_indices = @transform_0, window_bounds = array<i64: 512, 200>}, {transform_indices = @transform_1, window_bounds = array<i64: 512, 128>}]} {
    %get3A = arith.constant 0 : index
    %get3A_0 = arith.constant 0 : index
    %get3A_1 = vector.load %arg1[%get3A, %get3A_0] : memref<512x200xi32, #tpu.memory_space<vmem>>, vector<512x200xi32>
    %convert_element_type3A = arith.sitofp %get3A_1 : vector<512x200xi32> to vector<512x200xf32>
    %iota3A = tpu.iota {dimensions = array<i32: 0>} : vector<200x50xi32>
    %iota3A_2 = tpu.iota {dimensions = array<i32: 1>} : vector<200x50xi32>
    %mul3A = arith.constant 4 : i32
    %mul3A_3 = vector.broadcast %mul3A : i32 to vector<200x50xi32>
    %mul3A_4 = arith.muli %mul3A_3, %iota3A_2 : vector<200x50xi32>
    %eq3A = arith.cmpi eq, %iota3A, %mul3A_4 : vector<200x50xi32>
    %jit3A = arith.constant 1.000000e+01 : f32
    %jit3A_5 = arith.constant 0.000000e+00 : f32
    %broadcast_in_dim3A = vector.broadcast %jit3A : f32 to vector<200x50xf32>
    %broadcast_in_dim3A_6 = vector.broadcast %jit3A_5 : f32 to vector<200x50xf32>
    %select_n3A = arith.select %eq3A, %broadcast_in_dim3A, %broadcast_in_dim3A_6 : vector<200x50xi1>, vector<200x50xf32>
    %mul3A_7 = arith.constant 4 : i32
    %mul3A_8 = vector.broadcast %mul3A_7 : i32 to vector<200x50xi32>
    %mul3A_9 = arith.muli %mul3A_8, %iota3A_2 : vector<200x50xi32>
    %add3A = arith.constant 1 : i32
    %add3A_10 = vector.broadcast %add3A : i32 to vector<200x50xi32>
    %add3A_11 = arith.addi %mul3A_9, %add3A_10 : vector<200x50xi32>
    %eq3A_12 = arith.cmpi eq, %iota3A, %add3A_11 : vector<200x50xi32>
    %jit3A_13 = arith.constant 1.000000e+00 : f32
    %jit3A_14 = arith.constant 0.000000e+00 : f32
    %broadcast_in_dim3A_15 = vector.broadcast %jit3A_13 : f32 to vector<200x50xf32>
    %broadcast_in_dim3A_16 = vector.broadcast %jit3A_14 : f32 to vector<200x50xf32>
    %select_n3A_17 = arith.select %eq3A_12, %broadcast_in_dim3A_15, %broadcast_in_dim3A_16 : vector<200x50xi1>, vector<200x50xf32>
    %add3A_18 = arith.addf %select_n3A, %select_n3A_17 : vector<200x50xf32>
    %mul3A_19 = arith.constant 4 : i32
    %mul3A_20 = vector.broadcast %mul3A_19 : i32 to vector<200x50xi32>
    %mul3A_21 = arith.muli %mul3A_20, %iota3A_2 : vector<200x50xi32>
    %add3A_22 = arith.constant 2 : i32
    %add3A_23 = vector.broadcast %add3A_22 : i32 to vector<200x50xi32>
    %add3A_24 = arith.addi %mul3A_21, %add3A_23 : vector<200x50xi32>
    %eq3A_25 = arith.cmpi eq, %iota3A, %add3A_24 : vector<200x50xi32>
    %jit3A_26 = arith.constant 1.000000e+01 : f32
    %jit3A_27 = arith.constant 0.000000e+00 : f32
    %broadcast_in_dim3A_28 = vector.broadcast %jit3A_26 : f32 to vector<200x50xf32>
    %broadcast_in_dim3A_29 = vector.broadcast %jit3A_27 : f32 to vector<200x50xf32>
    %select_n3A_30 = arith.select %eq3A_25, %broadcast_in_dim3A_28, %broadcast_in_dim3A_29 : vector<200x50xi1>, vector<200x50xf32>
    %mul3A_31 = arith.constant 4 : i32
    %mul3A_32 = vector.broadcast %mul3A_31 : i32 to vector<200x50xi32>
    %mul3A_33 = arith.muli %mul3A_32, %iota3A_2 : vector<200x50xi32>
    %add3A_34 = arith.constant 3 : i32
    %add3A_35 = vector.broadcast %add3A_34 : i32 to vector<200x50xi32>
    %add3A_36 = arith.addi %mul3A_33, %add3A_35 : vector<200x50xi32>
    %eq3A_37 = arith.cmpi eq, %iota3A, %add3A_36 : vector<200x50xi32>
    %jit3A_38 = arith.constant 1.000000e+00 : f32
    %jit3A_39 = arith.constant 0.000000e+00 : f32
    %broadcast_in_dim3A_40 = vector.broadcast %jit3A_38 : f32 to vector<200x50xf32>
    %broadcast_in_dim3A_41 = vector.broadcast %jit3A_39 : f32 to vector<200x50xf32>
    %select_n3A_42 = arith.select %eq3A_37, %broadcast_in_dim3A_40, %broadcast_in_dim3A_41 : vector<200x50xi1>, vector<200x50xf32>
    %add3A_43 = arith.addf %select_n3A_30, %select_n3A_42 : vector<200x50xf32>
    %dot_general3A = arith.constant dense<0.000000e+00> : vector<512x50xf32>
    %dot_general3A_44 = tpu.matmul %convert_element_type3A, %add3A_18, %dot_general3A {dimension_numbers = #tpu.dot_dimension_numbers<[1], [0], [0], [1], [0, 0, 1, 1], [], []>, precision = #tpu.contract_precision<fp32>, transpose_lhs_hint = false} : vector<512x200xf32>, vector<200x50xf32>, vector<512x50xf32> -> vector<512x50xf32>
    %dot_general3A_45 = arith.constant dense<0.000000e+00> : vector<512x50xf32>
    %dot_general3A_46 = tpu.matmul %convert_element_type3A, %add3A_43, %dot_general3A_45 {dimension_numbers = #tpu.dot_dimension_numbers<[1], [0], [0], [1], [0, 0, 1, 1], [], []>, precision = #tpu.contract_precision<fp32>, transpose_lhs_hint = false} : vector<512x200xf32>, vector<200x50xf32>, vector<512x50xf32> -> vector<512x50xf32>
    %convert_element_type3A_47 = arith.fptosi %dot_general3A_44 : vector<512x50xf32> to vector<512x50xi32>
    %mul3A_48 = arith.constant 100 : i32
    %mul3A_49 = vector.broadcast %mul3A_48 : i32 to vector<512x50xi32>
    %mul3A_50 = arith.muli %convert_element_type3A_47, %mul3A_49 : vector<512x50xi32>
    %convert_element_type3A_51 = arith.fptosi %dot_general3A_46 : vector<512x50xf32> to vector<512x50xi32>
    %add3A_52 = arith.addi %mul3A_50, %convert_element_type3A_51 : vector<512x50xi32>
    %broadcast_in_dim3A_53 = arith.constant 0 : i32
    %broadcast_in_dim3A_54 = vector.broadcast %broadcast_in_dim3A_53 : i32 to vector<512x78xi32>
    %concatenate3A = tpu.concatenate %add3A_52, %broadcast_in_dim3A_54 in 1 : vector<512x50xi32>, vector<512x78xi32> -> vector<512x128xi32>
    %swap3A = arith.constant 0 : index
    %swap3A_55 = arith.constant 0 : index
    %swap3A_56 = vector.load %arg2[%swap3A, %swap3A_55] : memref<512x128xi32, #tpu.memory_space<vmem>>, vector<512x128xi32>
    tpu.vector_store %arg2[%swap3A, %swap3A_55], %concatenate3A {strides = array<i32>} : memref<512x128xi32, #tpu.memory_space<vmem>>, vector<512x128xi32>,
    return
  }
  func.func @transform_0(%arg0: i32) -> (i32, i32) {
    %c0_i32 = arith.constant 0 : i32
    %c0_i32_0 = arith.constant 0 : i32
    return %arg0, %c0_i32 : i32, i32
  }
  func.func @transform_1(%arg0: i32) -> (i32, i32) {
    %c0_i32 = arith.constant 0 : i32
    %c0_i32_0 = arith.constant 0 : i32
    return %arg0, %c0_i32 : i32, i32
  }
}

module attributes {stable_mosaic.version = 14 : i64} {
  func.func @_quad_table_body(%arg0: memref<10x20xf32, #tpu.memory_space<vmem>>, %arg1: memref<20x20xf32, #tpu.memory_space<vmem>>, %arg2: memref<1x20xf32, #tpu.memory_space<vmem>>, %arg3: memref<10000x80xf32, #tpu.memory_space<vmem>>) attributes {dimension_semantics = [], scalar_prefetch = 0 : i64, scratch_operands = 0 : i64, tpu.core_type = #tpu.core_type<tc>} {
    %get3A = arith.constant 0 : index
    %get3A_0 = arith.constant 0 : index
    %get3A_1 = vector.load %arg0[%get3A, %get3A_0] : memref<10x20xf32, #tpu.memory_space<vmem>>, vector<10x20xf32>
    %get3A_2 = arith.constant 0 : index
    %get3A_3 = arith.constant 0 : index
    %get3A_4 = vector.load %arg1[%get3A_2, %get3A_3] : memref<20x20xf32, #tpu.memory_space<vmem>>, vector<20x20xf32>
    %dot_general3A = arith.constant dense<0.000000e+00> : vector<10x20xf32>
    %dot_general3A_5 = tpu.matmul %get3A_1, %get3A_4, %dot_general3A {dimension_numbers = #tpu.dot_dimension_numbers<[1], [1], [0], [0], [0, 0, 1, 0], [], []>, precision = #tpu.contract_precision<fp32>, transpose_lhs_hint = false} : vector<10x20xf32>, vector<20x20xf32>, vector<10x20xf32> -> vector<10x20xf32>
    %get3A_6 = arith.constant 0 : index
    %get3A_7 = arith.constant 0 : index
    %get3A_8 = vector.load %arg2[%get3A_6, %get3A_7] : memref<1x20xf32, #tpu.memory_space<vmem>>, vector<1x20xf32>
    %add3A = vector.broadcast %get3A_8 : vector<1x20xf32> to vector<10x20xf32>
    %add3A_9 = arith.addf %dot_general3A_5, %add3A : vector<10x20xf32>
    %broadcast_in_dim3A = vector.shape_cast %add3A_9 : vector<10x20xf32> to vector<10x1x20xf32>
    %broadcast_in_dim3A_10 = vector.shape_cast %broadcast_in_dim3A : vector<10x1x20xf32> to vector<10x1x20xf32>
    %broadcast_in_dim3A_11 = vector.broadcast %broadcast_in_dim3A_10 : vector<10x1x20xf32> to vector<10x10x20xf32>
    %reshape3A = vector.shape_cast %broadcast_in_dim3A_11 : vector<10x10x20xf32> to vector<100x20xf32>
    %broadcast_in_dim3A_12 = vector.shape_cast %add3A_9 : vector<10x20xf32> to vector<1x10x20xf32>
    %broadcast_in_dim3A_13 = vector.shape_cast %broadcast_in_dim3A_12 : vector<1x10x20xf32> to vector<1x10x20xf32>
    %broadcast_in_dim3A_14 = vector.broadcast %broadcast_in_dim3A_13 : vector<1x10x20xf32> to vector<10x10x20xf32>
    %reshape3A_15 = vector.shape_cast %broadcast_in_dim3A_14 : vector<10x10x20xf32> to vector<100x20xf32>
    %concatenate3A = tpu.concatenate %reshape3A, %reshape3A_15 in 1 : vector<100x20xf32>, vector<100x20xf32> -> vector<100x40xf32>
    %broadcast_in_dim3A_16 = vector.shape_cast %concatenate3A : vector<100x40xf32> to vector<100x1x40xf32>
    %broadcast_in_dim3A_17 = vector.shape_cast %broadcast_in_dim3A_16 : vector<100x1x40xf32> to vector<100x1x40xf32>
    %broadcast_in_dim3A_18 = vector.broadcast %broadcast_in_dim3A_17 : vector<100x1x40xf32> to vector<100x100x40xf32>
    %reshape3A_19 = vector.shape_cast %broadcast_in_dim3A_18 : vector<100x100x40xf32> to vector<10000x40xf32>
    %broadcast_in_dim3A_20 = vector.shape_cast %concatenate3A : vector<100x40xf32> to vector<1x100x40xf32>
    %broadcast_in_dim3A_21 = vector.shape_cast %broadcast_in_dim3A_20 : vector<1x100x40xf32> to vector<1x100x40xf32>
    %broadcast_in_dim3A_22 = vector.broadcast %broadcast_in_dim3A_21 : vector<1x100x40xf32> to vector<100x100x40xf32>
    %reshape3A_23 = vector.shape_cast %broadcast_in_dim3A_22 : vector<100x100x40xf32> to vector<10000x40xf32>
    %concatenate3A_24 = tpu.concatenate %reshape3A_19, %reshape3A_23 in 1 : vector<10000x40xf32>, vector<10000x40xf32> -> vector<10000x80xf32>
    %swap3A = arith.constant 0 : index
    %swap3A_25 = arith.constant 0 : index
    %swap3A_26 = vector.load %arg3[%swap3A, %swap3A_25] : memref<10000x80xf32, #tpu.memory_space<vmem>>, vector<10000x80xf32>
    tpu.vector_store %arg3[%swap3A, %swap3A_25], %concatenate3A_24 {strides = array<i32>} : memref<10000x80xf32, #tpu.memory_space<vmem>>, vector<10000x80xf32>,
    return
  }
}

</mosaic_0001>

<sc_bundles>
// kernel: kernel.5.cloned.1.call-start
scs
__scs_entry_jumppad:
0x0: {  	(pc) =	sbr.rel $0x88, $3  }
0x1: {  	(tag) =	ssettag $0x0;
	lr =	simm.s32 $0x1  }
0x2: {  	[smem:$0x3F9D] =	sst lr;
	_ =	strace $0xD0000000  }
0x3: {  	_ = 	snop  }
0x4: {  	_ = 	snop  }
0x5: {  	_ = 	snop  }
0x6: {  	_ = 	snop  }
0x7: {  	_ = 	snop  }
__scs_overlays_trampoline_lowered:
0x8: {  	[smem:$0x3FAC] =	sst s0  }
0x9: {  	[smem:$0x3FAD] =	sst s1  }
0xa: {  	[smem:$0x3FAE] =	sst s2  }
0xb: {  	[smem:$0x3FAF] =	sst s3  }
0xc: {  	[smem:$0x3FB0] =	sst s4  }
0xd: {  	[smem:$0x3FB1] =	sst s5  }
0xe: {  	[smem:$0x3FB2] =	sst s6  }
0xf: {  	[smem:$0x3FB3] =	sst s7  }
0x10: {  	[smem:$0x3FB4] =	sst s8  }
0x11: {  	[smem:$0x3FB5] =	sst s9;
	s0 =	simm.s32 @!p0 $0x0  }
0x12: {  	s1 =	sld [smem:$0x3F9B];
	s0 =	simm.s32 @p0 $0x1  }
0x13: {  	[smem:$0x3FB6] =	sst s0;
	s0 =	simm.s32 @!p1 $0x0  }
0x14: {  	s2 =	sld [smem:$0x3F9A];
	s0 =	simm.s32 @p1 $0x1  }
0x15: {  	[smem:$0x3FB7] =	sst s0;
	s0 =	simm.s32 @!p2 $0x0  }
0x16: {  	s3 =	sld [smem:$0x3FDB];
	s0 =	simm.s32 @p2 $0x1  }
0x17: {  	s4 =	simm.s32 $0x1BF5;
	[smem:$0x3FB9] =	sst s0  }
0x18: {  	s0 =	sld [smem:$0x3F9C];
	_ =	swait.ge [sflag:s4], $0x0  }
0x19: {  	s7 =	sld [smem:$0x3F9D]  }
0x1a: {  	s8 =	sadd.s32 $0xFFFFE003, lr  }
0x1b: {  	s9 =	sadd.s32 $0xFFFFFEF7, lr;
	s5 =	simm.s32 $0xFFFFFFFF;
	p2 =	slt.u32 s8, $0xFFFFF086  }
0x1c: {  	p1 =	slt.u32 s9, $0xF7A;
	s5 =	simm.s32 @!p2 $0x0  }
0x1d: {  	s5 =	simm.s32 @p1 $0x1;
	p0 =	seq.s32 s7, s2  }
0x1e: {  	s7 =	smul.u32 @!p0 $0xF7A, s2;
	p2 =	seq.s32 @!p0 s5, $0x0  }
0x1f: {  	s9 =	smul.u32 $0xF7A, s1;
	s8 =	simm.s32 @!p0 $0x1BF5;
	p2 =	por !p2, p0  }
0x20: {  	[sflag:s8] =	ssyncset.s32 @!p0 $0xFFFFF086;
	s6 =	sadd.s32 @!p0 s3, s7;
	s7 =	simm.s32 @!p0 $0x108  }
0x21: {  	s3 =	sadd.s32 s3, s9;
	s6 =	sadd.s32 @!p0 $0x88, s6;
	s7 =	simm.s32 @p2 $0x1082  }
0x22: {  	[simem:s7], [sflag:s8] =	dma.local @!p0 [hbm:s6], $0xF7A  }
0x23: {  	s9 =	sor.u32 $0xD0000000, s2;
	s6 =	simm.s32 $0x108;
	_ =	swait.ge @!p0 [sflag:s8], $0x0  }
0x24: {  	s3 =	sadd.s32 $0x88, s3;
	s6 =	simm.s32 @!p1 $0x1082;
	[sflag:s4] =	ssyncset.s32 $0xFFFFF086  }
0x25: {  	[simem:s6], [sflag:s4] =	dma.local [hbm:s3], $0xF7A  }
0x26: {  	[smem:$0x3F9D] =	sst s1;
	(tag) =	ssettag s2;
	_ =	strace s9  }
0x27: {  	s1 =	sld [smem:$0x3FAD]  }
0x28: {  	s2 =	sld [smem:$0x3FAE]  }
0x29: {  	s4 =	sld [smem:$0x3FB0]  }
0x2a: {  	p0 =	seq.s32 s5, $0x0;
	s5 =	sld [smem:$0x3FB1]  }
0x2b: {  	s6 =	sld [smem:$0x3FB2]  }
0x2c: {  	s7 =	sld [smem:$0x3FB3]  }
0x2d: {  	s3 =	simm.s32 $0x108;
	s8 =	sld [smem:$0x3FB4]  }
0x2e: {  	s3 =	simm.s32 @!p0 $0x1082;
	s9 =	sld [smem:$0x3FB5]  }
0x2f: {  	lr =	sadd.s32 s0, s3;
	s0 =	sld [smem:$0x3FAC]  }
0x30: {  	s3 =	sld [smem:$0x3FAF]  }
0x31: {  	[smem:$0x3FB8] =	sst s10  }
0x32: {  	s10 =	sld [smem:$0x3FB6];
	_ =	sdelay $0x3  }
0x33: {  	p0 =	seq.s32 s10, $0x1;
	s10 =	sld [smem:$0x3FB8];
	_ =	sdelay $0x3  }
0x34: {  	[smem:$0x3FB8] =	sst s10  }
0x35: {  	s10 =	sld [smem:$0x3FB7];
	_ =	sdelay $0x3  }
0x36: {  	p1 =	seq.s32 s10, $0x1;
	s10 =	sld [smem:$0x3FB8];
	_ =	sdelay $0x3  }
0x37: {  	[smem:$0x3FB8] =	sst s10  }
0x38: {  	s10 =	sld [smem:$0x3FB9]  }
0x39: {  	_ = 	snop;
	(pc) =	sbr.ind lr, $3  }
0x3a: {  	_ = 	snop  }
0x3b: {  	_ = 	snop  }
0x3c: {  	p2 =	seq.s32 s10, $0x1;
	s10 =	sld [smem:$0x3FB8]  }
0x3d: {  	_ =	shalt  }
0x3e: {  	_ =	shalt  }
0x3f: {  	_ =	shalt  }
0x40: {  	_ =	shalt  }
0x41: {  	_ =	shalt  }
0x42: {  	_ =	shalt  }
0x43: {  	_ =	shalt  }
0x44: {  	_ =	shalt  }
0x45: {  	_ =	shalt  }
0x46: {  	_ =	shalt  }
0x47: {  	_ =	shalt  }
0x48: {  	_ =	shalt  }
0x49: {  	_ =	shalt  }
0x4a: {  	_ =	shalt  }
0x4b: {  	_ =	shalt  }
0x4c: {  	_ =	shalt  }
0x4d: {  	_ =	shalt  }
0x4e: {  	_ =	shalt  }
0x4f: {  	_ =	shalt  }
0x50: {  	_ =	shalt  }
0x51: {  	_ =	shalt  }
0x52: {  	_ =	shalt  }
0x53: {  	_ =	shalt  }
0x54: {  	_ =	shalt  }
0x55: {  	_ =	shalt  }
0x56: {  	_ =	shalt  }
0x57: {  	_ =	shalt  }
0x58: {  	_ =	shalt  }
0x59: {  	_ =	shalt  }
0x5a: {  	_ =	shalt  }
0x5b: {  	_ =	shalt  }
0x5c: {  	_ =	shalt  }
0x5d: {  	_ =	shalt  }
0x5e: {  	_ =	shalt  }
0x5f: {  	_ =	shalt  }
0x60: {  	_ =	shalt  }
0x61: {  	_ =	shalt  }
0x62: {  	_ =	shalt  }
0x63: {  	_ =	shalt  }
0x64: {  	_ =	shalt  }
0x65: {  	_ =	shalt  }
0x66: {  	_ =	shalt  }
0x67: {  	_ =	shalt  }
0x68: {  	_ =	shalt  }
0x69: {  	_ =	shalt  }
0x6a: {  	_ =	shalt  }
0x6b: {  	_ =	shalt  }
0x6c: {  	_ =	shalt  }
0x6d: {  	_ =	shalt  }
0x6e: {  	_ =	shalt  }
0x6f: {  	_ =	shalt  }
0x70: {  	_ =	shalt  }
0x71: {  	_ =	shalt  }
0x72: {  	_ =	shalt  }
0x73: {  	_ =	shalt  }
0x74: {  	_ =	shalt  }
0x75: {  	_ =	shalt  }
0x76: {  	_ =	shalt  }
0x77: {  	_ =	shalt  }
0x78: {  	_ =	shalt  }
0x79: {  	_ =	shalt  }
0x7a: {  	_ =	shalt  }
0x7b: {  	_ =	shalt  }
0x7c: {  	_ =	shalt  }
0x7d: {  	_ =	shalt  }
0x7e: {  	_ =	shalt  }
0x7f: {  	_ =	shalt  }
0x80: {  	_ =	shalt  }
0x81: {  	_ =	shalt  }
0x82: {  	_ =	shalt  }
0x83: {  	_ =	shalt  }
0x84: {  	_ =	shalt  }
0x85: {  	_ =	shalt  }
0x86: {  	_ =	shalt  }
0x87: {  	_ =	shalt  }
.Lfunc_end0:
.L_simem_size_0:
called_computation.2_lowered:
.L_overlay_start_0:
0x88: {  	s2 =	sld [smem:$0x3FD9]  }
0x89: {  	s3 =	sld [smem:$0x3FFE];
	_ =	sdelay $0x1  }
0x8a: {  	s1 =	srdreg.scid  }
0x8b: {  	s0 =	sand.u32 $0x1, s1  }
0x8c: {  	s17 =	sshll.u32 s0, $0xA;
	s2 =	sadd.s32 s3, s2  }
0x8d: {  	s2 =	sadd.s32 s2, s17  }
0x8e: {  	[smem:$0x3FC4] =	sst s2  }
0x8f: {  	_ = 	snop  }
0x90: {  	s2 =	sld [smem:$0x3FD0];
	(tm) =	ssettm $0x1  }
0x91: {  	s18 =	sld [smem:$0x3FFB];
	_ =	sdelay $0x3  }
0x92: {  	_ =	strace s18  }
0x93: {  	s3 =	sld [smem:$0x3FFC];
	_ =	sdelay $0x3  }
0x94: {  	_ =	strace s3  }
0x95: {  	s3 =	sld [smem:$0x3FFD];
	_ =	sdelay $0x3  }
0x96: {  	_ =	strace s3  }
0x97: {  	_ =	strace $0x8FFFFFFF  }
0x98: {  	s19 =	sld [smem:$0x3FDB];
	_ =	sdelay $0x1  }
0x99: {  	s4 =	simm.s32 $_scs_section_size  }
0x9a: {  	s5 =	simm.s32 $_size__tile_overlayer_lowered;
	s6 =	simm.s32 $_tile_overlayer_lowered  }
0x9b: {  	s22 =	simm.s32 $0x1BFF;
	s21 =	sshll.u32 s6, $0x1;
	s3 =	sadd.s32 s4, s19  }
0x9c: {  	s7 =	simm.s32 $0x0;
	s20 =	sshll.u32 s5, $0x1;
	s5 =	sadd.s32 s21, s3  }
0x9d: {  	[timem:s7], [sflag:s22] =	dma.local [hbm:s5], s20  }
0x9e: {  	_ =	swait.ge [sflag:s22], s20  }
0x9f: {  	s4 =	ssub.s32 $0x0, s20;
	[sflag:s22] =	ssyncset.done $0x0  }
0xa0: {  	[sflag:s22] =	ssyncadd.s32 s4;
	_ =	sdelay $0x1  }
0xa1: {  	s23 =	simm.s32 $0x1B8B  }
0xa2: {  	_ =	swait.ge [sflag:s23], $0x1  }
0xa3: {  	[sflag:s23] =	ssyncset.done $0x0  }
0xa4: {  	s25 =	simm.s32 $0x1B8E;
	s24 =	sld [smem:$0x3FFE];
	[sflag:s23] =	ssyncadd.s32 $0xFFFFFFFF  }
0xa5: {  	s26 =	simm.s32 $execute0_lowered;
	[smem:$0x3FD2] =	sst s25  }
0xa6: {  	s5 =	sshll.u32 s26, $0x1;
	_ =	strace $0x80000046;
	[dreg:$0x1] =	wrdreg $0xFFFFFFFF  }
0xa7: {  	s28 =	simm.s32 $_size_execute0_lowered;
	s3 =	sadd.s32 s3, s5;
	[dreg:$0x0] =	wrdreg $0x0  }
0xa8: {  	s5 =	sshll.u32 s28, $0x1;
	[dreg:$0x2] =	wrdreg s3  }
0xa9: {  	[dreg:$0x3] =	wrdreg s5  }
0xaa: {  	[dreg:$0x4] =	wrdreg $0xC0  }
0xab: {  	_ =	task [dreg:s7], $0x5FFFF  }
0xac: {  	[dreg:$0x1] =	wrdreg $0xFFFFFFFF  }
0xad: {  	[dreg:$0x0] =	wrdreg $0x60  }
0xae: {  	[dreg:$0x2] =	wrdreg s24  }
0xaf: {  	[dreg:$0x3] =	wrdreg s2  }
0xb0: {  	[dreg:$0x4] =	wrdreg $0x9  }
0xb1: {  	_ =	task.clear_ibuf [dreg:s7], $0x5FFFF;
	_ =	strace $0x90000046  }
0xb2: {  	s29 =	simm.s32 $0x9;
	_ =	strace $0x80000048  }
0xb3: {  	_ =	swait.ge [sflag:s29], $0x1  }
0xb4: {  	[sflag:s29] =	ssyncadd.s32 $0xFFFFFFFF  }
0xb5: {  	_ =	strace $0x90000048  }
0xb6: {  	_ =	sfence  }
0xb7: {  	s30 =	sld [smem:$0x0];
	_ =	sdelay $0x2  }
0xb8: {  	s31 =	sshll.u32 s1, $0xD;
	s1 =	sshrl.u32 s1, $0x2  }
0xb9: {  	s3 =	sand.u32 $0x4000, s31;
	s1 =	sadd.s32 s1, s30  }
0xba: {  	s0 =	sor.u32 s3, s0;
	s1 =	sshll.u32 s1, $0x11  }
0xbb: {  	s0 =	sor.u32 s1, s0  }
0xbc: {  	s0 =	sadd.s32 $0x8F2B, s0  }
0xbd: {  	[sflag:s0] =	ssyncadd.remote.s32 $0x1  }
0xbe: {  	_ =	sfence.sel $0xFFFF  }
0xbf: {  	[dreg:$0x0] =	wrdreg $0xFFFFFFFF;
	(pc) =	sbr.abs _section_cstart, $3  }
0xc0: {  	[dreg:$0x1] =	wrdreg $0xFFFFFFFF  }
0xc1: {  	_ =	task.clear_ibuf [dreg:s7], $0x2FFFF;
	_ =	strace $0x9FFFFFFF  }
0xc2: {  	(tm) =	ssettm $0x7FFFFFFF  }
0xc3: {  	_ =	shalt  }
tec
execute0_lowered:
.L_overlay_start_1:
0x0: {  	(tag) =	ssettag $0x1  }
0x1: {  	s4 =	rddreg [dreg:$0x0]  }
0x2: {  	s7 =	rddreg [dreg:$0x1]  }
0x3: {  	s0 =	rddreg [dreg:$0x2]  }
0x4: {  	s3 =	srdreg.scid;
	s1 =	stileid.u32  }
0x5: {  	s2 =	simm.s32 $0x0;
	s5 =	sand.u32 $0x1, s3;
	s6 =	smul.u32 $0x3E8000, s1  }
0x6: {  	[smem:$0x7FF] =	sst s2;
	s8 =	smul.u32 $0x1F4000, s5;
	s9 =	ssub.s32 $0x2, s5  }
0x7: {  	s3 =	sadd.s32 $0x1400, s4;
	_ =	strace $0x80000047;
	s31 =	sshrl.u32 s9, $0x1  }
0x8: {  	s8 =	sadd.s32 s8, s6;
	s6 =	sadd.s32 $0x19C00, s4;
	s4 =	ssub.s32 s9, s31  }
0x9: {  	s10 =	sadd.s32 $0xEA60, s8;
	s12 =	sadd.s32 $0xDAC0, s8;
	s16 =	sadd.s32 $0xBB80, s8  }
0xa: {  	s18 =	sadd.s32 $0xABE0, s8;
	s19 =	sadd.s32 $0x9C40, s8;
	s23 =	sadd.s32 $0x8CA0, s8  }
0xb: {  	s25 =	sadd.s32 $0x6D60, s8;
	s26 =	sadd.s32 $0x5DC0, s8;
	s31 =	sadd.s32 $0x4E20, s8  }
0xc: {  	s4 =	smax.u32 s4, $0x1;
	s11 =	sshrl.u32 s10, $0x3;
	s10 =	sshrl.u32 s12, $0x3  }
0xd: {  	s17 =	sshrl.u32 s16, $0x3;
	s21 =	sshrl.u32 s19, $0x3;
	s24 =	sshrl.u32 s23, $0x3  }
0xe: {  	v0 =	vimm.s32 $0x83828180;
	v1 =	vimm.s32 $0x33323130;
	s29 =	sshrl.u32 s26, $0x3;
	s12 =	sor.u32 $0x3E80, s8;
	s23 =	simm.s32 $0x870  }
0xf: {  	v3 =	vimm.s32 $0x37363534;
	vm0 =	vcmask $0x1F10;
	s19 =	smul.u32 $0x7D000, s1;
	s26 =	simm.s32 $0x9C0;
	[dreg:$0x13] =	wrdreg s23  }
0x10: {  	vm1 =	vcmask $0x300;
	vm2 =	vcmask $0x704;
	vm3 =	vcmask $0xB08;
	s9 =	sadd.s32 s11, s7;
	s11 =	sadd.s32 $0xCB20, s8;
	[dreg:$0x16] =	wrdreg s26  }
0x11: {  	vm4 =	vcmask $0xF0C;
	vm7 =	vcmask $0x1310;
	vm8 =	vcmask $0x1714;
	s13 =	sadd.s32 s10, s7;
	s10 =	sshrl.u32 s18, $0x3;
	[dreg:$0x3] =	wrdreg s9  }
0x12: {  	vm9 =	vcmask $0x1B18;
	vm10 =	vcmask $0x1F1C;
	vm11 =	vcmask $0x2320;
	s22 =	sadd.s32 s21, s7;
	s30 =	sadd.s32 s29, s7;
	[dreg:$0x4] =	wrdreg s13  }
0x13: {  	vm5 =	vcmask $0x2724;
	v11 =	vimm.s32 $0x287;
	vm6 =	vcmask $0x2B28;
	s18 =	sor.u32 $0x1F40, s8;
	s21 =	sshll.u32 s5, $0xD;
	[dreg:$0x8] =	wrdreg s22  }
0x14: {  	v12 =	vimm.s32 $0x387;
	vm12 =	vcmask $0x3330;
	vm14 =	vcmask $0x3734;
	s29 =	simm.s32 $0xAA0;
	s14 =	sshrl.u32 s11, $0x3;
	[dreg:$0xb] =	wrdreg s30  }
0x15: {  	vm15 =	vcmask $0x3B38;
	v2 =	vunpack.c.0.s8.s32 v0;
	v0 =	vimm.s32 $0x87868584;
	s9 =	sadd.s32 s17, s7;
	s20 =	sadd.s32 s10, s7;
	[dreg:$0x18] =	wrdreg s29  }
0x16: {  	v5 =	vunpack.c.0.s8.s32 v1;
	v3 =	vunpack.c.0.s8.s32 v3;
	v11 =	vsel vm1, $0x230, v11;
	s10 =	sshrl.u32 s25, $0x3;
	s11 =	sshrl.u32 s31, $0x3;
	[dreg:$0x6] =	wrdreg s9  }
0x17: {  	v12 =	vsel vm1, $0x330, v12;
	v4 =	vunpack.c.0.s8.s32 v0;
	v0 =	vlaneseq.u32;
	s13 =	sor.u32 $0x2EE0, s8;
	s22 =	simm.s32 $0x800;
	[dreg:$0x7] =	wrdreg s20  }
0x18: {  	v11 =	vsel vm2, $0x231, v11;
	v12 =	vsel vm2, $0x331, v12;
	v1 =	vor.u32 $0x10, v0;
	s17 =	sshll.u32 s1, $0xE;
	s25 =	simm.s32 $0x950;
	[dreg:$0x12] =	wrdreg s22  }
0x19: {  	v3 =	vsel vm0, v3, v5;
	v11 =	vsel vm3, $0x232, v11;
	v12 =	vsel vm3, $0x332, v12;
	s8 =	sor.u32 $0xFA0, s8;
	s30 =	simm.s32 $0xB10;
	[dreg:$0x15] =	wrdreg s25  }
0x1a: {  	v19 =	vadd.s32 $0x298, v0;
	v21 =	vor.u32 $0x300, v0;
	v23 =	vor.u32 $0x320, v0;
	s31 =	simm.s32 $0x1D00;
	s15 =	sadd.s32 s14, s7;
	[dreg:$0x19] =	wrdreg s30  }
0x1b: {  	v25 =	vadd.s32 $0x388, v0;
	v26 =	vadd.s32 $0x398, v0;
	v27 =	vadd.s32 $0x3A8, v0;
	s9 =	sadd.s32 s24, s7;
	s28 =	sadd.s32 s10, s7;
	[dreg:$0x1a] =	wrdreg s31  }
0x1c: {  	v2 =	vsel vm0, v4, v2;
	v4 =	vimm.s32 $0x187;
	vm0 =	vcmask $0x2F2C;
	s10 =	sshrl.u32 s12, $0x3;
	s8 =	sshrl.u32 s8, $0x3;
	[dreg:$0x5] =	wrdreg s15  }
0x1d: {  	v11 =	vsel vm4, $0x233, v11;
	v12 =	vsel vm4, $0x333, v12;
	v3 =	vcombine.low v3, v2;
	s12 =	smul.u32 $0x3E800, s5;
	s20 =	sadd.s32 s17, s6;
	[dreg:$0x9] =	wrdreg s9  }
0x1e: {  	v2 =	vor.u32 $0x20, v0;
	v4 =	vsel vm1, $0x130, v4;
	v11 =	vsel vm7, $0x234, v11;
	s24 =	simm.s32 $0x8E0;
	s22 =	simm.s32 $0x0;
	[dreg:$0xa] =	wrdreg s28  }
0x1f: {  	v12 =	vsel vm7, $0x334, v12;
	v5 =	vsel vm2, $0x131, v4;
	v4 =	vadd.s32 $0x88, v0;
	s9 =	sadd.s32 s11, s7;
	s14 =	sadd.s32 s10, s7;
	s15 =	sshrl.u32 s13, $0x3  }
0x20: {  	v11 =	vsel vm8, $0x235, v11;
	v12 =	vsel vm8, $0x335, v12;
	v3 =	vand.u32 $0xFF, v3;
	s8 =	sadd.s32 s8, s7;
	s5 =	sadd.s32 s21, s20;
	[dreg:$0x14] =	wrdreg s24  }
0x21: {  	v6 =	vsel vm3, $0x132, v5;
	v5 =	vadd.s32 $0x98, v0;
	v11 =	vsel vm9, $0x236, v11;
	s28 =	simm.s32 $0xA30;
	s10 =	simm.s32 $0x2E80;
	[dreg:$0xc] =	wrdreg s9  }
0x22: {  	v14 =	vsel vm9, $0x336, v12;
	v12 =	vadd.s32 $0x198, v0;
	v7 =	vsel vm4, $0x133, v6;
	s11 =	simm.s32 $0x5180;
	s13 =	simm.s32 $0x4000;
	[dreg:$0xd] =	wrdreg s14  }
0x23: {  	v6 =	vadd.s32 $0xA8, v0;
	v11 =	vsel vm10, $0x237, v11;
	v14 =	vsel vm10, $0x337, v14;
	s20 =	simm.s32 $0x11200;
	s16 =	sadd.s32 s15, s7;
	[dreg:$0x10] =	wrdreg s8  }
0x24: {  	v8 =	vsel vm7, $0x134, v7;
	v7 =	vor.u32 $0x100, v0;
	v13 =	vsel vm11, $0x280, v11;
	s9 =	sshrl.u32 s18, $0x3;
	s8 =	sor.u32 s21, s17;
	[dreg:$0x17] =	wrdreg s28  }
0x25: {  	v11 =	vadd.s32 $0x188, v0;
	v16 =	vsel vm11, $0x380, v14;
	v14 =	vor.u32 $0x200, v0;
	[dreg:$0x1b] =	wrdreg s13;
	s14 =	simm.s32 $0x6300;
	s13 =	simm.s32 $0x400  }
0x26: {  	v9 =	vsel vm8, $0x135, v8;
	v8 =	vor.u32 $0x110, v0;
	v13 =	vsel vm5, $0x281, v13;
	s15 =	simm.s32 $0x8600;
	s17 =	simm.s32 $0xCC00;
	s18 =	simm.s32 $0xEF00  }
0x27: {  	v16 =	vsel vm5, $0x381, v16;
	v10 =	vsel vm9, $0x136, v9;
	v9 =	vor.u32 $0x120, v0;
	[smem:$0x7FD] =	sst s20;
	s20 =	simm.s32 $0x3;
	s21 =	simm.s32 $0x4  }
0x28: {  	v15 =	vsel vm6, $0x282, v13;
	v13 =	vadd.s32 $0x1A8, v0;
	[dreg:$0xe] =	wrdreg s16;
	s9 =	sadd.s32 s9, s7;
	v10 =	vsel vm10, $0x137, v10;
	s7 =	sadd.s32 s19, s7  }
0x29: {  	v18 =	vsel vm6, $0x382, v16;
	v16 =	vor.u32 $0x220, v0;
	s6 =	sadd.s32 s8, s6;
	s8 =	simm.s32 $0x70;
	[dreg:$0x1c] =	wrdreg s14;
	v10 =	vsel vm11, $0x180, v10  }
0x2a: {  	v15 =	vsel vm0, $0x283, v15;
	s14 =	simm.s32 $0x9780;
	[dreg:$0x1d] =	wrdreg s15;
	s16 =	simm.s32 $0xA900;
	v20 =	vsel vm0, $0x383, v18;
	v10 =	vsel vm5, $0x181, v10  }
0x2b: {  	s15 =	simm.s32 $0xBA80;
	v18 =	vadd.s32 $0x288, v0;
	[dreg:$0x1f] =	wrdreg s17;
	s17 =	simm.s32 $0x10080;
	v17 =	vsel vm12, $0x284, v15;
	v10 =	vsel vm6, $0x182, v10  }
0x2c: {  	[smem:$0x7FC] =	sst s18;
	s18 =	simm.s32 $0x1;
	s19 =	simm.s32 $0x2;
	v15 =	vor.u32 $0x210, v0;
	v22 =	vsel vm12, $0x384, v20;
	v10 =	vsel vm0, $0x183, v10  }
0x2d: {  	[dreg:$0xf] =	wrdreg s9;
	s7 =	sadd.s32 s12, s7;
	s6 =	sadd.s32 $0x80, s6;
	v20 =	vadd.s32 $0x2A8, v0;
	v17 =	vsel vm14, $0x285, v17;
	v10 =	vsel vm12, $0x184, v10  }
0x2e: {  	s9 =	simm.s32 $0xB80;
	s12 =	simm.s32 $0x7480;
	[dreg:$0x1e] =	wrdreg s16;
	v24 =	vsel vm14, $0x385, v22;
	v22 =	vor.u32 $0x310, v0;
	v10 =	vsel vm14, $0x185, v10  }
0x2f: {  	s16 =	simm.s32 $0xDD80;
	[dreg:$0x11] =	wrdreg s7;
	s7 =	simm.s32 $0x5;
	v17 =	vsel vm15, $0x286, v17;
	v24 =	vsel vm15, $0x386, v24;
	v10 =	vsel vm15, $0x186, v10  }
.LBB2_1:
0x30: {  	s23 =	smov.u32 s6;
	s24 =	smov.u32 s5;
	s25 =	simm.s32 $0x0  }
.LBB2_2:
0x31: {  	p0 =	seq.s32 s25, $0x0  }
0x32: {  	s26 =	simm.s32 @!p0 $0x3  }
0x33: {  	_ =	swait.ge @!p0 [sflag:s26], $0x7D00  }
0x34: {  	[sflag:s26] =	ssyncset.done @!p0 $0x0  }
0x35: {  	[sflag:s26] =	ssyncadd.s32 @!p0 $0xFFFF8300  }
0x36: {  	[tilespmem:s2], [sflag:$0x5] =	stream.linear.gather [hbm4b:s24+s2], $0x400, $0x38;
	[tilespmem:$0x12380] =	vst v63  }
0x37: {  	_ =	swait.ge [sflag:s7], $0x400  }
0x38: {  	[sflag:s7] =	ssyncset.done $0x0  }
0x39: {  	[sflag:s7] =	ssyncadd.s32 $0xFFFFFC00  }
0x3a: {  	v28 =	vld.idx.msk [tilespmem:v0+s2+$0x0], $0xffff;
	_ =	sdelay $0x4  }
0x3b: {  	[tilespmem:$0x800] =	vst v28  }
0x3c: {  	v28 =	vld.idx.msk [tilespmem:v1+s2+$0x0], $0xffff;
	_ =	sdelay $0x4  }
0x3d: {  	[tilespmem:$0x810] =	vst v28  }
0x3e: {  	v28 =	vld.idx.msk [tilespmem:v2+s2+$0x0], $0xffff;
	_ =	sdelay $0x4  }
0x3f: {  	[tilespmem:$0x820] =	vst v28  }
0x40: {  	v28 =	vld.idx.msk [tilespmem:v3+s2+$0x0], $0xffff;
	_ =	sdelay $0x4  }
0x41: {  	[tilespmem:$0x830] =	vst v28  }
0x42: {  	v28 =	vld.idx.msk [tilespmem:v4+s2+$0x0], $0xffff;
	_ =	sdelay $0x4  }
0x43: {  	[tilespmem:$0x840] =	vst v28  }
0x44: {  	v28 =	vld.idx.msk [tilespmem:v5+s2+$0x0], $0xffff;
	_ =	sdelay $0x4  }
0x45: {  	[tilespmem:$0x850] =	vst v28  }
0x46: {  	v28 =	vld.idx.msk [tilespmem:v6+s2+$0x0], $0xffff;
	_ =	sdelay $0x4  }
0x47: {  	[tilespmem:$0x860] =	vst v28  }
0x48: {  	v28 =	vld.idx.msk [tilespmem:v7+s2+$0x0], $0xffff;
	_ =	sdelay $0x4  }
0x49: {  	[tilespmem:$0x870] =	vst v28  }
0x4a: {  	v28 =	vld.idx.msk [tilespmem:v8+s2+$0x0], $0xffff;
	_ =	sdelay $0x4  }
0x4b: {  	[tilespmem:$0x880] =	vst v28  }
0x4c: {  	v28 =	vld.idx.msk [tilespmem:v9+s2+$0x0], $0xffff;
	_ =	sdelay $0x4  }
0x4d: {  	[tilespmem:$0x890] =	vst v28  }
0x4e: {  	v28 =	vld.idx.msk [tilespmem:v10+s2+$0x0], $0xffff;
	_ =	sdelay $0x4  }
0x4f: {  	[tilespmem:$0x8A0] =	vst v28  }
0x50: {  	v28 =	vld.idx.msk [tilespmem:v11+s2+$0x0], $0xffff;
	_ =	sdelay $0x4  }
0x51: {  	[tilespmem:$0x8B0] =	vst v28  }
0x52: {  	v28 =	vld.idx.msk [tilespmem:v12+s2+$0x0], $0xffff;
	_ =	sdelay $0x4  }
0x53: {  	[tilespmem:$0x8C0] =	vst v28  }
0x54: {  	v28 =	vld.idx.msk [tilespmem:v13+s2+$0x0], $0xffff;
	_ =	sdelay $0x4  }
0x55: {  	[tilespmem:$0x8D0] =	vst v28  }
0x56: {  	v28 =	vld.idx.msk [tilespmem:v14+s2+$0x0], $0xffff;
	_ =	sdelay $0x4  }
0x57: {  	[tilespmem:$0x8E0] =	vst v28  }
0x58: {  	v28 =	vld.idx.msk [tilespmem:v15+s2+$0x0], $0xffff;
	_ =	sdelay $0x4  }
0x59: {  	[tilespmem:$0x8F0] =	vst v28  }
0x5a: {  	v28 =	vld.idx.msk [tilespmem:v16+s2+$0x0], $0xffff;
	_ =	sdelay $0x4  }
0x5b: {  	[tilespmem:$0x900] =	vst v28  }
0x5c: {  	v28 =	vld.idx.msk [tilespmem:v17+s2+$0x0], $0xffff;
	_ =	sdelay $0x4  }
0x5d: {  	[tilespmem:$0x910] =	vst v28  }
0x5e: {  	v28 =	vld.idx.msk [tilespmem:v18+s2+$0x0], $0xffff;
	_ =	sdelay $0x4  }
0x5f: {  	[tilespmem:$0x920] =	vst v28  }
0x60: {  	v28 =	vld.idx.msk [tilespmem:v19+s2+$0x0], $0xffff;
	_ =	sdelay $0x4  }
0x61: {  	[tilespmem:$0x930] =	vst v28  }
0x62: {  	v28 =	vld.idx.msk [tilespmem:v20+s2+$0x0], $0xffff;
	_ =	sdelay $0x4  }
0x63: {  	[tilespmem:$0x940] =	vst v28  }
0x64: {  	v28 =	vld.idx.msk [tilespmem:v21+s2+$0x0], $0xffff;
	_ =	sdelay $0x4  }
0x65: {  	[tilespmem:$0x950] =	vst v28  }
0x66: {  	v28 =	vld.idx.msk [tilespmem:v22+s2+$0x0], $0xffff;
	_ =	sdelay $0x4  }
0x67: {  	[tilespmem:$0x960] =	vst v28  }
0x68: {  	v28 =	vld.idx.msk [tilespmem:v23+s2+$0x0], $0xffff;
	_ =	sdelay $0x4  }
0x69: {  	[tilespmem:$0x970] =	vst v28  }
0x6a: {  	v28 =	vld.idx.msk [tilespmem:v24+s2+$0x0], $0xffff;
	_ =	sdelay $0x4  }
0x6b: {  	[tilespmem:$0x980] =	vst v28  }
0x6c: {  	v28 =	vld.idx.msk [tilespmem:v25+s2+$0x0], $0xffff;
	_ =	sdelay $0x4  }
0x6d: {  	[tilespmem:$0x990] =	vst v28  }
0x6e: {  	v28 =	vld.idx.msk [tilespmem:v26+s2+$0x0], $0xffff;
	_ =	sdelay $0x4  }
0x6f: {  	[tilespmem:$0x9A0] =	vst v28  }
0x70: {  	v28 =	vld.idx.msk [tilespmem:v27+s2+$0x0], $0xffff;
	_ =	sdelay $0x4  }
0x71: {  	s31 =	rddreg [dreg:$0x12];
	[tilespmem:$0x9B0] =	vst v28  }
0x72: {  	[tilespmem:s9], [sflag:$0x1] =	stream.indirect.gather [hbm4b:s3+s8], $0x50, s31, s8, $0xb8;
	[tilespmem:$0x12380] =	vst v63  }
0x73: {  	s28 =	rddreg [dreg:$0x13]  }
0x74: {  	[tilespmem:s10], [sflag:$0x1] =	stream.indirect.gather [hbm4b:s3+s8], $0x50, s28, s8, $0xb8;
	[tilespmem:$0x12380] =	vst v63  }
0x75: {  	s29 =	rddreg [dreg:$0x14]  }
0x76: {  	[tilespmem:s11], [sflag:$0x1] =	stream.indirect.gather [hbm4b:s3+s8], $0x50, s29, s8, $0xb8;
	[tilespmem:$0x12380] =	vst v63  }
0x77: {  	s26 =	simm.s32 @!p0 $0x4;
	s30 =	rddreg [dreg:$0x15]  }
0x78: {  	[tilespmem:s12], [sflag:$0x1] =	stream.indirect.gather [hbm4b:s3+s8], $0x50, s30, s8, $0xb8;
	[tilespmem:$0x12380] =	vst v63  }
0x79: {  	_ =	swait.ge @!p0 [sflag:s26], $0x7D00  }
0x7a: {  	[sflag:s26] =	ssyncset.done @!p0 $0x0  }
0x7b: {  	[sflag:s26] =	ssyncadd.s32 @!p0 $0xFFFF8300  }
0x7c: {  	[tilespmem:s13], [sflag:$0x5] =	stream.linear.gather [hbm4b:s23+s2], $0x400, $0x38;
	[tilespmem:$0x12380] =	vst v63  }
0x7d: {  	_ =	swait.ge [sflag:s7], $0x400  }
0x7e: {  	[sflag:s7] =	ssyncset.done $0x0  }
0x7f: {  	[sflag:s7] =	ssyncadd.s32 $0xFFFFFC00  }
0x80: {  	v28 =	vld.idx.msk [tilespmem:v0+s13+$0x0], $0xffff;
	_ =	sdelay $0x4  }
0x81: {  	[tilespmem:$0x9C0] =	vst v28  }
0x82: {  	v28 =	vld.idx.msk [tilespmem:v1+s13+$0x0], $0xffff;
	_ =	sdelay $0x4  }
0x83: {  	[tilespmem:$0x9D0] =	vst v28  }
0x84: {  	v28 =	vld.idx.msk [tilespmem:v2+s13+$0x0], $0xffff;
	_ =	sdelay $0x4  }
0x85: {  	[tilespmem:$0x9E0] =	vst v28  }
0x86: {  	v28 =	vld.idx.msk [tilespmem:v3+s13+$0x0], $0xffff;
	_ =	sdelay $0x4  }
0x87: {  	[tilespmem:$0x9F0] =	vst v28  }
0x88: {  	v28 =	vld.idx.msk [tilespmem:v4+s13+$0x0], $0xffff;
	_ =	sdelay $0x4  }
0x89: {  	[tilespmem:$0xA00] =	vst v28  }
0x8a: {  	v28 =	vld.idx.msk [tilespmem:v5+s13+$0x0], $0xffff;
	_ =	sdelay $0x4  }
0x8b: {  	[tilespmem:$0xA10] =	vst v28  }
0x8c: {  	v28 =	vld.idx.msk [tilespmem:v6+s13+$0x0], $0xffff;
	_ =	sdelay $0x4  }
0x8d: {  	[tilespmem:$0xA20] =	vst v28  }
0x8e: {  	v28 =	vld.idx.msk [tilespmem:v7+s13+$0x0], $0xffff;
	_ =	sdelay $0x4  }
0x8f: {  	[tilespmem:$0xA30] =	vst v28  }
0x90: {  	v28 =	vld.idx.msk [tilespmem:v8+s13+$0x0], $0xffff;
	_ =	sdelay $0x4  }
0x91: {  	[tilespmem:$0xA40] =	vst v28  }
0x92: {  	v28 =	vld.idx.msk [tilespmem:v9+s13+$0x0], $0xffff;
	_ =	sdelay $0x4  }
0x93: {  	[tilespmem:$0xA50] =	vst v28  }
0x94: {  	v28 =	vld.idx.msk [tilespmem:v10+s13+$0x0], $0xffff;
	_ =	sdelay $0x4  }
0x95: {  	[tilespmem:$0xA60] =	vst v28  }
0x96: {  	v28 =	vld.idx.msk [tilespmem:v11+s13+$0x0], $0xffff;
	_ =	sdelay $0x4  }
0x97: {  	[tilespmem:$0xA70] =	vst v28  }
0x98: {  	v28 =	vld.idx.msk [tilespmem:v12+s13+$0x0], $0xffff;
	_ =	sdelay $0x4  }
0x99: {  	[tilespmem:$0xA80] =	vst v28  }
0x9a: {  	v28 =	vld.idx.msk [tilespmem:v13+s13+$0x0], $0xffff;
	_ =	sdelay $0x4  }
0x9b: {  	[tilespmem:$0xA90] =	vst v28  }
0x9c: {  	v28 =	vld.idx.msk [tilespmem:v14+s13+$0x0], $0xffff;
	_ =	sdelay $0x4  }
0x9d: {  	[tilespmem:$0xAA0] =	vst v28  }
0x9e: {  	v28 =	vld.idx.msk [tilespmem:v15+s13+$0x0], $0xffff;
	_ =	sdelay $0x4  }
0x9f: {  	[tilespmem:$0xAB0] =	vst v28  }
0xa0: {  	v28 =	vld.idx.msk [tilespmem:v16+s13+$0x0], $0xffff;
	_ =	sdelay $0x4  }
0xa1: {  	[tilespmem:$0xAC0] =	vst v28  }
0xa2: {  	v28 =	vld.idx.msk [tilespmem:v17+s13+$0x0], $0xffff;
	_ =	sdelay $0x4  }
0xa3: {  	[tilespmem:$0xAD0] =	vst v28  }
0xa4: {  	v28 =	vld.idx.msk [tilespmem:v18+s13+$0x0], $0xffff;
	_ =	sdelay $0x4  }
0xa5: {  	[tilespmem:$0xAE0] =	vst v28  }
0xa6: {  	v28 =	vld.idx.msk [tilespmem:v19+s13+$0x0], $0xffff;
	_ =	sdelay $0x4  }
0xa7: {  	[tilespmem:$0xAF0] =	vst v28  }
0xa8: {  	v28 =	vld.idx.msk [tilespmem:v20+s13+$0x0], $0xffff;
	_ =	sdelay $0x4  }
0xa9: {  	[tilespmem:$0xB00] =	vst v28  }
0xaa: {  	v28 =	vld.idx.msk [tilespmem:v21+s13+$0x0], $0xffff;
	_ =	sdelay $0x4  }
0xab: {  	[tilespmem:$0xB10] =	vst v28  }
0xac: {  	v28 =	vld.idx.msk [tilespmem:v22+s13+$0x0], $0xffff;
	_ =	sdelay $0x4  }
0xad: {  	[tilespmem:$0xB20] =	vst v28  }
0xae: {  	v28 =	vld.idx.msk [tilespmem:v23+s13+$0x0], $0xffff;
	_ =	sdelay $0x4  }
0xaf: {  	[tilespmem:$0xB30] =	vst v28  }
0xb0: {  	v28 =	vld.idx.msk [tilespmem:v24+s13+$0x0], $0xffff;
	_ =	sdelay $0x4  }
0xb1: {  	[tilespmem:$0xB40] =	vst v28  }
0xb2: {  	v28 =	vld.idx.msk [tilespmem:v25+s13+$0x0], $0xffff;
	_ =	sdelay $0x4  }
0xb3: {  	[tilespmem:$0xB50] =	vst v28  }
0xb4: {  	v28 =	vld.idx.msk [tilespmem:v26+s13+$0x0], $0xffff;
	_ =	sdelay $0x4  }
0xb5: {  	[tilespmem:$0xB60] =	vst v28  }
0xb6: {  	v28 =	vld.idx.msk [tilespmem:v27+s13+$0x0], $0xffff;
	_ =	sdelay $0x4  }
0xb7: {  	s31 =	rddreg [dreg:$0x16];
	[tilespmem:$0xB70] =	vst v28  }
0xb8: {  	[tilespmem:s14], [sflag:$0x2] =	stream.indirect.gather [hbm4b:s3+s8], $0x50, s31, s8, $0xb8;
	[tilespmem:$0x12380] =	vst v63  }
0xb9: {  	s29 =	rddreg [dreg:$0x17]  }
0xba: {  	[tilespmem:s15], [sflag:$0x2] =	stream.indirect.gather [hbm4b:s3+s8], $0x50, s29, s8, $0xb8;
	[tilespmem:$0x12380] =	vst v63  }
0xbb: {  	s30 =	rddreg [dreg:$0x18]  }
0xbc: {  	[tilespmem:s16], [sflag:$0x2] =	stream.indirect.gather [hbm4b:s3+s8], $0x50, s30, s8, $0xb8;
	[tilespmem:$0x12380] =	vst v63  }
0xbd: {  	s31 =	rddreg [dreg:$0x19]  }
0xbe: {  	[tilespmem:s17], [sflag:$0x2] =	stream.indirect.gather [hbm4b:s3+s8], $0x50, s31, s8, $0xb8;
	[tilespmem:$0x12380] =	vst v63  }
0xbf: {  	_ =	swait.ge [sflag:s18], $0x2300  }
0xc0: {  	[sflag:s18] =	ssyncset.done $0x0  }
0xc1: {  	[sflag:s18] =	ssyncadd.s32 $0xFFFFDD00  }
0xc2: {  	_ =	swait.ge [sflag:s18], $0x2300  }
0xc3: {  	[sflag:s18] =	ssyncset.done $0x0  }
0xc4: {  	[sflag:s18] =	ssyncadd.s32 $0xFFFFDD00  }
0xc5: {  	_ =	swait.ge [sflag:s18], $0x2300  }
0xc6: {  	[sflag:s18] =	ssyncset.done $0x0  }
0xc7: {  	[sflag:s18] =	ssyncadd.s32 $0xFFFFDD00  }
0xc8: {  	_ =	swait.ge [sflag:s18], $0x2300  }
0xc9: {  	s29 =	rddreg [dreg:$0x11]  }
0xca: {  	s30 =	rddreg [dreg:$0x10]  }
0xcb: {  	[sflag:s18] =	ssyncset.done $0x0;
	s31 =	rddreg [dreg:$0x1b]  }
0xcc: {  	[sflag:s18] =	ssyncadd.s32 $0xFFFFDD00;
	s26 =	sadd.s32 s25, s29;
	s29 =	rddreg [dreg:$0x1a]  }
0xcd: {  	[hbm4b:s26+s2] =	stream.linear.scatter [tilespmem:s9], [sflag:$0x3], $0xFA0, $0x38;
	[tilespmem:$0x12380] =	vst v63  }
0xce: {  	s28 =	sadd.s32 s25, s30;
	s30 =	rddreg [dreg:$0xf]  }
0xcf: {  	[hbm4b:s28+s2] =	stream.linear.scatter [tilespmem:s29], [sflag:$0x3], $0xFA0, $0x38;
	[tilespmem:$0x12380] =	vst v63  }
0xd0: {  	s28 =	rddreg [dreg:$0xe]  }
0xd1: {  	s29 =	sadd.s32 s25, s30;
	s30 =	rddreg [dreg:$0x1c]  }
0xd2: {  	[hbm4b:s29+s2] =	stream.linear.scatter [tilespmem:s10], [sflag:$0x3], $0xFA0, $0x38;
	[tilespmem:$0x12380] =	vst v63  }
0xd3: {  	s28 =	sadd.s32 s25, s28;
	s29 =	rddreg [dreg:$0xd]  }
0xd4: {  	[hbm4b:s28+s2] =	stream.linear.scatter [tilespmem:s31], [sflag:$0x3], $0xFA0, $0x38;
	[tilespmem:$0x12380] =	vst v63  }
0xd5: {  	s29 =	sadd.s32 s25, s29;
	s31 =	rddreg [dreg:$0xc]  }
0xd6: {  	[hbm4b:s29+s2] =	stream.linear.scatter [tilespmem:s11], [sflag:$0x3], $0xFA0, $0x38;
	[tilespmem:$0x12380] =	vst v63  }
0xd7: {  	s28 =	sadd.s32 s25, s31;
	s31 =	rddreg [dreg:$0xb]  }
0xd8: {  	[hbm4b:s28+s2] =	stream.linear.scatter [tilespmem:s30], [sflag:$0x3], $0xFA0, $0x38;
	[tilespmem:$0x12380] =	vst v63  }
0xd9: {  	s29 =	sadd.s32 s25, s31;
	s28 =	rddreg [dreg:$0xa]  }
0xda: {  	[hbm4b:s29+s2] =	stream.linear.scatter [tilespmem:s12], [sflag:$0x3], $0xFA0, $0x38;
	[tilespmem:$0x12380] =	vst v63  }
0xdb: {  	s31 =	rddreg [dreg:$0x1d];
	s28 =	sadd.s32 s25, s28  }
0xdc: {  	[hbm4b:s28+s2] =	stream.linear.scatter [tilespmem:s31], [sflag:$0x3], $0xFA0, $0x38;
	[tilespmem:$0x12380] =	vst v63  }
0xdd: {  	_ =	swait.ge [sflag:s19], $0x2300  }
0xde: {  	[sflag:s19] =	ssyncset.done $0x0  }
0xdf: {  	[sflag:s19] =	ssyncadd.s32 $0xFFFFDD00  }
0xe0: {  	_ =	swait.ge [sflag:s19], $0x2300  }
0xe1: {  	[sflag:s19] =	ssyncset.done $0x0  }
0xe2: {  	[sflag:s19] =	ssyncadd.s32 $0xFFFFDD00  }
0xe3: {  	_ =	swait.ge [sflag:s19], $0x2300  }
0xe4: {  	[sflag:s19] =	ssyncset.done $0x0  }
0xe5: {  	[sflag:s19] =	ssyncadd.s32 $0xFFFFDD00  }
0xe6: {  	_ =	swait.ge [sflag:s19], $0x2300  }
0xe7: {  	s31 =	rddreg [dreg:$0x9]  }
0xe8: {  	s26 =	sadd.s32 $0xFA0, s26;
	[sflag:s19] =	ssyncset.done $0x0;
	s29 =	rddreg [dreg:$0x1e]  }
0xe9: {  	[sflag:s19] =	ssyncadd.s32 $0xFFFFDD00;
	s30 =	sadd.s32 s25, s31;
	s31 =	rddreg [dreg:$0x8]  }
0xea: {  	[hbm4b:s26+s2] =	stream.linear.scatter [tilespmem:s14], [sflag:$0x4], $0xFA0, $0x38;
	[tilespmem:$0x12380] =	vst v63  }
0xeb: {  	s28 =	sadd.s32 s25, s31;
	s31 =	rddreg [dreg:$0x1f]  }
0xec: {  	[hbm4b:s30+s2] =	stream.linear.scatter [tilespmem:s29], [sflag:$0x4], $0xFA0, $0x38;
	[tilespmem:$0x12380] =	vst v63  }
0xed: {  	s30 =	rddreg [dreg:$0x7]  }
0xee: {  	s26 =	sadd.s32 s25, s30;
	s30 =	rddreg [dreg:$0x6]  }
0xef: {  	[hbm4b:s28+s2] =	stream.linear.scatter [tilespmem:s15], [sflag:$0x4], $0xFA0, $0x38;
	[tilespmem:$0x12380] =	vst v63  }
0xf0: {  	s28 =	sadd.s32 s25, s30;
	s30 =	sld [smem:$0x7FC]  }
0xf1: {  	[hbm4b:s26+s2] =	stream.linear.scatter [tilespmem:s31], [sflag:$0x4], $0xFA0, $0x38;
	[tilespmem:$0x12380] =	vst v63  }
0xf2: {  	s31 =	rddreg [dreg:$0x5]  }
0xf3: {  	[hbm4b:s28+s2] =	stream.linear.scatter [tilespmem:s16], [sflag:$0x4], $0xFA0, $0x38;
	[tilespmem:$0x12380] =	vst v63  }
0xf4: {  	s26 =	sadd.s32 s25, s31;
	s31 =	rddreg [dreg:$0x4]  }
0xf5: {  	[hbm4b:s26+s2] =	stream.linear.scatter [tilespmem:s30], [sflag:$0x4], $0xFA0, $0x38;
	[tilespmem:$0x12380] =	vst v63  }
0xf6: {  	s30 =	rddreg [dreg:$0x3]  }
0xf7: {  	s28 =	sadd.s32 s25, s31;
	s26 =	sadd.s32 s25, s30;
	s25 =	sadd.s32 $0x1F40, s25  }
0xf8: {  	p0 =	sne.s32 s25, $0x3E800  }
.Ltmp0:
0xf9: {  	_ = 	snop;
	(pc) =	sbr.rel @p0 .LBB2_2-.Ltmp0, $4  }
0xfa: {  	s31 =	sld [smem:$0x7FD]  }
0xfb: {  	[hbm4b:s28+s2] =	stream.linear.scatter [tilespmem:s17], [sflag:$0x4], $0xFA0, $0x38;
	[tilespmem:$0x12380] =	vst v63  }
0xfc: {  	s24 =	sadd.s32 $0x100, s24;
	s23 =	sadd.s32 $0x100, s23  }
0xfd: {  	[hbm4b:s26+s2] =	stream.linear.scatter [tilespmem:s31], [sflag:$0x4], $0xFA0, $0x38;
	[tilespmem:$0x12380] =	vst v63  }
0xfe: {  	s22 =	sadd.s32 $0x1, s22  }
0xff: {  	_ =	swait.ge [sflag:s20], $0x7D00;
	p0 =	sne.s32 s22, s4  }
.Ltmp1:
0x100: {  	[sflag:s20] =	ssyncset.done $0x0;
	(pc) =	sbr.rel @p0 .LBB2_1-.Ltmp1, $4  }
0x101: {  	[sflag:s20] =	ssyncadd.s32 $0xFFFF8300  }
0x102: {  	_ =	swait.ge [sflag:s21], $0x7D00  }
0x103: {  	[sflag:s21] =	ssyncset.done $0x0  }
0x104: {  	[sflag:s21] =	ssyncadd.s32 $0xFFFF8300  }
0x105: {  	_ =	sfence.sel $0x180000  }
0x106: {  	[bflag:$0x0] =	sbarrier.arrive $0xFFFF  }
0x107: {  	p0 =	sne.s32 s1, $0x0;
	_ =	strace $0x90000047  }
0x108: {  	s0 =	sadd.s32 @!p0 $0x100000, s0;
	[bflag:$0x2] =	sbarrier.arrive $0xFFFF  }
0x109: {  	[sflag:s0] =	ssyncadd.tile.s32 @!p0 $0x1;
	_ =	shalt  }
.Lfunc_end2:
_tile_overlayer_lowered:
.L_overlay_start_2:
0x10a: {  	(tag) =	ssettag $0x2  }
0x10b: {  	s0 =	rddreg [dreg:$0x0];
	s2 =	stileid.u32  }
0x10c: {  	s1 =	rddreg [dreg:$0x1];
	p0 =	sne.s32 s2, $0x0  }
0x10d: {  	s3 =	rddreg [dreg:$0x2];
	[bflag:$0x3] =	sbarrier.arrive $0xFFFF;
	s2 =	simm.s32 @!p0 $0x1C05  }
0x10e: {  	[timem:s3], [sflag:s2] =	dma.local @!p0 [hbm:s0], s1  }
0x10f: {  	s0 =	simm.s32 @!p0 $0x5  }
0x110: {  	_ =	swait.ge @!p0 [sflag:s0], s1  }
0x111: {  	s1 =	ssub.s32 @!p0 $0x0, s1;
	[sflag:s0] =	ssyncset.done @!p0 $0x0  }
0x112: {  	[sflag:s0] =	ssyncadd.s32 @!p0 s1  }
0x113: {  	[bflag:$0x3] =	sbarrier.arrive $0xFFFF  }
0x114: {  	_ =	shalt  }

// kernel: sparse-core-data-format-call.1.cloned.1.call-start
scs
called_computation.1_lowered:
.L_overlay_start_0:
0x0: {  	s2 =	sld [smem:$0x3FD9]  }
0x1: {  	s3 =	sld [smem:$0x3FFE];
	_ =	sdelay $0x1  }
0x2: {  	s1 =	srdreg.scid  }
0x3: {  	s0 =	sand.u32 $0x1, s1  }
0x4: {  	s18 =	sshll.u32 s0, $0xA;
	s2 =	sadd.s32 s3, s2  }
0x5: {  	s2 =	sadd.s32 s2, s18  }
0x6: {  	[smem:$0x3FC4] =	sst s2  }
0x7: {  	_ = 	snop  }
0x8: {  	s2 =	sld [smem:$0x3FD0];
	(tm) =	ssettm $0x1  }
0x9: {  	s19 =	sld [smem:$0x3FFB];
	_ =	sdelay $0x3  }
0xa: {  	_ =	strace s19  }
0xb: {  	s3 =	sld [smem:$0x3FFC];
	_ =	sdelay $0x3  }
0xc: {  	_ =	strace s3  }
0xd: {  	s3 =	sld [smem:$0x3FFD];
	_ =	sdelay $0x3  }
0xe: {  	_ =	strace s3  }
0xf: {  	_ =	strace $0x8FFFFFFF  }
0x10: {  	s20 =	sld [smem:$0x3FDB];
	_ =	sdelay $0x1  }
0x11: {  	s4 =	simm.s32 $_scs_section_size  }
0x12: {  	s5 =	simm.s32 $_size__tile_overlayer_lowered;
	s6 =	simm.s32 $_tile_overlayer_lowered  }
0x13: {  	s23 =	simm.s32 $0x1BFF;
	s22 =	sshll.u32 s6, $0x1;
	s3 =	sadd.s32 s4, s20  }
0x14: {  	s7 =	simm.s32 $0x0;
	s21 =	sshll.u32 s5, $0x1;
	s5 =	sadd.s32 s22, s3  }
0x15: {  	[timem:s7], [sflag:s23] =	dma.local [hbm:s5], s21  }
0x16: {  	_ =	swait.ge [sflag:s23], s21  }
0x17: {  	s4 =	ssub.s32 $0x0, s21;
	[sflag:s23] =	ssyncset.done $0x0  }
0x18: {  	[sflag:s23] =	ssyncadd.s32 s4;
	_ =	sdelay $0x1  }
0x19: {  	s24 =	simm.s32 $0x1B8B  }
0x1a: {  	_ =	swait.ge [sflag:s24], $0x1  }
0x1b: {  	[sflag:s24] =	ssyncset.done $0x0  }
0x1c: {  	s26 =	simm.s32 $0x1B8E;
	s25 =	sld [smem:$0x3FFE];
	[sflag:s24] =	ssyncadd.s32 $0xFFFFFFFF  }
0x1d: {  	s27 =	simm.s32 $execute0_lowered;
	[smem:$0x3FD2] =	sst s26  }
0x1e: {  	s5 =	sshll.u32 s27, $0x1;
	_ =	strace $0x80000049;
	[dreg:$0x1] =	wrdreg $0xFFFFFFFF  }
0x1f: {  	s28 =	simm.s32 $_size_execute0_lowered;
	s3 =	sadd.s32 s3, s5;
	[dreg:$0x0] =	wrdreg $0x0  }
0x20: {  	s5 =	sshll.u32 s28, $0x1;
	[dreg:$0x2] =	wrdreg s3  }
0x21: {  	[dreg:$0x3] =	wrdreg s5  }
0x22: {  	[dreg:$0x4] =	wrdreg $0xC0  }
0x23: {  	_ =	task [dreg:s7], $0x5FFFF  }
0x24: {  	[dreg:$0x1] =	wrdreg $0xFFFFFFFF  }
0x25: {  	[dreg:$0x0] =	wrdreg $0x60  }
0x26: {  	[dreg:$0x2] =	wrdreg s25  }
0x27: {  	[dreg:$0x3] =	wrdreg s2  }
0x28: {  	[dreg:$0x4] =	wrdreg $0x9  }
0x29: {  	_ =	task.clear_ibuf [dreg:s7], $0x5FFFF;
	_ =	strace $0x90000049  }
0x2a: {  	s29 =	simm.s32 $0x9;
	_ =	strace $0x8000004B  }
0x2b: {  	_ =	swait.ge [sflag:s29], $0x1  }
0x2c: {  	[sflag:s29] =	ssyncadd.s32 $0xFFFFFFFF  }
0x2d: {  	_ =	strace $0x9000004B  }
0x2e: {  	_ =	sfence  }
0x2f: {  	s30 =	sld [smem:$0x0];
	_ =	sdelay $0x2  }
0x30: {  	s31 =	sshll.u32 s1, $0xD;
	s1 =	sshrl.u32 s1, $0x2  }
0x31: {  	s3 =	sand.u32 $0x4000, s31;
	s1 =	sadd.s32 s1, s30  }
0x32: {  	s0 =	sor.u32 s3, s0;
	s1 =	sshll.u32 s1, $0x11  }
0x33: {  	s0 =	sor.u32 s1, s0  }
0x34: {  	s0 =	sadd.s32 $0x8F2B, s0  }
0x35: {  	[sflag:s0] =	ssyncadd.remote.s32 $0x1  }
0x36: {  	_ =	sfence.sel $0xFFFF  }
0x37: {  	[dreg:$0x0] =	wrdreg $0xFFFFFFFF;
	(pc) =	sbr.abs _section_cstart, $3  }
0x38: {  	[dreg:$0x1] =	wrdreg $0xFFFFFFFF  }
0x39: {  	_ =	task.clear_ibuf [dreg:s7], $0x2FFFF;
	_ =	strace $0x9FFFFFFF  }
0x3a: {  	(tm) =	ssettm $0x7FFFFFFF  }
0x3b: {  	_ =	shalt  }
tec
execute0_lowered:
.L_overlay_start_1:
0x0: {  	(tag) =	ssettag $0x1  }
0x1: {  	s0 =	srdreg.scid  }
0x2: {  	s1 =	sshll.u32 s0, $0x4  }
0x3: {  	s6 =	rddreg [dreg:$0x0];
	s0 =	stileid.u32;
	s1 =	sand.u32 $0x10, s1  }
0x4: {  	s3 =	rddreg [dreg:$0x1];
	s1 =	sor.u32 s0, s1  }
0x5: {  	s5 =	simm.s32 $0x1;
	s31 =	simm.s32 $0x2;
	s2 =	sshll.u32 s1, $0x7  }
0x6: {  	s15 =	simm.s32 $0x0;
	s8 =	simm.s32 $0x20000;
	s4 =	ssub.s32 $0x4000, s2  }
0x7: {  	s14 =	simm.s32 $0x0;
	s9 =	simm.s32 $0x0;
	s30 =	sand.u32 $0xF80, s4  }
0x8: {  	s10 =	simm.s32 $0x0;
	s11 =	simm.s32 $0x0;
	p0 =	sne.s32 s30, $0x0  }
.Ltmp0:
0x9: {  	s7 =	sshrl.u32 s4, $0xC;
	s5 =	simm.s32 @!p0 $0x0;
	(pc) =	sbr.rel .LBB1_1-.Ltmp0, $4  }
0xa: {  	s13 =	simm.s32 $0x0;
	s1 =	rddreg [dreg:$0x2];
	s5 =	sadd.s32 s5, s7  }
0xb: {  	_ =	strace $0x8000004A;
	s4 =	simm.s32 $0x1;
	s5 =	smul.u32 $0x32, s5  }
0xc: {  	s6 =	sadd.s32 $0x1400, s6;
	s12 =	smov.u32 s2;
	[sflag:s4] =	ssyncpa.u1 $0x0  }
0xd: {  	[sflag:s31] =	ssyncpa.u1 $0x0;
	p0 =	por $0x0, $0x0;
	s7 =	sor.u32 $0x1, s5  }
.LBB1_4:
0xe: {  	s20 =	sshra.s32 s20, $0x2;
	s28 =	sshll.u32 s10, $0x3;
	p1 =	sgt.s32 s9, $0x31  }
0xf: {  	s21 =	smov.u32 s9;
	s23 =	sshra.s32 s9, $0x1F;
	s24 =	smov.u32 s10  }
0x10: {  	v5 =	vld [tilespmem:s17+$0xFFFFFFD0];
	[tilespmem:s18+$0x2040 ss:$0x81] =	vst.msk $0xffff, v4;
	s25 =	sshra.s32 s10, $0x1F;
	s26 =	sand.u32 $0x78, s10;
	s19 =	sadd.s32 s20, s19  }
0x11: {  	v58 =	vld [tilespmem:s17+$0xFFFFFFE0];
	[tilespmem:s18+$0x2850 ss:$0x81] =	vst.msk $0xffff, v3;
	s22 =	sshrl.u32 s28, $0xE;
	s21 =	simm.s32 @!p1 $0x31;
	s23 =	sand.u32 s23, s9  }
0x12: {  	v59 =	vld [tilespmem:s17+$0xFFFFFFF0];
	[tilespmem:s18+$0x3060 ss:$0x81] =	vst.msk $0xffff, v2;
	p1 =	sgt.s32 s10, $0x3F80;
	s29 =	sand.u32 s25, s10;
	s20 =	sand.u32 $0x3C00, s28  }
0x13: {  	v60 =	vld [tilespmem:s17+$0x0];
	[tilespmem:s18+$0x0 ss:$0x81] =	vst.msk $0xffff, v0;
	s28 =	smul.u32 $0x28000, s9;
	s21 =	ssub.s32 s21, s23;
	s24 =	simm.s32 @!p1 $0x3F80  }
0x14: {  	v61 =	vld [tilespmem:s17+$0x10];
	s30 =	smulhi.u32 $0x3333334, s22;
	[tilespmem:s19+$0x3870 ss:$0x81] =	vst.msk $0xffff, v1;
	s20 =	sor.u32 s26, s20;
	s31 =	ssub.s32 $0x32, s21  }
0x15: {  	v62 =	vld [tilespmem:s17+$0x20];
	s23 =	ssub.s32 s24, s29;
	s21 =	sadd.s32 $0xFFFFFFCF, s21;
	s25 =	smul.u32 $0x50, s31;
	[tilespmem:s19+$0x810 ss:$0x81] =	vst.msk $0xffff, v5  }
0x16: {  	v63 =	vld [tilespmem:s17+$0xFFFFFFC0];
	s18 =	smul.u32 $0x50, s30;
	p1 =	sgt.s32 s21, $0x0;
	s27 =	sadd.s32 $0xFFFFC080, s23;
	[tilespmem:s19+$0x1020 ss:$0x81] =	vst.msk $0xffff, v58  }
0x17: {  	s17 =	ssub.s32 $0x4000, s23;
	[tilespmem:s19+$0x1830 ss:$0x81] =	vst.msk $0xffff, v59;
	s25 =	simm.s32 @p1 $0x0;
	p1 =	sgt.s32 s27, $0x7F  }
0x18: {  	s29 =	sand.u32 $0x7, s10;
	[tilespmem:s19+$0x2040 ss:$0x81] =	vst.msk $0xffff, v60;
	s18 =	ssub.s32 s22, s18;
	s17 =	simm.s32 @p1 $0x0  }
0x19: {  	s21 =	sadd.s32 s3, s28;
	[tilespmem:s19+$0x2850 ss:$0x81] =	vst.msk $0xffff, v61;
	s18 =	sshll.u32 s18, $0xB;
	s17 =	smul.u32 s17, s25  }
0x1a: {  	s20 =	sshrl.u32 s20, $0x3;
	s30 =	sshll.u32 s29, $0x12;
	[tilespmem:s19+$0x3060 ss:$0x81] =	vst.msk $0xffff, v62;
	s18 =	sadd.s32 s18, s21  }
0x1b: {  	[tilespmem:s19+$0x0 ss:$0x81] =	vst.msk $0xffff, v63;
	s31 =	sor.u32 $0x400, s30;
	s18 =	sadd.s32 s20, s18;
	s17 =	sand.u32 $0x3FFFFFF0, s17  }
0x1c: {  	[hbm4b:s18+s31] =	stream.strided.scatter [tilespmem:s16], [sflag:$0x2], s17, s8, s31, $0x20;
	[tilespmem:$0x10100] =	vst v63  }
.LBB1_5:
0x1d: {  	p1 =	slt.u32 s13, $0x2  }
0x1e: {  	s17 =	smov.u32 s15;
	p2 =	sgt.s32 @!p1 s15, $0x31;
	s16 =	sshra.s32 @!p1 s15, $0x1F  }
0x1f: {  	p3 =	sgt.s32 @!p1 s14, $0x3F80;
	s18 =	sshra.s32 @!p1 s14, $0x1F;
	p2 =	por !p2, p1  }
0x20: {  	s15 =	sand.u32 @!p1 s16, s15;
	p3 =	por !p3, p1;
	s16 =	smov.u32 s14  }
0x21: {  	s14 =	sand.u32 @!p1 s18, s14;
	s17 =	simm.s32 @p2 $0x31;
	s16 =	simm.s32 @p3 $0x3F80  }
0x22: {  	s18 =	smov.u32 s12;
	s15 =	ssub.s32 @!p1 s17, s15;
	s14 =	ssub.s32 @!p1 s16, s14  }
0x23: {  	s16 =	sadd.s32 @!p1 $0xFFFFFFCF, s15;
	s15 =	ssub.s32 @!p1 $0x32, s15;
	s17 =	sadd.s32 @!p1 $0xFFFFC080, s14  }
0x24: {  	p2 =	sgt.s32 @!p1 s16, $0x0;
	s15 =	smul.u32 @!p1 $0x50, s15;
	p3 =	sgt.s32 @!p1 s17, $0x7F  }
0x25: {  	s14 =	ssub.s32 @!p1 $0x4000, s14;
	p2 =	por !p2, p1;
	p3 =	por !p3, p1  }
0x26: {  	s16 =	sadd.s32 $0x1, s11;
	s15 =	simm.s32 @!p2 $0x0;
	s14 =	simm.s32 @!p3 $0x0  }
0x27: {  	p2 =	sgt.s32 s16, $0x31;
	s14 =	smul.u32 @!p1 s14, s15;
	s15 =	sadd.s32 $0x1000, s12  }
0x28: {  	s18 =	smov.u32 @p2 s15  }
0x29: {  	s16 =	simm.s32 @p2 $0x0;
	p2 =	sgt.s32 s18, $0x3FFF  }
0x2a: {  	s18 =	smov.u32 @p2 s2;
	p2 =	sne.s32 s13, s7  }
.Ltmp1:
0x2b: {  	p0 =	por !p0, !p0;
	s17 =	simm.s32 @!p1 $0x2;
	(pc) =	sbr.rel @!p2 .LBB1_6-.Ltmp1, $4  }
0x2c: {  	s15 =	smov.u32 s9;
	s9 =	smov.u32 s11;
	s14 =	sand.u32 @!p1 $0x3FFFFFF0, s14  }
0x2d: {  	s11 =	smov.u32 s16;
	_ =	swait.ge @!p1 [sflag:s17], s14;
	s19 =	ssub.s32 @!p1 $0x0, s14  }
0x2e: {  	s14 =	smov.u32 s10;
	s13 =	sadd.s32 $0x1, s13;
	[sflag:s17] =	ssyncset.done @!p1 $0x0  }
0x2f: {  	s10 =	smov.u32 s12;
	s12 =	smov.u32 s18;
	[sflag:s17] =	ssyncadd.s32 @!p1 s19  }
.LBB1_1:
0x30: {  	p1 =	sge.u32 s13, s5  }
0x31: {  	s16 =	sand.u32 @!p1 $0x1FFFFFF, s11  }
0x32: {  	s17 =	smulhi.u32 @!p1 $0x4924925, s16;
	_ =	sdelay $0x1  }
0x33: {  	s17 =	smul.u32 @!p1 $0x38, s17  }
0x34: {  	s18 =	sxor.u32 @!p1 $0xFFFFFFFF, s13;
	s19 =	smul.u32 @!p1 $0x380, s12  }
0x35: {  	s31 =	sadd.s32 $0xFFFFFFFF, s13;
	s18 =	sshll.u32 @!p1 s18, $0xE;
	s16 =	ssub.s32 @!p1 s16, s17  }
0x36: {  	s17 =	sand.u32 @!p1 $0x4000, s18;
	s18 =	sadd.s32 @!p1 s6, s19;
	s16 =	sshll.u32 @!p1 s16, $0x4  }
0x37: {  	s19 =	simm.s32 @!p1 $0x1C00;
	s16 =	sadd.s32 @!p1 s16, s18;
	s18 =	simm.s32 @!p1 $0x80  }
0x38: {  	[tilespmem:s17], [sflag:$0x1] =	stream.strided.gather @!p1 [hbm4b:s16+s18], $0x4000, s19, s18, $0x38;
	[tilespmem:$0x10100] =	vst v63  }
0x39: {  	p1 =	sge.u32 s31, s5  }
.Ltmp2:
0x3a: {  	_ = 	snop;
	(pc) =	sbr.rel @p1 .LBB1_5-.Ltmp2, $1  }
0x3b: {  	_ =	sdelay $0x3  }
0x3c: {  	s16 =	simm.s32 $0x1  }
0x3d: {  	_ =	swait.ge [sflag:s4], $0x4000;
	s16 =	simm.s32 @!p0 $0x0  }
0x3e: {  	[sflag:s4] =	ssyncset.done $0x0;
	s17 =	sshll.u32 s16, $0xE  }
0x3f: {  	[sflag:s4] =	ssyncadd.s32 $0xFFFFC000;
	s17 =	sor.u32 $0x40, s17  }
0x40: {  	s16 =	smul.u32 $0x10200, s16;
	v0 =	vld [tilespmem:s17+$0x30]  }
0x41: {  	v1 =	vld [tilespmem:s17+$0xFFFFFFD0]  }
0x42: {  	s16 =	sshrl.u32 s16, $0x2;
	v5 =	vld [tilespmem:s17+$0xFFFFFFE0]  }
0x43: {  	v6 =	vld [tilespmem:s17+$0xFFFFFFF0];
	s19 =	sor.u32 $0x8000, s16  }
0x44: {  	s31 =	sand.u32 $0x1, s13;
	v4 =	vld [tilespmem:s17+$0x0];
	s18 =	sadd.s32 $0x0, s19  }
0x45: {  	v3 =	vld [tilespmem:s17+$0x10];
	s16 =	smul.u32 $0x10200, s31;
	[tilespmem:s18+$0x3870 ss:$0x81] =	vst.msk $0xffff, v0  }
0x46: {  	v2 =	vld [tilespmem:s17+$0x20];
	[tilespmem:s18+$0x810 ss:$0x81] =	vst.msk $0xffff, v1  }
0x47: {  	s16 =	sshrl.u32 s16, $0x2;
	v0 =	vld [tilespmem:s17+$0xFFFFFFC0];
	[tilespmem:s18+$0x1020 ss:$0x81] =	vst.msk $0xffff, v5;
	s17 =	sadd.s32 $0x80, s17  }
0x48: {  	s20 =	simm.s32 $0x4;
	s21 =	simm.s32 $0x8;
	s16 =	sor.u32 $0x8000, s16;
	[tilespmem:s18+$0x1830 ss:$0x81] =	vst.msk $0xffff, v6;
	v1 =	vld [tilespmem:s17+$0x30]  }
.LBB1_3:
0x49: {  	p1 =	sne.s32 s21, $0x1FC;
	v5 =	vld [tilespmem:s17+$0xFFFFFFD0];
	[tilespmem:s18+$0x2040 ss:$0x81] =	vst.msk $0xffff, v4  }
0x4a: {  	v6 =	vld [tilespmem:s17+$0xFFFFFFE0];
	[tilespmem:s18+$0x2850 ss:$0x81] =	vst.msk $0xffff, v3  }
0x4b: {  	s22 =	sshra.s32 s20, $0x2;
	s20 =	smov.u32 s21;
	v7 =	vld [tilespmem:s17+$0xFFFFFFF0];
	[tilespmem:s18+$0x3060 ss:$0x81] =	vst.msk $0xffff, v2  }
.Ltmp3:
0x4c: {  	v4 =	vld [tilespmem:s17+$0x0];
	[tilespmem:s18+$0x0 ss:$0x81] =	vst.msk $0xffff, v0;
	s18 =	sadd.s32 s22, s19;
	(pc) =	sbr.rel @p1 .LBB1_3-.Ltmp3, $4  }
0x4d: {  	v3 =	vld [tilespmem:s17+$0x10];
	[tilespmem:s18+$0x3870 ss:$0x81] =	vst.msk $0xffff, v1  }
0x4e: {  	[tilespmem:s18+$0x810 ss:$0x81] =	vst.msk $0xffff, v5;
	v2 =	vld [tilespmem:s17+$0x20]  }
0x4f: {  	v0 =	vld [tilespmem:s17+$0xFFFFFFC0];
	[tilespmem:s18+$0x1020 ss:$0x81] =	vst.msk $0xffff, v6;
	s17 =	sadd.s32 $0x80, s17  }
0x50: {  	s21 =	sadd.s32 $0x4, s21;
	v1 =	vld [tilespmem:s17+$0x30];
	[tilespmem:s18+$0x1830 ss:$0x81] =	vst.msk $0xffff, v7  }
.Ltmp4:
0x51: {  	_ = 	snop;
	(pc) =	sbr.rel .LBB1_4-.Ltmp4, $1  }
0x52: {  	_ =	sdelay $0x3  }
.LBB1_6:
0x53: {  	_ =	sfence.sel $0x180000  }
0x54: {  	s2 =	simm.s32 $0x1;
	[bflag:$0x0] =	sbarrier.arrive $0xFFFF  }
0x55: {  	s31 =	simm.s32 $0x2;
	[sflag:s2] =	ssyncpa.u1 $0x1  }
0x56: {  	[sflag:s31] =	ssyncpa.u1 $0x1  }
0x57: {  	p0 =	sne.s32 s0, $0x0;
	_ =	strace $0x9000004A  }
0x58: {  	s0 =	sadd.s32 @!p0 $0x100000, s1;
	[bflag:$0x2] =	sbarrier.arrive $0xFFFF  }
0x59: {  	[sflag:s0] =	ssyncadd.tile.s32 @!p0 $0x1;
	_ =	shalt  }
.Lfunc_end1:
_tile_overlayer_lowered:
.L_overlay_start_2:
0x5a: {  	(tag) =	ssettag $0x2  }
0x5b: {  	s0 =	rddreg [dreg:$0x0];
	s2 =	stileid.u32  }
0x5c: {  	s1 =	rddreg [dreg:$0x1];
	p0 =	sne.s32 s2, $0x0  }
0x5d: {  	s3 =	rddreg [dreg:$0x2];
	[bflag:$0x3] =	sbarrier.arrive $0xFFFF;
	s2 =	simm.s32 @!p0 $0x1C01  }
0x5e: {  	[timem:s3], [sflag:s2] =	dma.local @!p0 [hbm:s0], s1  }
0x5f: {  	s0 =	simm.s32 @!p0 $0x1  }
0x60: {  	_ =	swait.ge @!p0 [sflag:s0], s1  }
0x61: {  	s1 =	ssub.s32 @!p0 $0x0, s1;
	[sflag:s0] =	ssyncset.done @!p0 $0x0  }
0x62: {  	[sflag:s0] =	ssyncadd.s32 @!p0 s1  }
0x63: {  	[bflag:$0x3] =	sbarrier.arrive $0xFFFF  }
0x64: {  	_ =	shalt  }

// kernel: sparse-core-data-format-call.cloned.1.call-start
scs
called_computation_lowered:
.L_overlay_start_0:
0x0: {  	s2 =	sld [smem:$0x3FD9]  }
0x1: {  	s3 =	sld [smem:$0x3FFE];
	_ =	sdelay $0x1  }
0x2: {  	s1 =	srdreg.scid  }
0x3: {  	s0 =	sand.u32 $0x1, s1  }
0x4: {  	s18 =	sshll.u32 s0, $0xA;
	s2 =	sadd.s32 s3, s2  }
0x5: {  	s2 =	sadd.s32 s2, s18  }
0x6: {  	[smem:$0x3FC4] =	sst s2  }
0x7: {  	_ = 	snop  }
0x8: {  	s2 =	sld [smem:$0x3FD0];
	(tm) =	ssettm $0x1  }
0x9: {  	s19 =	sld [smem:$0x3FFB];
	_ =	sdelay $0x3  }
0xa: {  	_ =	strace s19  }
0xb: {  	s3 =	sld [smem:$0x3FFC];
	_ =	sdelay $0x3  }
0xc: {  	_ =	strace s3  }
0xd: {  	s3 =	sld [smem:$0x3FFD];
	_ =	sdelay $0x3  }
0xe: {  	_ =	strace s3  }
0xf: {  	_ =	strace $0x8FFFFFFF  }
0x10: {  	s20 =	sld [smem:$0x3FDB];
	_ =	sdelay $0x1  }
0x11: {  	s4 =	simm.s32 $_scs_section_size  }
0x12: {  	s5 =	simm.s32 $_size__tile_overlayer_lowered;
	s6 =	simm.s32 $_tile_overlayer_lowered  }
0x13: {  	s23 =	simm.s32 $0x1BFF;
	s22 =	sshll.u32 s6, $0x1;
	s3 =	sadd.s32 s4, s20  }
0x14: {  	s7 =	simm.s32 $0x0;
	s21 =	sshll.u32 s5, $0x1;
	s5 =	sadd.s32 s22, s3  }
0x15: {  	[timem:s7], [sflag:s23] =	dma.local [hbm:s5], s21  }
0x16: {  	_ =	swait.ge [sflag:s23], s21  }
0x17: {  	s4 =	ssub.s32 $0x0, s21;
	[sflag:s23] =	ssyncset.done $0x0  }
0x18: {  	[sflag:s23] =	ssyncadd.s32 s4;
	_ =	sdelay $0x1  }
0x19: {  	s24 =	simm.s32 $0x1B8B  }
0x1a: {  	_ =	swait.ge [sflag:s24], $0x1  }
0x1b: {  	[sflag:s24] =	ssyncset.done $0x0  }
0x1c: {  	s26 =	simm.s32 $0x1B8E;
	s25 =	sld [smem:$0x3FFE];
	[sflag:s24] =	ssyncadd.s32 $0xFFFFFFFF  }
0x1d: {  	s27 =	simm.s32 $execute0_lowered;
	[smem:$0x3FD2] =	sst s26  }
0x1e: {  	s5 =	sshll.u32 s27, $0x1;
	_ =	strace $0x8000004C;
	[dreg:$0x1] =	wrdreg $0xFFFFFFFF  }
0x1f: {  	s28 =	simm.s32 $_size_execute0_lowered;
	s3 =	sadd.s32 s3, s5;
	[dreg:$0x0] =	wrdreg $0x0  }
0x20: {  	s5 =	sshll.u32 s28, $0x1;
	[dreg:$0x2] =	wrdreg s3  }
0x21: {  	[dreg:$0x3] =	wrdreg s5  }
0x22: {  	[dreg:$0x4] =	wrdreg $0xC0  }
0x23: {  	_ =	task [dreg:s7], $0x5FFFF  }
0x24: {  	[dreg:$0x1] =	wrdreg $0xFFFFFFFF  }
0x25: {  	[dreg:$0x0] =	wrdreg $0x60  }
0x26: {  	[dreg:$0x2] =	wrdreg s25  }
0x27: {  	[dreg:$0x3] =	wrdreg s2  }
0x28: {  	[dreg:$0x4] =	wrdreg $0x9  }
0x29: {  	_ =	task.clear_ibuf [dreg:s7], $0x5FFFF;
	_ =	strace $0x9000004C  }
0x2a: {  	s29 =	simm.s32 $0x9;
	_ =	strace $0x8000004E  }
0x2b: {  	_ =	swait.ge [sflag:s29], $0x1  }
0x2c: {  	[sflag:s29] =	ssyncadd.s32 $0xFFFFFFFF  }
0x2d: {  	_ =	strace $0x9000004E  }
0x2e: {  	_ =	sfence  }
0x2f: {  	s30 =	sld [smem:$0x0];
	_ =	sdelay $0x2  }
0x30: {  	s31 =	sshll.u32 s1, $0xD;
	s1 =	sshrl.u32 s1, $0x2  }
0x31: {  	s3 =	sand.u32 $0x4000, s31;
	s1 =	sadd.s32 s1, s30  }
0x32: {  	s0 =	sor.u32 s3, s0;
	s1 =	sshll.u32 s1, $0x11  }
0x33: {  	s0 =	sor.u32 s1, s0  }
0x34: {  	s0 =	sadd.s32 $0x8F2B, s0  }
0x35: {  	[sflag:s0] =	ssyncadd.remote.s32 $0x1  }
0x36: {  	_ =	sfence.sel $0xFFFF  }
0x37: {  	[dreg:$0x0] =	wrdreg $0xFFFFFFFF;
	(pc) =	sbr.abs _section_cstart, $3  }
0x38: {  	[dreg:$0x1] =	wrdreg $0xFFFFFFFF  }
0x39: {  	_ =	task.clear_ibuf [dreg:s7], $0x2FFFF;
	_ =	strace $0x9FFFFFFF  }
0x3a: {  	(tm) =	ssettm $0x7FFFFFFF  }
0x3b: {  	_ =	shalt  }
tec
execute0_lowered:
.L_overlay_start_1:
0x0: {  	(tag) =	ssettag $0x1  }
0x1: {  	s0 =	srdreg.scid  }
0x2: {  	s31 =	rddreg [dreg:$0x0];
	s0 =	sshll.u32 s0, $0x4  }
0x3: {  	s1 =	stileid.u32;
	s3 =	rddreg [dreg:$0x1];
	s0 =	sand.u32 $0x10, s0  }
0x4: {  	s5 =	simm.s32 $0x1;
	_ =	strace $0x8000004D;
	s0 =	sor.u32 s1, s0  }
0x5: {  	s7 =	simm.s32 $0x2;
	s17 =	simm.s32 $0x0;
	s2 =	sshll.u32 s0, $0x8  }
0x6: {  	s8 =	simm.s32 $0x320000;
	s9 =	simm.s32 $0x0;
	s0 =	ssub.s32 $0x4000, s2  }
0x7: {  	s19 =	simm.s32 $0x0;
	s18 =	simm.s32 $0x0;
	s4 =	sand.u32 $0x1F00, s0  }
0x8: {  	s10 =	simm.s32 $0x0;
	s11 =	simm.s32 $0x0;
	p0 =	sne.s32 s4, $0x0  }
.Ltmp0:
0x9: {  	s0 =	sshrl.u32 s0, $0xD;
	s5 =	simm.s32 @!p0 $0x0;
	(pc) =	sbr.rel .LBB1_1-.Ltmp0, $4  }
0xa: {  	s12 =	simm.s32 $0x0;
	s14 =	simm.s32 $0x0;
	s0 =	sadd.s32 s5, s0  }
0xb: {  	s15 =	simm.s32 $0x0;
	s4 =	simm.s32 $0x1;
	s5 =	smul.u32 $0x4B, s0  }
0xc: {  	s16 =	simm.s32 $0x0;
	s6 =	sadd.s32 $0x1400, s31;
	[sflag:s4] =	ssyncpa.u1 $0x0  }
0xd: {  	s13 =	smov.u32 s2;
	[sflag:s7] =	ssyncpa.u1 $0x0;
	s7 =	sadd.s32 $0x1, s5  }
.LBB1_7:
0xe: {  	p0 =	slt.u32 s16, $0x2  }
0xf: {  	s0 =	smov.u32 s19;
	p1 =	sgt.s32 @!p0 s19, $0xC  }
0x10: {  	s1 =	sshra.s32 @!p0 s19, $0x1F;
	s20 =	sshra.s32 @!p0 s18, $0x1F;
	p1 =	por !p1, p0  }
0x11: {  	s1 =	sand.u32 @!p0 s1, s19;
	s0 =	simm.s32 @p1 $0xC;
	p1 =	sgt.s32 @!p0 s18, $0xC0  }
0x12: {  	s19 =	smov.u32 s18;
	p1 =	por !p1, p0;
	s0 =	ssub.s32 @!p0 s0, s1  }
0x13: {  	s1 =	sand.u32 @!p0 s20, s18;
	s19 =	simm.s32 @p1 $0xC0;
	s18 =	sadd.s32 @!p0 $0xFFFFFFF4, s0  }
0x14: {  	p1 =	sgt.s32 @!p0 s17, $0x3F00;
	s1 =	ssub.s32 @!p0 s19, s1;
	p2 =	sgt.s32 @!p0 s18, $0x7  }
0x15: {  	p1 =	por !p1, p0;
	s19 =	smov.u32 s17;
	s18 =	sadd.s32 @!p0 $0xFFFFFF40, s1  }
0x16: {  	s19 =	simm.s32 @p1 $0x3F00;
	p1 =	sgt.s32 @!p0 s18, $0x7;
	s18 =	sshra.s32 @!p0 s17, $0x1F  }
0x17: {  	s21 =	smov.u32 s14;
	s20 =	sadd.s32 $0x2000, s13;
	s17 =	sand.u32 @!p0 s18, s17  }
0x18: {  	s0 =	ssub.s32 @!p0 $0x14, s0;
	p2 =	por !p2, p0;
	s17 =	ssub.s32 @!p0 s19, s17  }
0x19: {  	s1 =	ssub.s32 @!p0 $0xC8, s1;
	p1 =	por !p1, p0;
	s18 =	sadd.s32 @!p0 $0xFFFFC100, s17  }
0x1a: {  	s0 =	simm.s32 @!p2 $0x0;
	s1 =	simm.s32 @!p1 $0x0;
	p1 =	sgt.s32 @!p0 s18, $0xFF  }
0x1b: {  	s0 =	smul.u32 @!p0 s1, s0;
	s1 =	ssub.s32 @!p0 $0x4000, s17;
	p1 =	por !p1, p0  }
0x1c: {  	s17 =	sadd.s32 $0x8, s14;
	s1 =	simm.s32 @!p1 $0x0;
	p1 =	sgt.s32 s20, $0x3FFF  }
0x1d: {  	s22 =	smov.u32 s15;
	s21 =	smov.u32 @p1 s17  }
0x1e: {  	s0 =	smul.u32 @!p0 s1, s0;
	s1 =	sadd.s32 $0x8, s15;
	p2 =	sgt.s32 s21, $0x13  }
0x1f: {  	s9 =	sadd.s32 $0x4000, s9;
	s19 =	smov.u32 s11;
	s22 =	smov.u32 @p2 s1  }
0x20: {  	s11 =	smov.u32 s14;
	s20 =	smov.u32 @p1 s2;
	p1 =	sgt.s32 s22, $0xC7  }
0x21: {  	s18 =	smov.u32 s12;
	s22 =	simm.s32 @p1 $0x0;
	p1 =	sne.s32 s16, s7  }
.Ltmp1:
0x22: {  	s12 =	smov.u32 s15;
	s17 =	smov.u32 s10;
	(pc) =	sbr.rel @!p1 .LBB1_8-.Ltmp1, $4  }
0x23: {  	s10 =	smov.u32 s13;
	s0 =	sand.u32 @!p0 $0x3FFFFFFF, s0;
	s1 =	simm.s32 @!p0 $0x2  }
0x24: {  	s13 =	smov.u32 s20;
	s21 =	simm.s32 @p2 $0x0;
	_ =	swait.ge @!p0 [sflag:s1], s0  }
0x25: {  	s0 =	ssub.s32 @!p0 $0x0, s0;
	s14 =	smov.u32 s21;
	[sflag:s1] =	ssyncset.done @!p0 $0x0  }
0x26: {  	s16 =	sadd.s32 $0x1, s16;
	[sflag:s1] =	ssyncadd.s32 @!p0 s0;
	s15 =	smov.u32 s22  }
.LBB1_1:
0x27: {  	p0 =	sge.u32 s16, s5  }
0x28: {  	s0 =	sshll.u32 @!p0 s14, $0xE  }
0x29: {  	s1 =	sshll.u32 @!p0 s13, $0x3;
	s0 =	sand.u32 @!p0 $0xFFFE0000, s0  }
0x2a: {  	s0 =	sadd.s32 @!p0 s0, s1  }
0x2b: {  	s31 =	sadd.s32 $0xFFFFFFFF, s16;
	s22 =	sshll.u32 @!p0 s14, $0x7;
	s0 =	sshrl.u32 @!p0 s0, $0xE  }
0x2c: {  	s23 =	sand.u32 @!p0 $0x78, s13;
	s22 =	sand.u32 @!p0 $0x380, s22;
	s21 =	smulhi.u32 @!p0 $0xAAAAAAB, s0  }
0x2d: {  	s20 =	sxor.u32 @!p0 $0xFFFFFFFF, s16;
	s22 =	sor.u32 @!p0 s22, s23;
	s23 =	smul.u32 @!p0 $0xC000, s15  }
0x2e: {  	s20 =	sshll.u32 @!p0 s20, $0xE;
	s1 =	sand.u32 @!p0 $0x3C00, s1;
	s21 =	smul.u32 @!p0 $0x18, s21  }
0x2f: {  	s20 =	sand.u32 @!p0 $0x4000, s20;
	s1 =	sor.u32 @!p0 s1, s22;
	s22 =	sand.u32 @!p0 $0x7, s13  }
0x30: {  	s1 =	sshrl.u32 @!p0 s1, $0x3;
	s0 =	ssub.s32 @!p0 s0, s21;
	s21 =	sadd.s32 @!p0 s6, s23  }
0x31: {  	s0 =	sshll.u32 @!p0 s0, $0xB;
	s1 =	sadd.s32 @!p0 s1, s21;
	s21 =	sshll.u32 @!p0 s22, $0x12  }
0x32: {  	s0 =	sadd.s32 @!p0 s0, s1;
	s1 =	sor.u32 @!p0 $0x800, s21;
	s21 =	simm.s32 @!p0 $0x60000  }
0x33: {  	[tilespmem:s20], [sflag:$0x1] =	stream.strided.gather @!p0 [hbm4b:s0+s1], $0x4000, s21, s1, $0x38;
	[tilespmem:$0x10000] =	vst v63  }
0x34: {  	p0 =	sge.u32 s31, s5  }
.Ltmp2:
0x35: {  	_ = 	snop;
	(pc) =	sbr.rel @p0 .LBB1_7-.Ltmp2, $1  }
0x36: {  	_ =	sdelay $0x3  }
0x37: {  	s0 =	sshll.u32 s9, $0x2  }
0x38: {  	_ =	swait.ge [sflag:s4], $0x4000;
	s1 =	sshll.u32 s16, $0xE;
	s25 =	simm.s32 $0x0  }
0x39: {  	p0 =	por $0x0, $0x0;
	s26 =	simm.s32 $0x0;
	s27 =	simm.s32 $0x0  }
0x3a: {  	s0 =	sand.u32 $0x10000, s0;
	[sflag:s4] =	ssyncset.done $0x0;
	s23 =	sand.u32 $0x4000, s1  }
0x3b: {  	s0 =	sshrl.u32 s0, $0x2;
	[sflag:s4] =	ssyncadd.s32 $0xFFFFC000;
	s20 =	sor.u32 $0x8000, s23  }
0x3c: {  	s21 =	sor.u32 $0x40, s0;
	s22 =	sor.u32 $0x8410, s0;
	s24 =	sadd.s32 $0x8400, s0  }
.LBB1_3:
0x3d: {  	v1 =	vld [tilespmem:s21+$0xFFFFFFD0]  }
0x3e: {  	v2 =	vld [tilespmem:s21+$0x430]  }
0x3f: {  	s0 =	sshll.u32 s27, $0xB;
	v4 =	vld [tilespmem:s21+$0xFFFFFFE0]  }
0x40: {  	v7 =	vld [tilespmem:s21+$0xFFFFFFF0];
	v0 =	vmov s0  }
0x41: {  	v8 =	vld [tilespmem:s21+$0x0]  }
0x42: {  	v9 =	vld [tilespmem:s21+$0x10];
	s0 =	sand.u32 $0x300, s25  }
0x43: {  	s1 =	sand.u32 $0x80, s25;
	v10 =	vld [tilespmem:s21+$0x20];
	s0 =	sadd.s32 s0, s23  }
0x44: {  	v11 =	vld [tilespmem:s21+$0x30];
	s0 =	sadd.s32 s1, s0;
	s1 =	simm.s32 $0x1;
	[tilespmem:s22+$0x60] =	vst v2  }
0x45: {  	s1 =	simm.s32 @!p0 $0x0;
	[tilespmem:s22+$0xFFFFFC00] =	vst v1;
	v3 =	vld.idx.msk [tilespmem:v0+s0+$0x400 ss:$0x1], $0xffff;
	s0 =	sshll.u32 s26, $0x2  }
0x46: {  	v6 =	vld [tilespmem:s21+$0x3D0];
	s1 =	sshll.u32 s1, $0x9;
	[tilespmem:s22+$0xFFFFFC10] =	vst v4;
	s0 =	sand.u32 $0xFFFFFC00, s0  }
0x47: {  	v5 =	vld [tilespmem:s21+$0x3E0];
	[tilespmem:s22+$0xFFFFFC20] =	vst v7;
	s0 =	sor.u32 s1, s0  }
0x48: {  	[tilespmem:s22+$0xFFFFFC30] =	vst v8;
	v4 =	vld [tilespmem:s21+$0x400];
	s0 =	sshrl.u32 s0, $0x2  }
0x49: {  	[tilespmem:s22+$0xFFFFFC40] =	vst v9;
	v1 =	vld [tilespmem:s21+$0x410];
	s28 =	sadd.s32 s0, s24  }
0x4a: {  	[tilespmem:s28+$0x0] =	vst v3;
	v3 =	vld [tilespmem:s21+$0x3F0]  }
0x4b: {  	s31 =	simm.s32 $0x100;
	[tilespmem:s22+$0xFFFFFC50] =	vst v10;
	v2 =	vld [tilespmem:s21+$0x420];
	s1 =	simm.s32 $0x80  }
0x4c: {  	s29 =	sadd.s32 $0x80, s21;
	s30 =	smov.u32 s22;
	v7 =	vld [tilespmem:s21+$0xFFFFFFC0];
	[tilespmem:s22+$0xFFFFFC60] =	vst v11;
	s0 =	sand.u32 $0x300, s1  }
.LBB1_4:
0x4d: {  	p1 =	sne.s32 s31, $0x380;
	v8 =	vld [tilespmem:s29+$0xFFFFFFD0];
	s1 =	sand.u32 $0x80, s1;
	s0 =	sadd.s32 s0, s23;
	[tilespmem:s30+$0x0] =	vst v6  }
0x4e: {  	s0 =	sadd.s32 s1, s0;
	v6 =	vld [tilespmem:s29+$0x430];
	[tilespmem:s30+$0x10] =	vst v5;
	s1 =	smov.u32 s31  }
0x4f: {  	v5 =	vld.idx.msk [tilespmem:v0+s0+$0x400 ss:$0x1], $0xffff;
	[tilespmem:s30+$0x20] =	vst v3  }
0x50: {  	v3 =	vld [tilespmem:s29+$0xFFFFFFE0];
	[tilespmem:s30+$0x30] =	vst v4  }
0x51: {  	v4 =	vld [tilespmem:s29+$0xFFFFFFF0];
	[tilespmem:s30+$0xFFFFFBF0] =	vst v7  }
0x52: {  	v7 =	vld [tilespmem:s29+$0x0];
	[tilespmem:s30+$0x40] =	vst v1  }
0x53: {  	v1 =	vld [tilespmem:s29+$0x10];
	[tilespmem:s30+$0x50] =	vst v2;
	s30 =	sadd.s32 $0x800, s30  }
0x54: {  	s28 =	sadd.s32 $0x800, s28;
	v2 =	vld [tilespmem:s29+$0x20];
	[tilespmem:s30+$0x60] =	vst v6  }
0x55: {  	v9 =	vld [tilespmem:s29+$0x30];
	[tilespmem:s28+$0x0] =	vst v5  }
0x56: {  	[tilespmem:s30+$0xFFFFFC00] =	vst v8;
	v6 =	vld [tilespmem:s29+$0x3D0]  }
0x57: {  	[tilespmem:s30+$0xFFFFFC10] =	vst v3;
	v5 =	vld [tilespmem:s29+$0x3E0]  }
.Ltmp3:
0x58: {  	[tilespmem:s30+$0xFFFFFC20] =	vst v4;
	v3 =	vld [tilespmem:s29+$0x3F0];
	(pc) =	sbr.rel @p1 .LBB1_4-.Ltmp3, $4  }
0x59: {  	[tilespmem:s30+$0xFFFFFC30] =	vst v7;
	v4 =	vld [tilespmem:s29+$0x400]  }
0x5a: {  	[tilespmem:s30+$0xFFFFFC40] =	vst v1;
	v1 =	vld [tilespmem:s29+$0x410]  }
0x5b: {  	[tilespmem:s30+$0xFFFFFC50] =	vst v2;
	v2 =	vld [tilespmem:s29+$0x420]  }
0x5c: {  	s31 =	sadd.s32 $0x80, s31;
	s0 =	sand.u32 $0x300, s1;
	v7 =	vld [tilespmem:s29+$0xFFFFFFC0];
	[tilespmem:s30+$0xFFFFFC60] =	vst v9;
	s29 =	sadd.s32 $0x80, s29  }
0x5d: {  	[tilespmem:s30+$0x0] =	vst v6  }
0x5e: {  	[tilespmem:s30+$0x10] =	vst v5  }
0x5f: {  	v49 =	vld [tilespmem:s29+$0x430];
	[tilespmem:s30+$0x20] =	vst v3  }
0x60: {  	v50 =	vld [tilespmem:s29+$0xFFFFFFD0];
	[tilespmem:s30+$0x30] =	vst v4  }
0x61: {  	v51 =	vld [tilespmem:s29+$0xFFFFFFE0];
	[tilespmem:s30+$0x40] =	vst v1  }
0x62: {  	v52 =	vld [tilespmem:s29+$0xFFFFFFF0];
	[tilespmem:s30+$0x50] =	vst v2  }
0x63: {  	v53 =	vld [tilespmem:s29+$0x0];
	[tilespmem:s30+$0xFFFFFBF0] =	vst v7;
	s30 =	sadd.s32 $0x800, s30  }
0x64: {  	v54 =	vld [tilespmem:s29+$0x10];
	[tilespmem:s30+$0x60] =	vst v49  }
0x65: {  	v55 =	vld [tilespmem:s29+$0x20];
	[tilespmem:s30+$0xFFFFFC00] =	vst v50  }
0x66: {  	v56 =	vld [tilespmem:s29+$0x30];
	[tilespmem:s30+$0xFFFFFC10] =	vst v51  }
0x67: {  	v57 =	vld [tilespmem:s29+$0x3D0];
	[tilespmem:s30+$0xFFFFFC20] =	vst v52  }
0x68: {  	v58 =	vld [tilespmem:s29+$0x3E0];
	[tilespmem:s30+$0xFFFFFC30] =	vst v53  }
0x69: {  	v59 =	vld [tilespmem:s29+$0x3F0];
	[tilespmem:s30+$0xFFFFFC40] =	vst v54  }
0x6a: {  	v60 =	vld [tilespmem:s29+$0x400];
	[tilespmem:s30+$0xFFFFFC50] =	vst v55  }
0x6b: {  	v61 =	vld [tilespmem:s29+$0xFFFFFFC0];
	[tilespmem:s30+$0xFFFFFC60] =	vst v56  }
0x6c: {  	s1 =	sand.u32 $0x80, s1;
	s0 =	sadd.s32 s0, s23;
	v62 =	vld [tilespmem:s29+$0x410];
	[tilespmem:s30+$0x0] =	vst v57  }
0x6d: {  	v63 =	vld [tilespmem:s29+$0x420];
	s27 =	sadd.s32 $0x1, s27;
	s0 =	sadd.s32 s1, s0;
	[tilespmem:s30+$0x10] =	vst v58  }
0x6e: {  	p1 =	sne.s32 s27, $0x8;
	v0 =	vld.idx.msk [tilespmem:v0+s0+$0x400 ss:$0x1], $0xffff;
	[tilespmem:s30+$0x20] =	vst v59  }
.Ltmp4:
0x6f: {  	[tilespmem:s30+$0x30] =	vst v60;
	(pc) =	sbr.rel @p1 .LBB1_3-.Ltmp4, $4  }
0x70: {  	[tilespmem:s30+$0xFFFFFBF0] =	vst v61  }
0x71: {  	[tilespmem:s30+$0x40] =	vst v62  }
0x72: {  	s31 =	sadd.s32 $0x800, s28;
	s21 =	sadd.s32 $0x800, s21;
	[tilespmem:s30+$0x50] =	vst v63  }
0x73: {  	s26 =	sadd.s32 $0x80, s26;
	p0 =	por !p0, !p0;
	s22 =	sadd.s32 $0x80, s22;
	[tilespmem:s31+$0x0] =	vst v0  }
0x74: {  	s0 =	sshll.u32 s12, $0xE;
	s1 =	sshll.u32 s10, $0x3;
	p0 =	sgt.s32 s11, $0xC  }
0x75: {  	s21 =	smov.u32 s11;
	s22 =	sshra.s32 s11, $0x1F;
	s24 =	sshra.s32 s12, $0x1F  }
0x76: {  	s25 =	sshra.s32 s10, $0x1F;
	s30 =	sshll.u32 s12, $0x7;
	s0 =	sand.u32 $0xFFFE0000, s0  }
0x77: {  	s21 =	simm.s32 @!p0 $0xC;
	s22 =	sand.u32 s22, s11;
	p0 =	sgt.s32 s12, $0xC0  }
0x78: {  	s26 =	sand.u32 s24, s12;
	s28 =	sand.u32 s25, s10;
	s24 =	sand.u32 $0x380, s30  }
0x79: {  	s0 =	sadd.s32 s0, s1;
	s21 =	ssub.s32 s21, s22;
	s22 =	smov.u32 s12  }
0x7a: {  	s1 =	sand.u32 $0x3C00, s1;
	s0 =	sshrl.u32 s0, $0xE;
	s23 =	sadd.s32 $0xFFFFFFF4, s21  }
0x7b: {  	s22 =	simm.s32 @!p0 $0xC0;
	s21 =	ssub.s32 $0x14, s21;
	p0 =	sgt.s32 s23, $0x7  }
0x7c: {  	s22 =	ssub.s32 s22, s26;
	s23 =	smov.u32 s10;
	s29 =	smulhi.u32 $0x147AE15, s0  }
0x7d: {  	s26 =	sand.u32 $0x78, s10;
	s21 =	simm.s32 @p0 $0x0;
	p0 =	sgt.s32 s10, $0x3F00  }
0x7e: {  	s27 =	sadd.s32 $0xFFFFFF40, s22;
	s22 =	ssub.s32 $0xC8, s22;
	s25 =	smul.u32 $0xC8, s29  }
0x7f: {  	s23 =	simm.s32 @!p0 $0x3F00;
	p0 =	sgt.s32 s27, $0x7;
	s27 =	smul.u32 $0x64000, s11  }
0x80: {  	s29 =	sand.u32 $0x7, s10;
	s22 =	simm.s32 @p0 $0x0;
	s23 =	ssub.s32 s23, s28  }
0x81: {  	s21 =	smul.u32 s22, s21;
	s31 =	sadd.s32 $0xFFFFC100, s23;
	s23 =	ssub.s32 $0x4000, s23  }
0x82: {  	s22 =	sor.u32 s24, s26;
	s0 =	ssub.s32 s0, s25;
	p0 =	sgt.s32 s31, $0xFF  }
.Ltmp5:
0x83: {  	s1 =	sor.u32 s1, s22;
	s23 =	simm.s32 @p0 $0x0;
	(pc) =	sbr.rel .LBB1_7-.Ltmp5, $4  }
0x84: {  	s28 =	sadd.s32 s3, s27;
	s1 =	sshrl.u32 s1, $0x3;
	s21 =	smul.u32 s23, s21  }
0x85: {  	s30 =	sshll.u32 s29, $0x12;
	s0 =	sshll.u32 s0, $0xB;
	s1 =	sadd.s32 s1, s28  }
0x86: {  	s31 =	sor.u32 $0x800, s30;
	s0 =	sadd.s32 s0, s1;
	s21 =	sand.u32 $0x3FFFFFFF, s21  }
0x87: {  	[hbm4b:s0+s31] =	stream.strided.scatter [tilespmem:s20], [sflag:$0x2], s21, s8, s31, $0x38;
	[tilespmem:$0x10000] =	vst v63  }
.LBB1_8:
0x88: {  	_ =	sfence.sel $0x180000  }
0x89: {  	s0 =	simm.s32 $0x1;
	[bflag:$0x0] =	sbarrier.arrive $0xFFFF  }
0x8a: {  	s30 =	simm.s32 $0x2;
	[sflag:s0] =	ssyncpa.u1 $0x1  }
0x8b: {  	[sflag:s30] =	ssyncpa.u1 $0x1  }
0x8c: {  	_ =	strace $0x9000004D  }
0x8d: {  	s31 =	stileid.u32;
	[bflag:$0x2] =	sbarrier.arrive $0xFFFF  }
0x8e: {  	p0 =	sne.s32 s31, $0x0;
	s0 =	rddreg [dreg:$0x2]  }
0x8f: {  	s0 =	sadd.s32 @!p0 $0x100000, s0  }
0x90: {  	[sflag:s0] =	ssyncadd.tile.s32 @!p0 $0x1;
	_ =	shalt  }
.Lfunc_end1:
_tile_overlayer_lowered:
.L_overlay_start_2:
0x91: {  	(tag) =	ssettag $0x2  }
0x92: {  	s0 =	rddreg [dreg:$0x0];
	s2 =	stileid.u32  }
0x93: {  	s1 =	rddreg [dreg:$0x1];
	p0 =	sne.s32 s2, $0x0  }
0x94: {  	s3 =	rddreg [dreg:$0x2];
	[bflag:$0x3] =	sbarrier.arrive $0xFFFF;
	s2 =	simm.s32 @!p0 $0x1C01  }
0x95: {  	[timem:s3], [sflag:s2] =	dma.local @!p0 [hbm:s0], s1  }
0x96: {  	s0 =	simm.s32 @!p0 $0x1  }
0x97: {  	_ =	swait.ge @!p0 [sflag:s0], s1  }
0x98: {  	s1 =	ssub.s32 @!p0 $0x0, s1;
	[sflag:s0] =	ssyncset.done @!p0 $0x0  }
0x99: {  	[sflag:s0] =	ssyncadd.s32 @!p0 s1  }
0x9a: {  	[bflag:$0x3] =	sbarrier.arrive $0xFFFF  }
0x9b: {  	_ =	shalt  }

</sc_bundles>
